<compile_context>
chip_gen: v7x
topology: tpu7x:2x2x1
jax: 0.10.2.dev20260603
libtpu: 0.0.44.dev20260713+nightly
codegen_flags: <defaults>
</compile_context>

<pallas_src>
import functools
import math

import jax
import jax.numpy as jnp
from jax import lax
from jax.experimental import pallas as pl
from jax.experimental.pallas import tpu as pltpu
from jax.experimental.pallas import tpu_sc as plsc



def _uv_body(W, H, ld_ref, i00_ref, i01_ref, i10_ref, i11_ref,
             e0_ref, e1_ref, wx_ref, wy_ref):
    x = ld_ref[0, :]
    y = ld_ref[1, :]
    z = ld_ref[2, :]
    norm = jnp.sqrt(x * x + y * y + z * z)
    yn = y / norm
    yc = jnp.clip(yn, -1.0 + 1e-06, 1.0 - 1e-06)
    theta = jnp.arctan2(jnp.sqrt((1.0 + yc) * (1.0 - yc)), yc)
    phi = jnp.arctan2(x, z)
    u = phi / (2.0 * math.pi) + 0.5
    u = u - jnp.floor(u)
    v = theta / math.pi
    xf = jnp.clip(u * W, 0.0, W - 1.0)
    yf = jnp.clip(v * H, 0.0, H - 1.0)
    x0f = jnp.floor(xf)
    y0f = jnp.floor(yf)
    wx_ref[...] = xf - x0f
    wy_ref[...] = yf - y0f
    x0 = x0f.astype(jnp.int32)
    y0 = y0f.astype(jnp.int32)
    x1 = jnp.minimum(x0 + 1, int(W) - 1)
    y1 = jnp.minimum(y0 + 1, int(H) - 1)
    W4 = int(W) // 4
    k = x0 >> 2
    kb = jnp.minimum(k + 1, W4 - 1)
    i00_ref[...] = y0 * W4 + k
    i01_ref[...] = y0 * W4 + kb
    i10_ref[...] = y1 * W4 + k
    i11_ref[...] = y1 * W4 + kb
    e0_ref[...] = x0 & 3
    e1_ref[...] = x1 - (k << 2)


def _uv_kernel(ldT, H, W, TB=8192):
    B = ldT.shape[1]
    G = B // TB
    iout = jax.ShapeDtypeStruct((B,), jnp.int32)
    fout = jax.ShapeDtypeStruct((B,), jnp.float32)
    ospec = pl.BlockSpec((TB,), lambda i: (i,))
    outs = pl.pallas_call(
        functools.partial(_uv_body, float(W), float(H)),
        grid=(G,),
        in_specs=[pl.BlockSpec((3, TB), lambda i: (0, i))],
        out_specs=[ospec] * 8,
        out_shape=[iout, iout, iout, iout, iout, iout, fout, fout],
    )(ldT)
    return outs


def _env16_kernel(envmap, M=4096):
    H, W = envmap.shape[1], envmap.shape[2]
    HW = H * W
    env_flat = envmap.reshape(3 * HW)
    info = plsc.get_sparse_core_info()
    NC, NS = info.num_cores, info.num_subcores
    NW = NC * NS
    TPW = HW // NW
    NCHUNK = TPW // M
    GROUPS = M // _LANES

    mesh = plsc.VectorSubcoreMesh(core_axis_name="c", subcore_axis_name="s")

    assert NCHUNK % 2 == 0

    @functools.partial(
        pl.kernel,
        out_type=jax.ShapeDtypeStruct((HW // 4, 16), jnp.float32),
        mesh=mesh,
        scratch_types=[
            pltpu.VMEM((3, M), jnp.float32),
            pltpu.VMEM((M // 4, 16), jnp.float32),
            pltpu.VMEM((3, M), jnp.float32),
            pltpu.VMEM((M // 4, 16), jnp.float32),
            pltpu.SemaphoreType.DMA,
            pltpu.SemaphoreType.DMA,
            pltpu.SemaphoreType.DMA,
            pltpu.SemaphoreType.DMA,
        ],
        compiler_params=pltpu.CompilerParams(
            needs_layout_passes=False, use_tc_tiling_on_sc=False),
    )
    def body(env_hbm, out_hbm, pvA, ovA, pvB, ovB, sinA, soutA, sinB, soutB):
        wid = lax.axis_index("s") * NC + lax.axis_index("c")
        base = wid * TPW
        iota = lax.iota(jnp.int32, _LANES)
        sets = ((pvA, ovA, sinA, soutA), (pvB, ovB, sinB, soutB))

        def fire_in(t, p):
            pv, ov, sin, sout = sets[p]
            t0 = base + t * M
            for c in range(3):
                pltpu.async_copy(env_hbm.at[pl.ds(c * HW + t0, M)],
                                 pv.at[c], sin)

        def process(t, p):
            pv, ov, sin, sout = sets[p]
            t0 = base + t * M
            for c in range(3):
                pltpu.make_async_copy(env_hbm.at[pl.ds(0, M)],
                                      pv.at[c], sin).wait()

            @pl.when(t >= 2)
            def _():
                pltpu.make_async_copy(ov, out_hbm.at[pl.ds(0, M // 4)],
                                      sout).wait()

            def group(g, gcarry):
                s = pl.ds(g * _LANES, _LANES)
                tt = g * _LANES + iota
                rows = tt >> 2
                colbase = (tt & 3) << 2
                for c in range(3):
                    plsc.store_scatter(ov, [rows, colbase + c], pv[c, s])
                return gcarry

            lax.fori_loop(0, GROUPS, group, 0)
            pltpu.async_copy(ov, out_hbm.at[pl.ds(t0 // 4, M // 4)], sout)

            @pl.when(t + 2 < NCHUNK)
            def _():
                fire_in(t + 2, p)

        fire_in(0, 0)
        fire_in(1, 1)

        def piter(i, carry):
            T = 2 * i
            process(T, 0)
            process(T + 1, 1)
            return carry

        lax.fori_loop(0, NCHUNK // 2, piter, 0)
        for p in range(2):
            pv, ov, sin, sout = sets[p]
            pltpu.make_async_copy(ov, out_hbm.at[pl.ds(0, M // 4)],
                                  sout).wait()

    return body(env_flat)



_LANES = 16


def _sc_gather_combine(env16, i00, i01, i10, i11, e0, e1, wx, wy, C=512):
    B = i00.shape[0]
    info = plsc.get_sparse_core_info()
    NC, NS = info.num_cores, info.num_subcores
    NW = NC * NS
    RW = B // NW
    NCHUNK = RW // C
    GROUPS = C // _LANES
    assert NCHUNK % 2 == 0

    mesh = plsc.VectorSubcoreMesh(core_axis_name="c", subcore_axis_name="s")
    fout = jax.ShapeDtypeStruct((B,), jnp.float32)

    buf_set = [
        pltpu.VMEM((4, C), jnp.int32),
        pltpu.VMEM((2, C), jnp.int32),
        pltpu.VMEM((4 * C, 16), jnp.float32),
        pltpu.VMEM((2, C), jnp.float32),
    ]

    @functools.partial(
        pl.kernel,
        out_type=[fout, fout, fout],
        mesh=mesh,
        scratch_types=buf_set + buf_set + [
            pltpu.VMEM((3, C), jnp.float32),
            pltpu.SemaphoreType.DMA,
            pltpu.SemaphoreType.DMA,
            pltpu.SemaphoreType.DMA,
            pltpu.SemaphoreType.DMA,
            pltpu.SemaphoreType.DMA,
            pltpu.SemaphoreType.DMA,
        ],
        compiler_params=pltpu.CompilerParams(
            needs_layout_passes=False, use_tc_tiling_on_sc=False),
    )
    def body(env_hbm, i00_hbm, i01_hbm, i10_hbm, i11_hbm,
             e0_hbm, e1_hbm, wx_hbm, wy_hbm,
             le0_hbm, le1_hbm, le2_hbm,
             icA, evA, txA, wA, icB, evB, txB, wB, out_v,
             semA, semB, sinA, sinB, swA, swB):
        wid = lax.axis_index("s") * NC + lax.axis_index("c")
        base = wid * RW
        iota = lax.iota(jnp.int32, _LANES)
        corners = (i00_hbm, i01_hbm, i10_hbm, i11_hbm)
        evws = (e0_hbm, e1_hbm)
        sets = ((icA, evA, txA, wA, semA, sinA, swA),
                (icB, evB, txB, wB, semB, sinB, swB))

        def fire_ic(t, p):
            ic, ev, tx, w, sem, sin, sw = sets[p]
            b0 = base + t * C
            for corner in range(4):
                pltpu.async_copy(corners[corner].at[pl.ds(b0, C)],
                                 ic.at[corner], sin)

        def fire_w(t, p):
            ic, ev, tx, w, sem, sin, sw = sets[p]
            b0 = base + t * C
            pltpu.async_copy(e0_hbm.at[pl.ds(b0, C)], ev.at[0], sw)
            pltpu.async_copy(e1_hbm.at[pl.ds(b0, C)], ev.at[1], sw)
            pltpu.async_copy(wx_hbm.at[pl.ds(b0, C)], w.at[0], sw)
            pltpu.async_copy(wy_hbm.at[pl.ds(b0, C)], w.at[1], sw)

        def buildfire(p):
            ic, ev, tx, w, sem, sin, sw = sets[p]
            for corner in range(4):
                pltpu.make_async_copy(i00_hbm.at[pl.ds(0, C)],
                                      ic.at[corner], sin).wait()
            for corner in range(4):
                pltpu.async_copy(env_hbm.at[ic.at[corner]],
                                 tx.at[pl.ds(corner * C, C)], sem)

        def drain(p):
            ic, ev, tx, w, sem, sin, sw = sets[p]
            for j in range(4):
                pltpu.make_async_copy(env_hbm.at[pl.ds(0, C)],
                                      tx.at[pl.ds(j * C, C)], sem).wait()

        def combine_out(t, p):
            ic, ev, tx, w, sem, sin, sw = sets[p]
            b0 = base + t * C
            for j in range(2):
                pltpu.make_async_copy(e0_hbm.at[pl.ds(0, C)],
                                      ev.at[j], sw).wait()
            for j in range(2):
                pltpu.make_async_copy(wx_hbm.at[pl.ds(0, C)],
                                      w.at[j], sw).wait()

            def group(g, gcarry):
                s = pl.ds(g * _LANES, _LANES)
                ray = g * _LANES + iota
                e0v = ev[0, s]
                e1v = ev[1, s]
                wxv = w[0, s]
                wyv = w[1, s]
                c0 = e0v << 2
                isb = e1v >= 4
                off1 = jnp.where(isb, C, 0)
                c1 = jnp.where(isb, 0, e1v << 2)
                ra0 = ray
                rb0 = ray + off1
                ra1 = ray + 2 * C
                rb1 = ra1 + off1
                for ch in range(3):
                    v00 = plsc.load_gather(tx, [ra0, c0 + ch])
                    v01 = plsc.load_gather(tx, [rb0, c1 + ch])
                    v10 = plsc.load_gather(tx, [ra1, c0 + ch])
                    v11 = plsc.load_gather(tx, [rb1, c1 + ch])
                    top = v00 + wxv * (v01 - v00)
                    bot = v10 + wxv * (v11 - v10)
                    out_v[ch, s] = (top + wyv * (bot - top)) * (1.0 / 256.0)
                return gcarry

            lax.fori_loop(0, GROUPS, group, 0)
            pltpu.sync_copy(out_v.at[0], le0_hbm.at[pl.ds(b0, C)])
            pltpu.sync_copy(out_v.at[1], le1_hbm.at[pl.ds(b0, C)])
            pltpu.sync_copy(out_v.at[2], le2_hbm.at[pl.ds(b0, C)])

        fire_ic(0, 0)
        fire_w(0, 0)
        fire_ic(1, 1)
        fire_w(1, 1)
        buildfire(0)
        buildfire(1)

        def piter(i, carry):
            T = 2 * i
            drain(0)

            @pl.when(T + 2 < NCHUNK)
            def _():
                fire_ic(T + 2, 0)

            combine_out(T, 0)

            @pl.when(T + 2 < NCHUNK)
            def _():
                fire_w(T + 2, 0)
                buildfire(0)

            drain(1)

            @pl.when(T + 3 < NCHUNK)
            def _():
                fire_ic(T + 3, 1)

            combine_out(T + 1, 1)

            @pl.when(T + 3 < NCHUNK)
            def _():
                fire_w(T + 3, 1)
                buildfire(1)
            return carry

        lax.fori_loop(0, NCHUNK // 2, piter, 0)

    le0, le1, le2 = body(env16, i00, i01, i10, i11, e0, e1, wx, wy)
    return jnp.stack([le0, le1, le2], axis=-1)


def kernel(position, light_dir, envmap):
    B = light_dir.shape[0]
    H, W = envmap.shape[1], envmap.shape[2]
    ldT = light_dir.T
    i00, i01, i10, i11, e0, e1, wx, wy = _uv_kernel(ldT, H, W)
    env16 = _env16_kernel(envmap)
    le = _sc_gather_combine(env16, i00, i01, i10, i11, e0, e1, wx, wy)
    pdf = jnp.full((B, 1), 1.0 / (4 * math.pi), dtype=jnp.float32)
    valid = jnp.ones((B, 1), dtype=bool)
    return (le, pdf, valid)

# --- scband reference (transcript-rebuilt; emitter-appended) ---
"""Pipeline reference for scband-env-map-emitter-74259984547964 (READ-ONLY COPY).

The authoritative reference and input builder live on the scoring server;
editing this copy changes nothing except your own understanding.
"""

import jax, jax.numpy as jnp
import numpy as np
import math

H, W = 2048, 4096
B = 1048576

def setup_inputs(seed: int = 0) -> dict:
    key = jax.random.key(seed)
    k1, k2, k3 = jax.random.split(key, 3)
    position = jax.random.normal(k1, (B, 3), dtype=jnp.float32)
    light_dir = jax.random.normal(k2, (B, 3), dtype=jnp.float32)
    envmap = jax.random.uniform(k3, (3, H, W), dtype=jnp.float32)
    return {"position": position, "light_dir": light_dir, "envmap": envmap}

def reference(position, light_dir, envmap):
    Hh = envmap.shape[1]
    Ww = envmap.shape[2]
    # direction_to_uv
    ld = light_dir / jnp.linalg.norm(light_dir, axis=-1, keepdims=True)
    theta = jnp.arccos(jnp.clip(ld[..., 1], -1.0 + 1e-06, 1.0 - 1e-06))
    phi = jnp.arctan2(ld[..., 0], ld[..., 2])
    u = (phi / (2 * math.pi) + 0.5) % 1.0
    v = theta / math.pi
    # eval_emitter bilinear lookup
    x = jnp.clip(u * Ww, 0, Ww - 1)
    y = jnp.clip(v * Hh, 0, Hh - 1)
    x0 = jnp.floor(x).astype(jnp.int32)
    y0 = jnp.floor(y).astype(jnp.int32)
    x1 = jnp.clip(x0 + 1, 0, Ww - 1)
    y1 = jnp.clip(y0 + 1, 0, Hh - 1)
    wx = (x - x0.astype(jnp.float32))[..., None]
    wy = (y - y0.astype(jnp.float32))[..., None]
    C00 = envmap[:, y0, x0].T
    C01 = envmap[:, y0, x1].T
    C10 = envmap[:, y1, x0].T
    C11 = envmap[:, y1, x1].T
    C0 = C00 * (1 - wx) + C01 * wx
    C1 = C10 * (1 - wx) + C11 * wx
    Le = (C0 * (1 - wy) + C1 * wy) / 256.0
    pdf = jnp.full((light_dir.shape[0], 1), 1.0 / (4 * math.pi), dtype=jnp.float32)
    valid = jnp.ones((light_dir.shape[0], 1), dtype=bool)
    return (Le, pdf, valid)

if __name__ == "__main__":
    import jax
    _d = setup_inputs()
    print(jax.jit(kernel)(*tuple(_d.values())))

</pallas_src>

<mosaic_0001>
#map = affine_map<(d0, d1) -> (0)>
#map1 = affine_map<(d0, d1) -> (0, 0)>
module attributes {stable_mosaic.version = 14 : i64} {
  func.func @body(%arg0: i32, %arg1: i32, %arg2: memref<25165824xf32, #tpu.memory_space<hbm>>, %arg3: memref<2097152x16xf32, #tpu.memory_space<hbm>>, %arg4: memref<3x4096xf32, #tpu.memory_space<vmem>>, %arg5: memref<1024x16xf32, #tpu.memory_space<vmem>>, %arg6: memref<3x4096xf32, #tpu.memory_space<vmem>>, %arg7: memref<1024x16xf32, #tpu.memory_space<vmem>>, %arg8: memref<!tpu.dma_semaphore, #tpu.memory_space<semaphore_mem>>, %arg9: memref<!tpu.dma_semaphore, #tpu.memory_space<semaphore_mem>>, %arg10: memref<!tpu.dma_semaphore, #tpu.memory_space<semaphore_mem>>, %arg11: memref<!tpu.dma_semaphore, #tpu.memory_space<semaphore_mem>>) attributes {dimension_semantics = [#tpu.dimension_semantics<core_parallel>, #tpu.dimension_semantics<subcore_parallel>], iteration_bounds = array<i64: 2, 16>, scalar_prefetch = 0 : i64, scratch_operands = 8 : i64, tpu.core_type = #tpu.core_type<sc_vector_subcore>, window_params = [{transform_indices = #map}, {transform_indices = #map1}]} {
    %mul3A = arith.constant 2 : i32
    %mul3A_0 = arith.muli %arg1, %mul3A : i32
    %add3A = arith.addi %mul3A_0, %arg0 : i32
    %mul3A_1 = arith.constant 262144 : i32
    %mul3A_2 = arith.muli %add3A, %mul3A_1 : i32
    %iota3A = tpu.iota {dimensions = array<i32: 0>} : vector<16xi32>
    %add3A_3 = arith.constant 0 : i32
    %add3A_4 = arith.addi %mul3A_2, %add3A_3 : i32
    %add3A_5 = arith.constant 0 : i32
    %add3A_6 = arith.addi %add3A_5, %add3A_4 : i32
    %dma_start3A = arith.constant 0 : i32
    %dma_start3A_7 = arith.constant 0 : i32
    %dma_start3A_8 = tpu.memref_slice %arg4[%dma_start3A, %dma_start3A_7] : memref<3x4096xf32, #tpu.memory_space<vmem>> -> memref<1x4096xf32, #tpu.memory_space<vmem>>
    %dma_start3A_9 = tpu.memref_squeeze %dma_start3A_8 : memref<1x4096xf32, #tpu.memory_space<vmem>> -> memref<4096xf32, #tpu.memory_space<vmem>>
    %dma_start3A_10 = tpu.memref_slice %arg2[%add3A_6] : memref<25165824xf32, #tpu.memory_space<hbm>> -> memref<4096xf32, #tpu.memory_space<hbm>>
    %dma_start3A_11 = arith.constant 0 : i32
    %dma_start3A_12 = tpu.memref_slice %arg4[%dma_start3A, %dma_start3A_11] : memref<3x4096xf32, #tpu.memory_space<vmem>> -> memref<1x4096xf32, #tpu.memory_space<vmem>>
    %dma_start3A_13 = tpu.memref_squeeze %dma_start3A_12 : memref<1x4096xf32, #tpu.memory_space<vmem>> -> memref<4096xf32, #tpu.memory_space<vmem>>
    %dma_start3A_14 = tpu.memref_slice %arg2[%add3A_6] : memref<25165824xf32, #tpu.memory_space<hbm>> -> memref<4096xf32, #tpu.memory_space<hbm>>
    tpu.enqueue_dma source(%dma_start3A_14 : memref<4096xf32, #tpu.memory_space<hbm>>) target(%dma_start3A_13 : memref<4096xf32, #tpu.memory_space<vmem>>) target_semaphore(%arg8 : memref<!tpu.dma_semaphore, #tpu.memory_space<semaphore_mem>>)
    %add3A_15 = arith.constant 8388608 : i32
    %add3A_16 = arith.addi %add3A_15, %add3A_4 : i32
    %dma_start3A_17 = arith.constant 1 : i32
    %dma_start3A_18 = arith.constant 0 : i32
    %dma_start3A_19 = tpu.memref_slice %arg4[%dma_start3A_17, %dma_start3A_18] : memref<3x4096xf32, #tpu.memory_space<vmem>> -> memref<1x4096xf32, #tpu.memory_space<vmem>>
    %dma_start3A_20 = tpu.memref_squeeze %dma_start3A_19 : memref<1x4096xf32, #tpu.memory_space<vmem>> -> memref<4096xf32, #tpu.memory_space<vmem>>
    %dma_start3A_21 = tpu.memref_slice %arg2[%add3A_16] : memref<25165824xf32, #tpu.memory_space<hbm>> -> memref<4096xf32, #tpu.memory_space<hbm>>
    %dma_start3A_22 = arith.constant 0 : i32
    %dma_start3A_23 = tpu.memref_slice %arg4[%dma_start3A_17, %dma_start3A_22] : memref<3x4096xf32, #tpu.memory_space<vmem>> -> memref<1x4096xf32, #tpu.memory_space<vmem>>
    %dma_start3A_24 = tpu.memref_squeeze %dma_start3A_23 : memref<1x4096xf32, #tpu.memory_space<vmem>> -> memref<4096xf32, #tpu.memory_space<vmem>>
    %dma_start3A_25 = tpu.memref_slice %arg2[%add3A_16] : memref<25165824xf32, #tpu.memory_space<hbm>> -> memref<4096xf32, #tpu.memory_space<hbm>>
    tpu.enqueue_dma source(%dma_start3A_25 : memref<4096xf32, #tpu.memory_space<hbm>>) target(%dma_start3A_24 : memref<4096xf32, #tpu.memory_space<vmem>>) target_semaphore(%arg8 : memref<!tpu.dma_semaphore, #tpu.memory_space<semaphore_mem>>)
    %add3A_26 = arith.constant 16777216 : i32
    %add3A_27 = arith.addi %add3A_26, %add3A_4 : i32
    %dma_start3A_28 = arith.constant 2 : i32
    %dma_start3A_29 = arith.constant 0 : i32
    %dma_start3A_30 = tpu.memref_slice %arg4[%dma_start3A_28, %dma_start3A_29] : memref<3x4096xf32, #tpu.memory_space<vmem>> -> memref<1x4096xf32, #tpu.memory_space<vmem>>
    %dma_start3A_31 = tpu.memref_squeeze %dma_start3A_30 : memref<1x4096xf32, #tpu.memory_space<vmem>> -> memref<4096xf32, #tpu.memory_space<vmem>>
    %dma_start3A_32 = tpu.memref_slice %arg2[%add3A_27] : memref<25165824xf32, #tpu.memory_space<hbm>> -> memref<4096xf32, #tpu.memory_space<hbm>>
    %dma_start3A_33 = arith.constant 0 : i32
    %dma_start3A_34 = tpu.memref_slice %arg4[%dma_start3A_28, %dma_start3A_33] : memref<3x4096xf32, #tpu.memory_space<vmem>> -> memref<1x4096xf32, #tpu.memory_space<vmem>>
    %dma_start3A_35 = tpu.memref_squeeze %dma_start3A_34 : memref<1x4096xf32, #tpu.memory_space<vmem>> -> memref<4096xf32, #tpu.memory_space<vmem>>
    %dma_start3A_36 = tpu.memref_slice %arg2[%add3A_27] : memref<25165824xf32, #tpu.memory_space<hbm>> -> memref<4096xf32, #tpu.memory_space<hbm>>
    tpu.enqueue_dma source(%dma_start3A_36 : memref<4096xf32, #tpu.memory_space<hbm>>) target(%dma_start3A_35 : memref<4096xf32, #tpu.memory_space<vmem>>) target_semaphore(%arg8 : memref<!tpu.dma_semaphore, #tpu.memory_space<semaphore_mem>>)
    %add3A_37 = arith.constant 4096 : i32
    %add3A_38 = arith.addi %mul3A_2, %add3A_37 : i32
    %add3A_39 = arith.constant 0 : i32
    %add3A_40 = arith.addi %add3A_39, %add3A_38 : i32
    %dma_start3A_41 = arith.constant 0 : i32
    %dma_start3A_42 = arith.constant 0 : i32
    %dma_start3A_43 = tpu.memref_slice %arg6[%dma_start3A_41, %dma_start3A_42] : memref<3x4096xf32, #tpu.memory_space<vmem>> -> memref<1x4096xf32, #tpu.memory_space<vmem>>
    %dma_start3A_44 = tpu.memref_squeeze %dma_start3A_43 : memref<1x4096xf32, #tpu.memory_space<vmem>> -> memref<4096xf32, #tpu.memory_space<vmem>>
    %dma_start3A_45 = tpu.memref_slice %arg2[%add3A_40] : memref<25165824xf32, #tpu.memory_space<hbm>> -> memref<4096xf32, #tpu.memory_space<hbm>>
    %dma_start3A_46 = arith.constant 0 : i32
    %dma_start3A_47 = tpu.memref_slice %arg6[%dma_start3A_41, %dma_start3A_46] : memref<3x4096xf32, #tpu.memory_space<vmem>> -> memref<1x4096xf32, #tpu.memory_space<vmem>>
    %dma_start3A_48 = tpu.memref_squeeze %dma_start3A_47 : memref<1x4096xf32, #tpu.memory_space<vmem>> -> memref<4096xf32, #tpu.memory_space<vmem>>
    %dma_start3A_49 = tpu.memref_slice %arg2[%add3A_40] : memref<25165824xf32, #tpu.memory_space<hbm>> -> memref<4096xf32, #tpu.memory_space<hbm>>
    tpu.enqueue_dma source(%dma_start3A_49 : memref<4096xf32, #tpu.memory_space<hbm>>) target(%dma_start3A_48 : memref<4096xf32, #tpu.memory_space<vmem>>) target_semaphore(%arg10 : memref<!tpu.dma_semaphore, #tpu.memory_space<semaphore_mem>>)
    %add3A_50 = arith.constant 8388608 : i32
    %add3A_51 = arith.addi %add3A_50, %add3A_38 : i32
    %dma_start3A_52 = arith.constant 1 : i32
    %dma_start3A_53 = arith.constant 0 : i32
    %dma_start3A_54 = tpu.memref_slice %arg6[%dma_start3A_52, %dma_start3A_53] : memref<3x4096xf32, #tpu.memory_space<vmem>> -> memref<1x4096xf32, #tpu.memory_space<vmem>>
    %dma_start3A_55 = tpu.memref_squeeze %dma_start3A_54 : memref<1x4096xf32, #tpu.memory_space<vmem>> -> memref<4096xf32, #tpu.memory_space<vmem>>
    %dma_start3A_56 = tpu.memref_slice %arg2[%add3A_51] : memref<25165824xf32, #tpu.memory_space<hbm>> -> memref<4096xf32, #tpu.memory_space<hbm>>
    %dma_start3A_57 = arith.constant 0 : i32
    %dma_start3A_58 = tpu.memref_slice %arg6[%dma_start3A_52, %dma_start3A_57] : memref<3x4096xf32, #tpu.memory_space<vmem>> -> memref<1x4096xf32, #tpu.memory_space<vmem>>
    %dma_start3A_59 = tpu.memref_squeeze %dma_start3A_58 : memref<1x4096xf32, #tpu.memory_space<vmem>> -> memref<4096xf32, #tpu.memory_space<vmem>>
    %dma_start3A_60 = tpu.memref_slice %arg2[%add3A_51] : memref<25165824xf32, #tpu.memory_space<hbm>> -> memref<4096xf32, #tpu.memory_space<hbm>>
    tpu.enqueue_dma source(%dma_start3A_60 : memref<4096xf32, #tpu.memory_space<hbm>>) target(%dma_start3A_59 : memref<4096xf32, #tpu.memory_space<vmem>>) target_semaphore(%arg10 : memref<!tpu.dma_semaphore, #tpu.memory_space<semaphore_mem>>)
    %add3A_61 = arith.constant 16777216 : i32
    %add3A_62 = arith.addi %add3A_61, %add3A_38 : i32
    %dma_start3A_63 = arith.constant 2 : i32
    %dma_start3A_64 = arith.constant 0 : i32
    %dma_start3A_65 = tpu.memref_slice %arg6[%dma_start3A_63, %dma_start3A_64] : memref<3x4096xf32, #tpu.memory_space<vmem>> -> memref<1x4096xf32, #tpu.memory_space<vmem>>
    %dma_start3A_66 = tpu.memref_squeeze %dma_start3A_65 : memref<1x4096xf32, #tpu.memory_space<vmem>> -> memref<4096xf32, #tpu.memory_space<vmem>>
    %dma_start3A_67 = tpu.memref_slice %arg2[%add3A_62] : memref<25165824xf32, #tpu.memory_space<hbm>> -> memref<4096xf32, #tpu.memory_space<hbm>>
    %dma_start3A_68 = arith.constant 0 : i32
    %dma_start3A_69 = tpu.memref_slice %arg6[%dma_start3A_63, %dma_start3A_68] : memref<3x4096xf32, #tpu.memory_space<vmem>> -> memref<1x4096xf32, #tpu.memory_space<vmem>>
    %dma_start3A_70 = tpu.memref_squeeze %dma_start3A_69 : memref<1x4096xf32, #tpu.memory_space<vmem>> -> memref<4096xf32, #tpu.memory_space<vmem>>
    %dma_start3A_71 = tpu.memref_slice %arg2[%add3A_62] : memref<25165824xf32, #tpu.memory_space<hbm>> -> memref<4096xf32, #tpu.memory_space<hbm>>
    tpu.enqueue_dma source(%dma_start3A_71 : memref<4096xf32, #tpu.memory_space<hbm>>) target(%dma_start3A_70 : memref<4096xf32, #tpu.memory_space<vmem>>) target_semaphore(%arg10 : memref<!tpu.dma_semaphore, #tpu.memory_space<semaphore_mem>>)
    %scan3A = arith.constant 0 : i32
    %scan3A_72 = arith.constant 0 : i32
    %scan3A_73 = arith.constant 32 : i32
    %scan3A_74 = arith.addi %scan3A_72, %scan3A_73 : i32
    %scan3A_75 = arith.constant 1 : i32
    scf.for %scan3A_88 = %scan3A_72 to %scan3A_74 step %scan3A_75  : i32 {
      %mul3A_89 = arith.constant 2 : i32
      %mul3A_90 = arith.muli %mul3A_89, %scan3A_88 : i32
      %mul3A_91 = arith.constant 4096 : i32
      %mul3A_92 = arith.muli %mul3A_90, %mul3A_91 : i32
      %add3A_93 = arith.addi %mul3A_2, %mul3A_92 : i32
      %dma_wait3A_94 = arith.constant 0 : i32
      %dma_wait3A_95 = arith.constant 0 : i32
      %dma_wait3A_96 = tpu.memref_slice %arg4[%dma_wait3A_94, %dma_wait3A_95] : memref<3x4096xf32, #tpu.memory_space<vmem>> -> memref<1x4096xf32, #tpu.memory_space<vmem>>
      %dma_wait3A_97 = tpu.memref_squeeze %dma_wait3A_96 : memref<1x4096xf32, #tpu.memory_space<vmem>> -> memref<4096xf32, #tpu.memory_space<vmem>>
      %dma_wait3A_98 = arith.constant 0 : i32
      %dma_wait3A_99 = tpu.memref_slice %arg2[%dma_wait3A_98] : memref<25165824xf32, #tpu.memory_space<hbm>> -> memref<4096xf32, #tpu.memory_space<hbm>>
      %dma_wait3A_100 = arith.constant 0 : i32
      %dma_wait3A_101 = tpu.memref_slice %arg4[%dma_wait3A_94, %dma_wait3A_100] : memref<3x4096xf32, #tpu.memory_space<vmem>> -> memref<1x4096xf32, #tpu.memory_space<vmem>>
      %dma_wait3A_102 = tpu.memref_squeeze %dma_wait3A_101 : memref<1x4096xf32, #tpu.memory_space<vmem>> -> memref<4096xf32, #tpu.memory_space<vmem>>
      %dma_wait3A_103 = arith.constant 0 : i32
      %dma_wait3A_104 = tpu.memref_slice %arg2[%dma_wait3A_103] : memref<25165824xf32, #tpu.memory_space<hbm>> -> memref<4096xf32, #tpu.memory_space<hbm>>
      tpu.wait_dma2 semaphore(%arg8 : memref<!tpu.dma_semaphore, #tpu.memory_space<semaphore_mem>>) src(%dma_wait3A_104 : memref<4096xf32, #tpu.memory_space<hbm>>) dst(%dma_wait3A_102 : memref<4096xf32, #tpu.memory_space<vmem>>)
      %dma_wait3A_105 = arith.constant 1 : i32
      %dma_wait3A_106 = arith.constant 0 : i32
      %dma_wait3A_107 = tpu.memref_slice %arg4[%dma_wait3A_105, %dma_wait3A_106] : memref<3x4096xf32, #tpu.memory_space<vmem>> -> memref<1x4096xf32, #tpu.memory_space<vmem>>
      %dma_wait3A_108 = tpu.memref_squeeze %dma_wait3A_107 : memref<1x4096xf32, #tpu.memory_space<vmem>> -> memref<4096xf32, #tpu.memory_space<vmem>>
      %dma_wait3A_109 = arith.constant 0 : i32
      %dma_wait3A_110 = tpu.memref_slice %arg2[%dma_wait3A_109] : memref<25165824xf32, #tpu.memory_space<hbm>> -> memref<4096xf32, #tpu.memory_space<hbm>>
      %dma_wait3A_111 = arith.constant 0 : i32
      %dma_wait3A_112 = tpu.memref_slice %arg4[%dma_wait3A_105, %dma_wait3A_111] : memref<3x4096xf32, #tpu.memory_space<vmem>> -> memref<1x4096xf32, #tpu.memory_space<vmem>>
      %dma_wait3A_113 = tpu.memref_squeeze %dma_wait3A_112 : memref<1x4096xf32, #tpu.memory_space<vmem>> -> memref<4096xf32, #tpu.memory_space<vmem>>
      %dma_wait3A_114 = arith.constant 0 : i32
      %dma_wait3A_115 = tpu.memref_slice %arg2[%dma_wait3A_114] : memref<25165824xf32, #tpu.memory_space<hbm>> -> memref<4096xf32, #tpu.memory_space<hbm>>
      tpu.wait_dma2 semaphore(%arg8 : memref<!tpu.dma_semaphore, #tpu.memory_space<semaphore_mem>>) src(%dma_wait3A_115 : memref<4096xf32, #tpu.memory_space<hbm>>) dst(%dma_wait3A_113 : memref<4096xf32, #tpu.memory_space<vmem>>)
      %dma_wait3A_116 = arith.constant 2 : i32
      %dma_wait3A_117 = arith.constant 0 : i32
      %dma_wait3A_118 = tpu.memref_slice %arg4[%dma_wait3A_116, %dma_wait3A_117] : memref<3x4096xf32, #tpu.memory_space<vmem>> -> memref<1x4096xf32, #tpu.memory_space<vmem>>
      %dma_wait3A_119 = tpu.memref_squeeze %dma_wait3A_118 : memref<1x4096xf32, #tpu.memory_space<vmem>> -> memref<4096xf32, #tpu.memory_space<vmem>>
      %dma_wait3A_120 = arith.constant 0 : i32
      %dma_wait3A_121 = tpu.memref_slice %arg2[%dma_wait3A_120] : memref<25165824xf32, #tpu.memory_space<hbm>> -> memref<4096xf32, #tpu.memory_space<hbm>>
      %dma_wait3A_122 = arith.constant 0 : i32
      %dma_wait3A_123 = tpu.memref_slice %arg4[%dma_wait3A_116, %dma_wait3A_122] : memref<3x4096xf32, #tpu.memory_space<vmem>> -> memref<1x4096xf32, #tpu.memory_space<vmem>>
      %dma_wait3A_124 = tpu.memref_squeeze %dma_wait3A_123 : memref<1x4096xf32, #tpu.memory_space<vmem>> -> memref<4096xf32, #tpu.memory_space<vmem>>
      %dma_wait3A_125 = arith.constant 0 : i32
      %dma_wait3A_126 = tpu.memref_slice %arg2[%dma_wait3A_125] : memref<25165824xf32, #tpu.memory_space<hbm>> -> memref<4096xf32, #tpu.memory_space<hbm>>
      tpu.wait_dma2 semaphore(%arg8 : memref<!tpu.dma_semaphore, #tpu.memory_space<semaphore_mem>>) src(%dma_wait3A_126 : memref<4096xf32, #tpu.memory_space<hbm>>) dst(%dma_wait3A_124 : memref<4096xf32, #tpu.memory_space<vmem>>)
      %ge3A = arith.constant 2 : i32
      %ge3A_127 = arith.cmpi sge, %mul3A_90, %ge3A : i32
      %convert_element_type3A = arith.extui %ge3A_127 : i1 to i32
      %cond3A = arith.constant 0 : i32
      %cond3A_128 = arith.cmpi ne, %convert_element_type3A, %cond3A : i32
      scf.if %cond3A_128 {
        %dma_wait3A_245 = arith.constant 0 : i32
        %dma_wait3A_246 = arith.constant 0 : i32
        %dma_wait3A_247 = tpu.memref_slice %arg3[%dma_wait3A_245, %dma_wait3A_246] : memref<2097152x16xf32, #tpu.memory_space<hbm>> -> memref<1024x16xf32, #tpu.memory_space<hbm>>
        %dma_wait3A_248 = arith.constant 0 : i32
        %dma_wait3A_249 = arith.constant 0 : i32
        %dma_wait3A_250 = tpu.memref_slice %arg3[%dma_wait3A_248, %dma_wait3A_249] : memref<2097152x16xf32, #tpu.memory_space<hbm>> -> memref<1024x16xf32, #tpu.memory_space<hbm>>
        tpu.wait_dma2 semaphore(%arg9 : memref<!tpu.dma_semaphore, #tpu.memory_space<semaphore_mem>>) src(%arg5 : memref<1024x16xf32, #tpu.memory_space<vmem>>) dst(%dma_wait3A_250 : memref<1024x16xf32, #tpu.memory_space<hbm>>)
      } else {
      }
      %scan3A_129 = arith.constant 0 : i32
      %scan3A_130 = arith.constant 0 : i32
      %scan3A_131 = arith.constant 256 : i32
      %scan3A_132 = arith.addi %scan3A_130, %scan3A_131 : i32
      %scan3A_133 = arith.constant 1 : i32
      scf.for %scan3A_245 = %scan3A_130 to %scan3A_132 step %scan3A_133  : i32 {
        %mul3A_246 = arith.constant 16 : i32
        %mul3A_247 = arith.muli %scan3A_245, %mul3A_246 : i32
        %mul3A_248 = arith.constant 16 : i32
        %mul3A_249 = arith.muli %scan3A_245, %mul3A_248 : i32
        %add3A_250 = vector.broadcast %mul3A_249 : i32 to vector<16xi32>
        %add3A_251 = arith.addi %add3A_250, %iota3A : vector<16xi32>
        %shift_right_arithmetic3A = arith.constant 2 : i32
        %shift_right_arithmetic3A_252 = vector.broadcast %shift_right_arithmetic3A : i32 to vector<16xi32>
        %shift_right_arithmetic3A_253 = arith.shrsi %add3A_251, %shift_right_arithmetic3A_252 : vector<16xi32>
        %and3A_254 = arith.constant 3 : i32
        %and3A_255 = vector.broadcast %and3A_254 : i32 to vector<16xi32>
        %and3A_256 = arith.andi %add3A_251, %and3A_255 : vector<16xi32>
        %shift_left3A = arith.constant 2 : i32
        %shift_left3A_257 = vector.broadcast %shift_left3A : i32 to vector<16xi32>
        %shift_left3A_258 = arith.shli %and3A_256, %shift_left3A_257 : vector<16xi32>
        %add3A_259 = arith.constant 0 : i32
        %add3A_260 = vector.broadcast %add3A_259 : i32 to vector<16xi32>
        %add3A_261 = arith.addi %shift_left3A_258, %add3A_260 : vector<16xi32>
        %get3A = arith.constant 0 : i32
        %get3A_262 = arith.index_cast %get3A : i32 to index
        %get3A_263 = arith.index_cast %mul3A_247 : i32 to index
        %get3A_264 = tpu.vector_load %arg4[%get3A_262, %get3A_263] {strides = array<i32>} : memref<3x4096xf32, #tpu.memory_space<vmem>>, vector<16xf32>,
        tpu.vector_store_idx %arg5[%shift_right_arithmetic3A_253, %add3A_261], %get3A_264 : memref<1024x16xf32, #tpu.memory_space<vmem>>[vector<16xi32>, vector<16xi32>], vector<16xf32>,
        %add3A_265 = arith.constant 1 : i32
        %add3A_266 = vector.broadcast %add3A_265 : i32 to vector<16xi32>
        %add3A_267 = arith.addi %shift_left3A_258, %add3A_266 : vector<16xi32>
        %get3A_268 = arith.constant 1 : i32
        %get3A_269 = arith.index_cast %get3A_268 : i32 to index
        %get3A_270 = arith.index_cast %mul3A_247 : i32 to index
        %get3A_271 = tpu.vector_load %arg4[%get3A_269, %get3A_270] {strides = array<i32>} : memref<3x4096xf32, #tpu.memory_space<vmem>>, vector<16xf32>,
        tpu.vector_store_idx %arg5[%shift_right_arithmetic3A_253, %add3A_267], %get3A_271 : memref<1024x16xf32, #tpu.memory_space<vmem>>[vector<16xi32>, vector<16xi32>], vector<16xf32>,
        %add3A_272 = arith.constant 2 : i32
        %add3A_273 = vector.broadcast %add3A_272 : i32 to vector<16xi32>
        %add3A_274 = arith.addi %shift_left3A_258, %add3A_273 : vector<16xi32>
        %get3A_275 = arith.constant 2 : i32
        %get3A_276 = arith.index_cast %get3A_275 : i32 to index
        %get3A_277 = arith.index_cast %mul3A_247 : i32 to index
        %get3A_278 = tpu.vector_load %arg4[%get3A_276, %get3A_277] {strides = array<i32>} : memref<3x4096xf32, #tpu.memory_space<vmem>>, vector<16xf32>,
        tpu.vector_store_idx %arg5[%shift_right_arithmetic3A_253, %add3A_274], %get3A_278 : memref<1024x16xf32, #tpu.memory_space<vmem>>[vector<16xi32>, vector<16xi32>], vector<16xf32>,
      }
      %scan3A_134 = arith.constant 256 : i32
      %jit3A = arith.constant 4 : i32
      %div3A = arith.divsi %add3A_93, %jit3A : i32
      %sign3A = arith.constant 0 : i32
      %sign3A_135 = arith.cmpi sgt, %add3A_93, %sign3A : i32
      %sign3A_136 = arith.extui %sign3A_135 : i1 to i32
      %sign3A_137 = arith.constant 0 : i32
      %sign3A_138 = arith.cmpi slt, %add3A_93, %sign3A_137 : i32
      %sign3A_139 = arith.extui %sign3A_138 : i1 to i32
      %sign3A_140 = arith.subi %sign3A_136, %sign3A_139 : i32
      %sign3A_141 = arith.constant 0 : i32
      %sign3A_142 = arith.cmpi sgt, %jit3A, %sign3A_141 : i32
      %sign3A_143 = arith.extui %sign3A_142 : i1 to i32
      %sign3A_144 = arith.constant 0 : i32
      %sign3A_145 = arith.cmpi slt, %jit3A, %sign3A_144 : i32
      %sign3A_146 = arith.extui %sign3A_145 : i1 to i32
      %sign3A_147 = arith.subi %sign3A_143, %sign3A_146 : i32
      %ne3A = arith.cmpi ne, %sign3A_140, %sign3A_147 : i32
      %rem3A = arith.remsi %add3A_93, %jit3A : i32
      %ne3A_148 = arith.constant 0 : i32
      %ne3A_149 = arith.cmpi ne, %rem3A, %ne3A_148 : i32
      %and3A = arith.andi %ne3A, %ne3A_149 : i1
      %sub3A = arith.constant 1 : i32
      %sub3A_150 = arith.subi %div3A, %sub3A : i32
      %select_n3A = arith.select %and3A, %sub3A_150, %div3A : i32
      %dma_start3A_151 = arith.constant 0 : i32
      %dma_start3A_152 = tpu.memref_slice %arg3[%select_n3A, %dma_start3A_151] : memref<2097152x16xf32, #tpu.memory_space<hbm>> -> memref<1024x16xf32, #tpu.memory_space<hbm>>
      %dma_start3A_153 = arith.constant 0 : i32
      %dma_start3A_154 = tpu.memref_slice %arg3[%select_n3A, %dma_start3A_153] : memref<2097152x16xf32, #tpu.memory_space<hbm>> -> memref<1024x16xf32, #tpu.memory_space<hbm>>
      tpu.enqueue_dma source(%arg5 : memref<1024x16xf32, #tpu.memory_space<vmem>>) target(%dma_start3A_154 : memref<1024x16xf32, #tpu.memory_space<hbm>>) target_semaphore(%arg9 : memref<!tpu.dma_semaphore, #tpu.memory_space<semaphore_mem>>)
      %add3A_155 = arith.constant 2 : i32
      %add3A_156 = arith.addi %mul3A_90, %add3A_155 : i32
      %lt3A = arith.constant 64 : i32
      %lt3A_157 = arith.cmpi slt, %add3A_156, %lt3A : i32
      %convert_element_type3A_158 = arith.extui %lt3A_157 : i1 to i32
      %cond3A_159 = arith.constant 0 : i32
      %cond3A_160 = arith.cmpi ne, %convert_element_type3A_158, %cond3A_159 : i32
      scf.if %cond3A_160 {
        %add3A_245 = arith.constant 2 : i32
        %add3A_246 = arith.addi %mul3A_90, %add3A_245 : i32
        %mul3A_247 = arith.constant 4096 : i32
        %mul3A_248 = arith.muli %add3A_246, %mul3A_247 : i32
        %add3A_249 = arith.addi %mul3A_2, %mul3A_248 : i32
        %add3A_250 = arith.constant 0 : i32
        %add3A_251 = arith.addi %add3A_250, %add3A_249 : i32
        %dma_start3A_252 = arith.constant 0 : i32
        %dma_start3A_253 = arith.constant 0 : i32
        %dma_start3A_254 = tpu.memref_slice %arg4[%dma_start3A_252, %dma_start3A_253] : memref<3x4096xf32, #tpu.memory_space<vmem>> -> memref<1x4096xf32, #tpu.memory_space<vmem>>
        %dma_start3A_255 = tpu.memref_squeeze %dma_start3A_254 : memref<1x4096xf32, #tpu.memory_space<vmem>> -> memref<4096xf32, #tpu.memory_space<vmem>>
        %dma_start3A_256 = tpu.memref_slice %arg2[%add3A_251] : memref<25165824xf32, #tpu.memory_space<hbm>> -> memref<4096xf32, #tpu.memory_space<hbm>>
        %dma_start3A_257 = arith.constant 0 : i32
        %dma_start3A_258 = tpu.memref_slice %arg4[%dma_start3A_252, %dma_start3A_257] : memref<3x4096xf32, #tpu.memory_space<vmem>> -> memref<1x4096xf32, #tpu.memory_space<vmem>>
        %dma_start3A_259 = tpu.memref_squeeze %dma_start3A_258 : memref<1x4096xf32, #tpu.memory_space<vmem>> -> memref<4096xf32, #tpu.memory_space<vmem>>
        %dma_start3A_260 = tpu.memref_slice %arg2[%add3A_251] : memref<25165824xf32, #tpu.memory_space<hbm>> -> memref<4096xf32, #tpu.memory_space<hbm>>
        tpu.enqueue_dma source(%dma_start3A_260 : memref<4096xf32, #tpu.memory_space<hbm>>) target(%dma_start3A_259 : memref<4096xf32, #tpu.memory_space<vmem>>) target_semaphore(%arg8 : memref<!tpu.dma_semaphore, #tpu.memory_space<semaphore_mem>>)
        %add3A_261 = arith.constant 8388608 : i32
        %add3A_262 = arith.addi %add3A_261, %add3A_249 : i32
        %dma_start3A_263 = arith.constant 1 : i32
        %dma_start3A_264 = arith.constant 0 : i32
        %dma_start3A_265 = tpu.memref_slice %arg4[%dma_start3A_263, %dma_start3A_264] : memref<3x4096xf32, #tpu.memory_space<vmem>> -> memref<1x4096xf32, #tpu.memory_space<vmem>>
        %dma_start3A_266 = tpu.memref_squeeze %dma_start3A_265 : memref<1x4096xf32, #tpu.memory_space<vmem>> -> memref<4096xf32, #tpu.memory_space<vmem>>
        %dma_start3A_267 = tpu.memref_slice %arg2[%add3A_262] : memref<25165824xf32, #tpu.memory_space<hbm>> -> memref<4096xf32, #tpu.memory_space<hbm>>
        %dma_start3A_268 = arith.constant 0 : i32
        %dma_start3A_269 = tpu.memref_slice %arg4[%dma_start3A_263, %dma_start3A_268] : memref<3x4096xf32, #tpu.memory_space<vmem>> -> memref<1x4096xf32, #tpu.memory_space<vmem>>
        %dma_start3A_270 = tpu.memref_squeeze %dma_start3A_269 : memref<1x4096xf32, #tpu.memory_space<vmem>> -> memref<4096xf32, #tpu.memory_space<vmem>>
        %dma_start3A_271 = tpu.memref_slice %arg2[%add3A_262] : memref<25165824xf32, #tpu.memory_space<hbm>> -> memref<4096xf32, #tpu.memory_space<hbm>>
        tpu.enqueue_dma source(%dma_start3A_271 : memref<4096xf32, #tpu.memory_space<hbm>>) target(%dma_start3A_270 : memref<4096xf32, #tpu.memory_space<vmem>>) target_semaphore(%arg8 : memref<!tpu.dma_semaphore, #tpu.memory_space<semaphore_mem>>)
        %add3A_272 = arith.constant 16777216 : i32
        %add3A_273 = arith.addi %add3A_272, %add3A_249 : i32
        %dma_start3A_274 = arith.constant 2 : i32
        %dma_start3A_275 = arith.constant 0 : i32
        %dma_start3A_276 = tpu.memref_slice %arg4[%dma_start3A_274, %dma_start3A_275] : memref<3x4096xf32, #tpu.memory_space<vmem>> -> memref<1x4096xf32, #tpu.memory_space<vmem>>
        %dma_start3A_277 = tpu.memref_squeeze %dma_start3A_276 : memref<1x4096xf32, #tpu.memory_space<vmem>> -> memref<4096xf32, #tpu.memory_space<vmem>>
        %dma_start3A_278 = tpu.memref_slice %arg2[%add3A_273] : memref<25165824xf32, #tpu.memory_space<hbm>> -> memref<4096xf32, #tpu.memory_space<hbm>>
        %dma_start3A_279 = arith.constant 0 : i32
        %dma_start3A_280 = tpu.memref_slice %arg4[%dma_start3A_274, %dma_start3A_279] : memref<3x4096xf32, #tpu.memory_space<vmem>> -> memref<1x4096xf32, #tpu.memory_space<vmem>>
        %dma_start3A_281 = tpu.memref_squeeze %dma_start3A_280 : memref<1x4096xf32, #tpu.memory_space<vmem>> -> memref<4096xf32, #tpu.memory_space<vmem>>
        %dma_start3A_282 = tpu.memref_slice %arg2[%add3A_273] : memref<25165824xf32, #tpu.memory_space<hbm>> -> memref<4096xf32, #tpu.memory_space<hbm>>
        tpu.enqueue_dma source(%dma_start3A_282 : memref<4096xf32, #tpu.memory_space<hbm>>) target(%dma_start3A_281 : memref<4096xf32, #tpu.memory_space<vmem>>) target_semaphore(%arg8 : memref<!tpu.dma_semaphore, #tpu.memory_space<semaphore_mem>>)
      } else {
      }
      %add3A_161 = arith.constant 1 : i32
      %add3A_162 = arith.addi %mul3A_90, %add3A_161 : i32
      %mul3A_163 = arith.constant 4096 : i32
      %mul3A_164 = arith.muli %add3A_162, %mul3A_163 : i32
      %add3A_165 = arith.addi %mul3A_2, %mul3A_164 : i32
      %dma_wait3A_166 = arith.constant 0 : i32
      %dma_wait3A_167 = arith.constant 0 : i32
      %dma_wait3A_168 = tpu.memref_slice %arg6[%dma_wait3A_166, %dma_wait3A_167] : memref<3x4096xf32, #tpu.memory_space<vmem>> -> memref<1x4096xf32, #tpu.memory_space<vmem>>
      %dma_wait3A_169 = tpu.memref_squeeze %dma_wait3A_168 : memref<1x4096xf32, #tpu.memory_space<vmem>> -> memref<4096xf32, #tpu.memory_space<vmem>>
      %dma_wait3A_170 = arith.constant 0 : i32
      %dma_wait3A_171 = tpu.memref_slice %arg2[%dma_wait3A_170] : memref<25165824xf32, #tpu.memory_space<hbm>> -> memref<4096xf32, #tpu.memory_space<hbm>>
      %dma_wait3A_172 = arith.constant 0 : i32
      %dma_wait3A_173 = tpu.memref_slice %arg6[%dma_wait3A_166, %dma_wait3A_172] : memref<3x4096xf32, #tpu.memory_space<vmem>> -> memref<1x4096xf32, #tpu.memory_space<vmem>>
      %dma_wait3A_174 = tpu.memref_squeeze %dma_wait3A_173 : memref<1x4096xf32, #tpu.memory_space<vmem>> -> memref<4096xf32, #tpu.memory_space<vmem>>
      %dma_wait3A_175 = arith.constant 0 : i32
      %dma_wait3A_176 = tpu.memref_slice %arg2[%dma_wait3A_175] : memref<25165824xf32, #tpu.memory_space<hbm>> -> memref<4096xf32, #tpu.memory_space<hbm>>
      tpu.wait_dma2 semaphore(%arg10 : memref<!tpu.dma_semaphore, #tpu.memory_space<semaphore_mem>>) src(%dma_wait3A_176 : memref<4096xf32, #tpu.memory_space<hbm>>) dst(%dma_wait3A_174 : memref<4096xf32, #tpu.memory_space<vmem>>)
      %dma_wait3A_177 = arith.constant 1 : i32
      %dma_wait3A_178 = arith.constant 0 : i32
      %dma_wait3A_179 = tpu.memref_slice %arg6[%dma_wait3A_177, %dma_wait3A_178] : memref<3x4096xf32, #tpu.memory_space<vmem>> -> memref<1x4096xf32, #tpu.memory_space<vmem>>
      %dma_wait3A_180 = tpu.memref_squeeze %dma_wait3A_179 : memref<1x4096xf32, #tpu.memory_space<vmem>> -> memref<4096xf32, #tpu.memory_space<vmem>>
      %dma_wait3A_181 = arith.constant 0 : i32
      %dma_wait3A_182 = tpu.memref_slice %arg2[%dma_wait3A_181] : memref<25165824xf32, #tpu.memory_space<hbm>> -> memref<4096xf32, #tpu.memory_space<hbm>>
      %dma_wait3A_183 = arith.constant 0 : i32
      %dma_wait3A_184 = tpu.memref_slice %arg6[%dma_wait3A_177, %dma_wait3A_183] : memref<3x4096xf32, #tpu.memory_space<vmem>> -> memref<1x4096xf32, #tpu.memory_space<vmem>>
      %dma_wait3A_185 = tpu.memref_squeeze %dma_wait3A_184 : memref<1x4096xf32, #tpu.memory_space<vmem>> -> memref<4096xf32, #tpu.memory_space<vmem>>
      %dma_wait3A_186 = arith.constant 0 : i32
      %dma_wait3A_187 = tpu.memref_slice %arg2[%dma_wait3A_186] : memref<25165824xf32, #tpu.memory_space<hbm>> -> memref<4096xf32, #tpu.memory_space<hbm>>
      tpu.wait_dma2 semaphore(%arg10 : memref<!tpu.dma_semaphore, #tpu.memory_space<semaphore_mem>>) src(%dma_wait3A_187 : memref<4096xf32, #tpu.memory_space<hbm>>) dst(%dma_wait3A_185 : memref<4096xf32, #tpu.memory_space<vmem>>)
      %dma_wait3A_188 = arith.constant 2 : i32
      %dma_wait3A_189 = arith.constant 0 : i32
      %dma_wait3A_190 = tpu.memref_slice %arg6[%dma_wait3A_188, %dma_wait3A_189] : memref<3x4096xf32, #tpu.memory_space<vmem>> -> memref<1x4096xf32, #tpu.memory_space<vmem>>
      %dma_wait3A_191 = tpu.memref_squeeze %dma_wait3A_190 : memref<1x4096xf32, #tpu.memory_space<vmem>> -> memref<4096xf32, #tpu.memory_space<vmem>>
      %dma_wait3A_192 = arith.constant 0 : i32
      %dma_wait3A_193 = tpu.memref_slice %arg2[%dma_wait3A_192] : memref<25165824xf32, #tpu.memory_space<hbm>> -> memref<4096xf32, #tpu.memory_space<hbm>>
      %dma_wait3A_194 = arith.constant 0 : i32
      %dma_wait3A_195 = tpu.memref_slice %arg6[%dma_wait3A_188, %dma_wait3A_194] : memref<3x4096xf32, #tpu.memory_space<vmem>> -> memref<1x4096xf32, #tpu.memory_space<vmem>>
      %dma_wait3A_196 = tpu.memref_squeeze %dma_wait3A_195 : memref<1x4096xf32, #tpu.memory_space<vmem>> -> memref<4096xf32, #tpu.memory_space<vmem>>
      %dma_wait3A_197 = arith.constant 0 : i32
      %dma_wait3A_198 = tpu.memref_slice %arg2[%dma_wait3A_197] : memref<25165824xf32, #tpu.memory_space<hbm>> -> memref<4096xf32, #tpu.memory_space<hbm>>
      tpu.wait_dma2 semaphore(%arg10 : memref<!tpu.dma_semaphore, #tpu.memory_space<semaphore_mem>>) src(%dma_wait3A_198 : memref<4096xf32, #tpu.memory_space<hbm>>) dst(%dma_wait3A_196 : memref<4096xf32, #tpu.memory_space<vmem>>)
      %ge3A_199 = arith.constant 2 : i32
      %ge3A_200 = arith.cmpi sge, %add3A_162, %ge3A_199 : i32
      %convert_element_type3A_201 = arith.extui %ge3A_200 : i1 to i32
      %cond3A_202 = arith.constant 0 : i32
      %cond3A_203 = arith.cmpi ne, %convert_element_type3A_201, %cond3A_202 : i32
      scf.if %cond3A_203 {
        %dma_wait3A_245 = arith.constant 0 : i32
        %dma_wait3A_246 = arith.constant 0 : i32
        %dma_wait3A_247 = tpu.memref_slice %arg3[%dma_wait3A_245, %dma_wait3A_246] : memref<2097152x16xf32, #tpu.memory_space<hbm>> -> memref<1024x16xf32, #tpu.memory_space<hbm>>
        %dma_wait3A_248 = arith.constant 0 : i32
        %dma_wait3A_249 = arith.constant 0 : i32
        %dma_wait3A_250 = tpu.memref_slice %arg3[%dma_wait3A_248, %dma_wait3A_249] : memref<2097152x16xf32, #tpu.memory_space<hbm>> -> memref<1024x16xf32, #tpu.memory_space<hbm>>
        tpu.wait_dma2 semaphore(%arg11 : memref<!tpu.dma_semaphore, #tpu.memory_space<semaphore_mem>>) src(%arg7 : memref<1024x16xf32, #tpu.memory_space<vmem>>) dst(%dma_wait3A_250 : memref<1024x16xf32, #tpu.memory_space<hbm>>)
      } else {
      }
      %scan3A_204 = arith.constant 0 : i32
      %scan3A_205 = arith.constant 0 : i32
      %scan3A_206 = arith.constant 256 : i32
      %scan3A_207 = arith.addi %scan3A_205, %scan3A_206 : i32
      %scan3A_208 = arith.constant 1 : i32
      scf.for %scan3A_245 = %scan3A_205 to %scan3A_207 step %scan3A_208  : i32 {
        %mul3A_246 = arith.constant 16 : i32
        %mul3A_247 = arith.muli %scan3A_245, %mul3A_246 : i32
        %mul3A_248 = arith.constant 16 : i32
        %mul3A_249 = arith.muli %scan3A_245, %mul3A_248 : i32
        %add3A_250 = vector.broadcast %mul3A_249 : i32 to vector<16xi32>
        %add3A_251 = arith.addi %add3A_250, %iota3A : vector<16xi32>
        %shift_right_arithmetic3A = arith.constant 2 : i32
        %shift_right_arithmetic3A_252 = vector.broadcast %shift_right_arithmetic3A : i32 to vector<16xi32>
        %shift_right_arithmetic3A_253 = arith.shrsi %add3A_251, %shift_right_arithmetic3A_252 : vector<16xi32>
        %and3A_254 = arith.constant 3 : i32
        %and3A_255 = vector.broadcast %and3A_254 : i32 to vector<16xi32>
        %and3A_256 = arith.andi %add3A_251, %and3A_255 : vector<16xi32>
        %shift_left3A = arith.constant 2 : i32
        %shift_left3A_257 = vector.broadcast %shift_left3A : i32 to vector<16xi32>
        %shift_left3A_258 = arith.shli %and3A_256, %shift_left3A_257 : vector<16xi32>
        %add3A_259 = arith.constant 0 : i32
        %add3A_260 = vector.broadcast %add3A_259 : i32 to vector<16xi32>
        %add3A_261 = arith.addi %shift_left3A_258, %add3A_260 : vector<16xi32>
        %get3A = arith.constant 0 : i32
        %get3A_262 = arith.index_cast %get3A : i32 to index
        %get3A_263 = arith.index_cast %mul3A_247 : i32 to index
        %get3A_264 = tpu.vector_load %arg6[%get3A_262, %get3A_263] {strides = array<i32>} : memref<3x4096xf32, #tpu.memory_space<vmem>>, vector<16xf32>,
        tpu.vector_store_idx %arg7[%shift_right_arithmetic3A_253, %add3A_261], %get3A_264 : memref<1024x16xf32, #tpu.memory_space<vmem>>[vector<16xi32>, vector<16xi32>], vector<16xf32>,
        %add3A_265 = arith.constant 1 : i32
        %add3A_266 = vector.broadcast %add3A_265 : i32 to vector<16xi32>
        %add3A_267 = arith.addi %shift_left3A_258, %add3A_266 : vector<16xi32>
        %get3A_268 = arith.constant 1 : i32
        %get3A_269 = arith.index_cast %get3A_268 : i32 to index
        %get3A_270 = arith.index_cast %mul3A_247 : i32 to index
        %get3A_271 = tpu.vector_load %arg6[%get3A_269, %get3A_270] {strides = array<i32>} : memref<3x4096xf32, #tpu.memory_space<vmem>>, vector<16xf32>,
        tpu.vector_store_idx %arg7[%shift_right_arithmetic3A_253, %add3A_267], %get3A_271 : memref<1024x16xf32, #tpu.memory_space<vmem>>[vector<16xi32>, vector<16xi32>], vector<16xf32>,
        %add3A_272 = arith.constant 2 : i32
        %add3A_273 = vector.broadcast %add3A_272 : i32 to vector<16xi32>
        %add3A_274 = arith.addi %shift_left3A_258, %add3A_273 : vector<16xi32>
        %get3A_275 = arith.constant 2 : i32
        %get3A_276 = arith.index_cast %get3A_275 : i32 to index
        %get3A_277 = arith.index_cast %mul3A_247 : i32 to index
        %get3A_278 = tpu.vector_load %arg6[%get3A_276, %get3A_277] {strides = array<i32>} : memref<3x4096xf32, #tpu.memory_space<vmem>>, vector<16xf32>,
        tpu.vector_store_idx %arg7[%shift_right_arithmetic3A_253, %add3A_274], %get3A_278 : memref<1024x16xf32, #tpu.memory_space<vmem>>[vector<16xi32>, vector<16xi32>], vector<16xf32>,
      }
      %scan3A_209 = arith.constant 256 : i32
      %jit3A_210 = arith.constant 4 : i32
      %div3A_211 = arith.divsi %add3A_165, %jit3A_210 : i32
      %sign3A_212 = arith.constant 0 : i32
      %sign3A_213 = arith.cmpi sgt, %add3A_165, %sign3A_212 : i32
      %sign3A_214 = arith.extui %sign3A_213 : i1 to i32
      %sign3A_215 = arith.constant 0 : i32
      %sign3A_216 = arith.cmpi slt, %add3A_165, %sign3A_215 : i32
      %sign3A_217 = arith.extui %sign3A_216 : i1 to i32
      %sign3A_218 = arith.subi %sign3A_214, %sign3A_217 : i32
      %sign3A_219 = arith.constant 0 : i32
      %sign3A_220 = arith.cmpi sgt, %jit3A_210, %sign3A_219 : i32
      %sign3A_221 = arith.extui %sign3A_220 : i1 to i32
      %sign3A_222 = arith.constant 0 : i32
      %sign3A_223 = arith.cmpi slt, %jit3A_210, %sign3A_222 : i32
      %sign3A_224 = arith.extui %sign3A_223 : i1 to i32
      %sign3A_225 = arith.subi %sign3A_221, %sign3A_224 : i32
      %ne3A_226 = arith.cmpi ne, %sign3A_218, %sign3A_225 : i32
      %rem3A_227 = arith.remsi %add3A_165, %jit3A_210 : i32
      %ne3A_228 = arith.constant 0 : i32
      %ne3A_229 = arith.cmpi ne, %rem3A_227, %ne3A_228 : i32
      %and3A_230 = arith.andi %ne3A_226, %ne3A_229 : i1
      %sub3A_231 = arith.constant 1 : i32
      %sub3A_232 = arith.subi %div3A_211, %sub3A_231 : i32
      %select_n3A_233 = arith.select %and3A_230, %sub3A_232, %div3A_211 : i32
      %dma_start3A_234 = arith.constant 0 : i32
      %dma_start3A_235 = tpu.memref_slice %arg3[%select_n3A_233, %dma_start3A_234] : memref<2097152x16xf32, #tpu.memory_space<hbm>> -> memref<1024x16xf32, #tpu.memory_space<hbm>>
      %dma_start3A_236 = arith.constant 0 : i32
      %dma_start3A_237 = tpu.memref_slice %arg3[%select_n3A_233, %dma_start3A_236] : memref<2097152x16xf32, #tpu.memory_space<hbm>> -> memref<1024x16xf32, #tpu.memory_space<hbm>>
      tpu.enqueue_dma source(%arg7 : memref<1024x16xf32, #tpu.memory_space<vmem>>) target(%dma_start3A_237 : memref<1024x16xf32, #tpu.memory_space<hbm>>) target_semaphore(%arg11 : memref<!tpu.dma_semaphore, #tpu.memory_space<semaphore_mem>>)
      %add3A_238 = arith.constant 2 : i32
      %add3A_239 = arith.addi %add3A_162, %add3A_238 : i32
      %lt3A_240 = arith.constant 64 : i32
      %lt3A_241 = arith.cmpi slt, %add3A_239, %lt3A_240 : i32
      %convert_element_type3A_242 = arith.extui %lt3A_241 : i1 to i32
      %cond3A_243 = arith.constant 0 : i32
      %cond3A_244 = arith.cmpi ne, %convert_element_type3A_242, %cond3A_243 : i32
      scf.if %cond3A_244 {
        %add3A_245 = arith.constant 2 : i32
        %add3A_246 = arith.addi %add3A_162, %add3A_245 : i32
        %mul3A_247 = arith.constant 4096 : i32
        %mul3A_248 = arith.muli %add3A_246, %mul3A_247 : i32
        %add3A_249 = arith.addi %mul3A_2, %mul3A_248 : i32
        %add3A_250 = arith.constant 0 : i32
        %add3A_251 = arith.addi %add3A_250, %add3A_249 : i32
        %dma_start3A_252 = arith.constant 0 : i32
        %dma_start3A_253 = arith.constant 0 : i32
        %dma_start3A_254 = tpu.memref_slice %arg6[%dma_start3A_252, %dma_start3A_253] : memref<3x4096xf32, #tpu.memory_space<vmem>> -> memref<1x4096xf32, #tpu.memory_space<vmem>>
        %dma_start3A_255 = tpu.memref_squeeze %dma_start3A_254 : memref<1x4096xf32, #tpu.memory_space<vmem>> -> memref<4096xf32, #tpu.memory_space<vmem>>
        %dma_start3A_256 = tpu.memref_slice %arg2[%add3A_251] : memref<25165824xf32, #tpu.memory_space<hbm>> -> memref<4096xf32, #tpu.memory_space<hbm>>
        %dma_start3A_257 = arith.constant 0 : i32
        %dma_start3A_258 = tpu.memref_slice %arg6[%dma_start3A_252, %dma_start3A_257] : memref<3x4096xf32, #tpu.memory_space<vmem>> -> memref<1x4096xf32, #tpu.memory_space<vmem>>
        %dma_start3A_259 = tpu.memref_squeeze %dma_start3A_258 : memref<1x4096xf32, #tpu.memory_space<vmem>> -> memref<4096xf32, #tpu.memory_space<vmem>>
        %dma_start3A_260 = tpu.memref_slice %arg2[%add3A_251] : memref<25165824xf32, #tpu.memory_space<hbm>> -> memref<4096xf32, #tpu.memory_space<hbm>>
        tpu.enqueue_dma source(%dma_start3A_260 : memref<4096xf32, #tpu.memory_space<hbm>>) target(%dma_start3A_259 : memref<4096xf32, #tpu.memory_space<vmem>>) target_semaphore(%arg10 : memref<!tpu.dma_semaphore, #tpu.memory_space<semaphore_mem>>)
        %add3A_261 = arith.constant 8388608 : i32
        %add3A_262 = arith.addi %add3A_261, %add3A_249 : i32
        %dma_start3A_263 = arith.constant 1 : i32
        %dma_start3A_264 = arith.constant 0 : i32
        %dma_start3A_265 = tpu.memref_slice %arg6[%dma_start3A_263, %dma_start3A_264] : memref<3x4096xf32, #tpu.memory_space<vmem>> -> memref<1x4096xf32, #tpu.memory_space<vmem>>
        %dma_start3A_266 = tpu.memref_squeeze %dma_start3A_265 : memref<1x4096xf32, #tpu.memory_space<vmem>> -> memref<4096xf32, #tpu.memory_space<vmem>>
        %dma_start3A_267 = tpu.memref_slice %arg2[%add3A_262] : memref<25165824xf32, #tpu.memory_space<hbm>> -> memref<4096xf32, #tpu.memory_space<hbm>>
        %dma_start3A_268 = arith.constant 0 : i32
        %dma_start3A_269 = tpu.memref_slice %arg6[%dma_start3A_263, %dma_start3A_268] : memref<3x4096xf32, #tpu.memory_space<vmem>> -> memref<1x4096xf32, #tpu.memory_space<vmem>>
        %dma_start3A_270 = tpu.memref_squeeze %dma_start3A_269 : memref<1x4096xf32, #tpu.memory_space<vmem>> -> memref<4096xf32, #tpu.memory_space<vmem>>
        %dma_start3A_271 = tpu.memref_slice %arg2[%add3A_262] : memref<25165824xf32, #tpu.memory_space<hbm>> -> memref<4096xf32, #tpu.memory_space<hbm>>
        tpu.enqueue_dma source(%dma_start3A_271 : memref<4096xf32, #tpu.memory_space<hbm>>) target(%dma_start3A_270 : memref<4096xf32, #tpu.memory_space<vmem>>) target_semaphore(%arg10 : memref<!tpu.dma_semaphore, #tpu.memory_space<semaphore_mem>>)
        %add3A_272 = arith.constant 16777216 : i32
        %add3A_273 = arith.addi %add3A_272, %add3A_249 : i32
        %dma_start3A_274 = arith.constant 2 : i32
        %dma_start3A_275 = arith.constant 0 : i32
        %dma_start3A_276 = tpu.memref_slice %arg6[%dma_start3A_274, %dma_start3A_275] : memref<3x4096xf32, #tpu.memory_space<vmem>> -> memref<1x4096xf32, #tpu.memory_space<vmem>>
        %dma_start3A_277 = tpu.memref_squeeze %dma_start3A_276 : memref<1x4096xf32, #tpu.memory_space<vmem>> -> memref<4096xf32, #tpu.memory_space<vmem>>
        %dma_start3A_278 = tpu.memref_slice %arg2[%add3A_273] : memref<25165824xf32, #tpu.memory_space<hbm>> -> memref<4096xf32, #tpu.memory_space<hbm>>
        %dma_start3A_279 = arith.constant 0 : i32
        %dma_start3A_280 = tpu.memref_slice %arg6[%dma_start3A_274, %dma_start3A_279] : memref<3x4096xf32, #tpu.memory_space<vmem>> -> memref<1x4096xf32, #tpu.memory_space<vmem>>
        %dma_start3A_281 = tpu.memref_squeeze %dma_start3A_280 : memref<1x4096xf32, #tpu.memory_space<vmem>> -> memref<4096xf32, #tpu.memory_space<vmem>>
        %dma_start3A_282 = tpu.memref_slice %arg2[%add3A_273] : memref<25165824xf32, #tpu.memory_space<hbm>> -> memref<4096xf32, #tpu.memory_space<hbm>>
        tpu.enqueue_dma source(%dma_start3A_282 : memref<4096xf32, #tpu.memory_space<hbm>>) target(%dma_start3A_281 : memref<4096xf32, #tpu.memory_space<vmem>>) target_semaphore(%arg10 : memref<!tpu.dma_semaphore, #tpu.memory_space<semaphore_mem>>)
      } else {
      }
    }
    %scan3A_76 = arith.constant 32 : i32
    %dma_wait3A = arith.constant 0 : i32
    %dma_wait3A_77 = arith.constant 0 : i32
    %dma_wait3A_78 = tpu.memref_slice %arg3[%dma_wait3A, %dma_wait3A_77] : memref<2097152x16xf32, #tpu.memory_space<hbm>> -> memref<1024x16xf32, #tpu.memory_space<hbm>>
    %dma_wait3A_79 = arith.constant 0 : i32
    %dma_wait3A_80 = arith.constant 0 : i32
    %dma_wait3A_81 = tpu.memref_slice %arg3[%dma_wait3A_79, %dma_wait3A_80] : memref<2097152x16xf32, #tpu.memory_space<hbm>> -> memref<1024x16xf32, #tpu.memory_space<hbm>>
    tpu.wait_dma2 semaphore(%arg9 : memref<!tpu.dma_semaphore, #tpu.memory_space<semaphore_mem>>) src(%arg5 : memref<1024x16xf32, #tpu.memory_space<vmem>>) dst(%dma_wait3A_81 : memref<1024x16xf32, #tpu.memory_space<hbm>>)
    %dma_wait3A_82 = arith.constant 0 : i32
    %dma_wait3A_83 = arith.constant 0 : i32
    %dma_wait3A_84 = tpu.memref_slice %arg3[%dma_wait3A_82, %dma_wait3A_83] : memref<2097152x16xf32, #tpu.memory_space<hbm>> -> memref<1024x16xf32, #tpu.memory_space<hbm>>
    %dma_wait3A_85 = arith.constant 0 : i32
    %dma_wait3A_86 = arith.constant 0 : i32
    %dma_wait3A_87 = tpu.memref_slice %arg3[%dma_wait3A_85, %dma_wait3A_86] : memref<2097152x16xf32, #tpu.memory_space<hbm>> -> memref<1024x16xf32, #tpu.memory_space<hbm>>
    tpu.wait_dma2 semaphore(%arg11 : memref<!tpu.dma_semaphore, #tpu.memory_space<semaphore_mem>>) src(%arg7 : memref<1024x16xf32, #tpu.memory_space<vmem>>) dst(%dma_wait3A_87 : memref<1024x16xf32, #tpu.memory_space<hbm>>)
    return
  }
}

#map = affine_map<(d0, d1) -> (0, 0)>
#map1 = affine_map<(d0, d1) -> (0)>
module attributes {stable_mosaic.version = 14 : i64} {
  func.func @body(%arg0: i32, %arg1: i32, %arg2: memref<2097152x16xf32, #tpu.memory_space<hbm>>, %arg3: memref<1048576xi32, #tpu.memory_space<hbm>>, %arg4: memref<1048576xi32, #tpu.memory_space<hbm>>, %arg5: memref<1048576xi32, #tpu.memory_space<hbm>>, %arg6: memref<1048576xi32, #tpu.memory_space<hbm>>, %arg7: memref<1048576xi32, #tpu.memory_space<hbm>>, %arg8: memref<1048576xi32, #tpu.memory_space<hbm>>, %arg9: memref<1048576xf32, #tpu.memory_space<hbm>>, %arg10: memref<1048576xf32, #tpu.memory_space<hbm>>, %arg11: memref<1048576xf32, #tpu.memory_space<hbm>>, %arg12: memref<1048576xf32, #tpu.memory_space<hbm>>, %arg13: memref<1048576xf32, #tpu.memory_space<hbm>>, %arg14: memref<4x512xi32, #tpu.memory_space<vmem>>, %arg15: memref<2x512xi32, #tpu.memory_space<vmem>>, %arg16: memref<2048x16xf32, #tpu.memory_space<vmem>>, %arg17: memref<2x512xf32, #tpu.memory_space<vmem>>, %arg18: memref<4x512xi32, #tpu.memory_space<vmem>>, %arg19: memref<2x512xi32, #tpu.memory_space<vmem>>, %arg20: memref<2048x16xf32, #tpu.memory_space<vmem>>, %arg21: memref<2x512xf32, #tpu.memory_space<vmem>>, %arg22: memref<3x512xf32, #tpu.memory_space<vmem>>, %arg23: memref<!tpu.dma_semaphore, #tpu.memory_space<semaphore_mem>>, %arg24: memref<!tpu.dma_semaphore, #tpu.memory_space<semaphore_mem>>, %arg25: memref<!tpu.dma_semaphore, #tpu.memory_space<semaphore_mem>>, %arg26: memref<!tpu.dma_semaphore, #tpu.memory_space<semaphore_mem>>, %arg27: memref<!tpu.dma_semaphore, #tpu.memory_space<semaphore_mem>>, %arg28: memref<!tpu.dma_semaphore, #tpu.memory_space<semaphore_mem>>) attributes {dimension_semantics = [#tpu.dimension_semantics<core_parallel>, #tpu.dimension_semantics<subcore_parallel>], iteration_bounds = array<i64: 2, 16>, scalar_prefetch = 0 : i64, scratch_operands = 15 : i64, tpu.core_type = #tpu.core_type<sc_vector_subcore>, window_params = [{transform_indices = #map}, {transform_indices = #map1}, {transform_indices = #map1}, {transform_indices = #map1}, {transform_indices = #map1}, {transform_indices = #map1}, {transform_indices = #map1}, {transform_indices = #map1}, {transform_indices = #map1}, {transform_indices = #map1}, {transform_indices = #map1}, {transform_indices = #map1}]} {
    %mul3A = arith.constant 2 : i32
    %mul3A_0 = arith.muli %arg1, %mul3A : i32
    %add3A = arith.addi %mul3A_0, %arg0 : i32
    %mul3A_1 = arith.constant 32768 : i32
    %mul3A_2 = arith.muli %add3A, %mul3A_1 : i32
    %iota3A = tpu.iota {dimensions = array<i32: 0>} : vector<16xi32>
    %add3A_3 = arith.constant 0 : i32
    %add3A_4 = arith.addi %mul3A_2, %add3A_3 : i32
    %dma_start3A = arith.constant 0 : i32
    %dma_start3A_5 = arith.constant 0 : i32
    %dma_start3A_6 = tpu.memref_slice %arg14[%dma_start3A, %dma_start3A_5] : memref<4x512xi32, #tpu.memory_space<vmem>> -> memref<1x512xi32, #tpu.memory_space<vmem>>
    %dma_start3A_7 = tpu.memref_squeeze %dma_start3A_6 : memref<1x512xi32, #tpu.memory_space<vmem>> -> memref<512xi32, #tpu.memory_space<vmem>>
    %dma_start3A_8 = tpu.memref_slice %arg3[%add3A_4] : memref<1048576xi32, #tpu.memory_space<hbm>> -> memref<512xi32, #tpu.memory_space<hbm>>
    %dma_start3A_9 = arith.constant 0 : i32
    %dma_start3A_10 = tpu.memref_slice %arg14[%dma_start3A, %dma_start3A_9] : memref<4x512xi32, #tpu.memory_space<vmem>> -> memref<1x512xi32, #tpu.memory_space<vmem>>
    %dma_start3A_11 = tpu.memref_squeeze %dma_start3A_10 : memref<1x512xi32, #tpu.memory_space<vmem>> -> memref<512xi32, #tpu.memory_space<vmem>>
    %dma_start3A_12 = tpu.memref_slice %arg3[%add3A_4] : memref<1048576xi32, #tpu.memory_space<hbm>> -> memref<512xi32, #tpu.memory_space<hbm>>
    tpu.enqueue_dma source(%dma_start3A_12 : memref<512xi32, #tpu.memory_space<hbm>>) target(%dma_start3A_11 : memref<512xi32, #tpu.memory_space<vmem>>) target_semaphore(%arg25 : memref<!tpu.dma_semaphore, #tpu.memory_space<semaphore_mem>>)
    %dma_start3A_13 = arith.constant 1 : i32
    %dma_start3A_14 = arith.constant 0 : i32
    %dma_start3A_15 = tpu.memref_slice %arg14[%dma_start3A_13, %dma_start3A_14] : memref<4x512xi32, #tpu.memory_space<vmem>> -> memref<1x512xi32, #tpu.memory_space<vmem>>
    %dma_start3A_16 = tpu.memref_squeeze %dma_start3A_15 : memref<1x512xi32, #tpu.memory_space<vmem>> -> memref<512xi32, #tpu.memory_space<vmem>>
    %dma_start3A_17 = tpu.memref_slice %arg4[%add3A_4] : memref<1048576xi32, #tpu.memory_space<hbm>> -> memref<512xi32, #tpu.memory_space<hbm>>
    %dma_start3A_18 = arith.constant 0 : i32
    %dma_start3A_19 = tpu.memref_slice %arg14[%dma_start3A_13, %dma_start3A_18] : memref<4x512xi32, #tpu.memory_space<vmem>> -> memref<1x512xi32, #tpu.memory_space<vmem>>
    %dma_start3A_20 = tpu.memref_squeeze %dma_start3A_19 : memref<1x512xi32, #tpu.memory_space<vmem>> -> memref<512xi32, #tpu.memory_space<vmem>>
    %dma_start3A_21 = tpu.memref_slice %arg4[%add3A_4] : memref<1048576xi32, #tpu.memory_space<hbm>> -> memref<512xi32, #tpu.memory_space<hbm>>
    tpu.enqueue_dma source(%dma_start3A_21 : memref<512xi32, #tpu.memory_space<hbm>>) target(%dma_start3A_20 : memref<512xi32, #tpu.memory_space<vmem>>) target_semaphore(%arg25 : memref<!tpu.dma_semaphore, #tpu.memory_space<semaphore_mem>>)
    %dma_start3A_22 = arith.constant 2 : i32
    %dma_start3A_23 = arith.constant 0 : i32
    %dma_start3A_24 = tpu.memref_slice %arg14[%dma_start3A_22, %dma_start3A_23] : memref<4x512xi32, #tpu.memory_space<vmem>> -> memref<1x512xi32, #tpu.memory_space<vmem>>
    %dma_start3A_25 = tpu.memref_squeeze %dma_start3A_24 : memref<1x512xi32, #tpu.memory_space<vmem>> -> memref<512xi32, #tpu.memory_space<vmem>>
    %dma_start3A_26 = tpu.memref_slice %arg5[%add3A_4] : memref<1048576xi32, #tpu.memory_space<hbm>> -> memref<512xi32, #tpu.memory_space<hbm>>
    %dma_start3A_27 = arith.constant 0 : i32
    %dma_start3A_28 = tpu.memref_slice %arg14[%dma_start3A_22, %dma_start3A_27] : memref<4x512xi32, #tpu.memory_space<vmem>> -> memref<1x512xi32, #tpu.memory_space<vmem>>
    %dma_start3A_29 = tpu.memref_squeeze %dma_start3A_28 : memref<1x512xi32, #tpu.memory_space<vmem>> -> memref<512xi32, #tpu.memory_space<vmem>>
    %dma_start3A_30 = tpu.memref_slice %arg5[%add3A_4] : memref<1048576xi32, #tpu.memory_space<hbm>> -> memref<512xi32, #tpu.memory_space<hbm>>
    tpu.enqueue_dma source(%dma_start3A_30 : memref<512xi32, #tpu.memory_space<hbm>>) target(%dma_start3A_29 : memref<512xi32, #tpu.memory_space<vmem>>) target_semaphore(%arg25 : memref<!tpu.dma_semaphore, #tpu.memory_space<semaphore_mem>>)
    %dma_start3A_31 = arith.constant 3 : i32
    %dma_start3A_32 = arith.constant 0 : i32
    %dma_start3A_33 = tpu.memref_slice %arg14[%dma_start3A_31, %dma_start3A_32] : memref<4x512xi32, #tpu.memory_space<vmem>> -> memref<1x512xi32, #tpu.memory_space<vmem>>
    %dma_start3A_34 = tpu.memref_squeeze %dma_start3A_33 : memref<1x512xi32, #tpu.memory_space<vmem>> -> memref<512xi32, #tpu.memory_space<vmem>>
    %dma_start3A_35 = tpu.memref_slice %arg6[%add3A_4] : memref<1048576xi32, #tpu.memory_space<hbm>> -> memref<512xi32, #tpu.memory_space<hbm>>
    %dma_start3A_36 = arith.constant 0 : i32
    %dma_start3A_37 = tpu.memref_slice %arg14[%dma_start3A_31, %dma_start3A_36] : memref<4x512xi32, #tpu.memory_space<vmem>> -> memref<1x512xi32, #tpu.memory_space<vmem>>
    %dma_start3A_38 = tpu.memref_squeeze %dma_start3A_37 : memref<1x512xi32, #tpu.memory_space<vmem>> -> memref<512xi32, #tpu.memory_space<vmem>>
    %dma_start3A_39 = tpu.memref_slice %arg6[%add3A_4] : memref<1048576xi32, #tpu.memory_space<hbm>> -> memref<512xi32, #tpu.memory_space<hbm>>
    tpu.enqueue_dma source(%dma_start3A_39 : memref<512xi32, #tpu.memory_space<hbm>>) target(%dma_start3A_38 : memref<512xi32, #tpu.memory_space<vmem>>) target_semaphore(%arg25 : memref<!tpu.dma_semaphore, #tpu.memory_space<semaphore_mem>>)
    %add3A_40 = arith.constant 0 : i32
    %add3A_41 = arith.addi %mul3A_2, %add3A_40 : i32
    %dma_start3A_42 = arith.constant 0 : i32
    %dma_start3A_43 = arith.constant 0 : i32
    %dma_start3A_44 = tpu.memref_slice %arg15[%dma_start3A_42, %dma_start3A_43] : memref<2x512xi32, #tpu.memory_space<vmem>> -> memref<1x512xi32, #tpu.memory_space<vmem>>
    %dma_start3A_45 = tpu.memref_squeeze %dma_start3A_44 : memref<1x512xi32, #tpu.memory_space<vmem>> -> memref<512xi32, #tpu.memory_space<vmem>>
    %dma_start3A_46 = tpu.memref_slice %arg7[%add3A_41] : memref<1048576xi32, #tpu.memory_space<hbm>> -> memref<512xi32, #tpu.memory_space<hbm>>
    %dma_start3A_47 = arith.constant 0 : i32
    %dma_start3A_48 = tpu.memref_slice %arg15[%dma_start3A_42, %dma_start3A_47] : memref<2x512xi32, #tpu.memory_space<vmem>> -> memref<1x512xi32, #tpu.memory_space<vmem>>
    %dma_start3A_49 = tpu.memref_squeeze %dma_start3A_48 : memref<1x512xi32, #tpu.memory_space<vmem>> -> memref<512xi32, #tpu.memory_space<vmem>>
    %dma_start3A_50 = tpu.memref_slice %arg7[%add3A_41] : memref<1048576xi32, #tpu.memory_space<hbm>> -> memref<512xi32, #tpu.memory_space<hbm>>
    tpu.enqueue_dma source(%dma_start3A_50 : memref<512xi32, #tpu.memory_space<hbm>>) target(%dma_start3A_49 : memref<512xi32, #tpu.memory_space<vmem>>) target_semaphore(%arg27 : memref<!tpu.dma_semaphore, #tpu.memory_space<semaphore_mem>>)
    %dma_start3A_51 = arith.constant 1 : i32
    %dma_start3A_52 = arith.constant 0 : i32
    %dma_start3A_53 = tpu.memref_slice %arg15[%dma_start3A_51, %dma_start3A_52] : memref<2x512xi32, #tpu.memory_space<vmem>> -> memref<1x512xi32, #tpu.memory_space<vmem>>
    %dma_start3A_54 = tpu.memref_squeeze %dma_start3A_53 : memref<1x512xi32, #tpu.memory_space<vmem>> -> memref<512xi32, #tpu.memory_space<vmem>>
    %dma_start3A_55 = tpu.memref_slice %arg8[%add3A_41] : memref<1048576xi32, #tpu.memory_space<hbm>> -> memref<512xi32, #tpu.memory_space<hbm>>
    %dma_start3A_56 = arith.constant 0 : i32
    %dma_start3A_57 = tpu.memref_slice %arg15[%dma_start3A_51, %dma_start3A_56] : memref<2x512xi32, #tpu.memory_space<vmem>> -> memref<1x512xi32, #tpu.memory_space<vmem>>
    %dma_start3A_58 = tpu.memref_squeeze %dma_start3A_57 : memref<1x512xi32, #tpu.memory_space<vmem>> -> memref<512xi32, #tpu.memory_space<vmem>>
    %dma_start3A_59 = tpu.memref_slice %arg8[%add3A_41] : memref<1048576xi32, #tpu.memory_space<hbm>> -> memref<512xi32, #tpu.memory_space<hbm>>
    tpu.enqueue_dma source(%dma_start3A_59 : memref<512xi32, #tpu.memory_space<hbm>>) target(%dma_start3A_58 : memref<512xi32, #tpu.memory_space<vmem>>) target_semaphore(%arg27 : memref<!tpu.dma_semaphore, #tpu.memory_space<semaphore_mem>>)
    %dma_start3A_60 = arith.constant 0 : i32
    %dma_start3A_61 = arith.constant 0 : i32
    %dma_start3A_62 = tpu.memref_slice %arg17[%dma_start3A_60, %dma_start3A_61] : memref<2x512xf32, #tpu.memory_space<vmem>> -> memref<1x512xf32, #tpu.memory_space<vmem>>
    %dma_start3A_63 = tpu.memref_squeeze %dma_start3A_62 : memref<1x512xf32, #tpu.memory_space<vmem>> -> memref<512xf32, #tpu.memory_space<vmem>>
    %dma_start3A_64 = tpu.memref_slice %arg9[%add3A_41] : memref<1048576xf32, #tpu.memory_space<hbm>> -> memref<512xf32, #tpu.memory_space<hbm>>
    %dma_start3A_65 = arith.constant 0 : i32
    %dma_start3A_66 = tpu.memref_slice %arg17[%dma_start3A_60, %dma_start3A_65] : memref<2x512xf32, #tpu.memory_space<vmem>> -> memref<1x512xf32, #tpu.memory_space<vmem>>
    %dma_start3A_67 = tpu.memref_squeeze %dma_start3A_66 : memref<1x512xf32, #tpu.memory_space<vmem>> -> memref<512xf32, #tpu.memory_space<vmem>>
    %dma_start3A_68 = tpu.memref_slice %arg9[%add3A_41] : memref<1048576xf32, #tpu.memory_space<hbm>> -> memref<512xf32, #tpu.memory_space<hbm>>
    tpu.enqueue_dma source(%dma_start3A_68 : memref<512xf32, #tpu.memory_space<hbm>>) target(%dma_start3A_67 : memref<512xf32, #tpu.memory_space<vmem>>) target_semaphore(%arg27 : memref<!tpu.dma_semaphore, #tpu.memory_space<semaphore_mem>>)
    %dma_start3A_69 = arith.constant 1 : i32
    %dma_start3A_70 = arith.constant 0 : i32
    %dma_start3A_71 = tpu.memref_slice %arg17[%dma_start3A_69, %dma_start3A_70] : memref<2x512xf32, #tpu.memory_space<vmem>> -> memref<1x512xf32, #tpu.memory_space<vmem>>
    %dma_start3A_72 = tpu.memref_squeeze %dma_start3A_71 : memref<1x512xf32, #tpu.memory_space<vmem>> -> memref<512xf32, #tpu.memory_space<vmem>>
    %dma_start3A_73 = tpu.memref_slice %arg10[%add3A_41] : memref<1048576xf32, #tpu.memory_space<hbm>> -> memref<512xf32, #tpu.memory_space<hbm>>
    %dma_start3A_74 = arith.constant 0 : i32
    %dma_start3A_75 = tpu.memref_slice %arg17[%dma_start3A_69, %dma_start3A_74] : memref<2x512xf32, #tpu.memory_space<vmem>> -> memref<1x512xf32, #tpu.memory_space<vmem>>
    %dma_start3A_76 = tpu.memref_squeeze %dma_start3A_75 : memref<1x512xf32, #tpu.memory_space<vmem>> -> memref<512xf32, #tpu.memory_space<vmem>>
    %dma_start3A_77 = tpu.memref_slice %arg10[%add3A_41] : memref<1048576xf32, #tpu.memory_space<hbm>> -> memref<512xf32, #tpu.memory_space<hbm>>
    tpu.enqueue_dma source(%dma_start3A_77 : memref<512xf32, #tpu.memory_space<hbm>>) target(%dma_start3A_76 : memref<512xf32, #tpu.memory_space<vmem>>) target_semaphore(%arg27 : memref<!tpu.dma_semaphore, #tpu.memory_space<semaphore_mem>>)
    %add3A_78 = arith.constant 512 : i32
    %add3A_79 = arith.addi %mul3A_2, %add3A_78 : i32
    %dma_start3A_80 = arith.constant 0 : i32
    %dma_start3A_81 = arith.constant 0 : i32
    %dma_start3A_82 = tpu.memref_slice %arg18[%dma_start3A_80, %dma_start3A_81] : memref<4x512xi32, #tpu.memory_space<vmem>> -> memref<1x512xi32, #tpu.memory_space<vmem>>
    %dma_start3A_83 = tpu.memref_squeeze %dma_start3A_82 : memref<1x512xi32, #tpu.memory_space<vmem>> -> memref<512xi32, #tpu.memory_space<vmem>>
    %dma_start3A_84 = tpu.memref_slice %arg3[%add3A_79] : memref<1048576xi32, #tpu.memory_space<hbm>> -> memref<512xi32, #tpu.memory_space<hbm>>
    %dma_start3A_85 = arith.constant 0 : i32
    %dma_start3A_86 = tpu.memref_slice %arg18[%dma_start3A_80, %dma_start3A_85] : memref<4x512xi32, #tpu.memory_space<vmem>> -> memref<1x512xi32, #tpu.memory_space<vmem>>
    %dma_start3A_87 = tpu.memref_squeeze %dma_start3A_86 : memref<1x512xi32, #tpu.memory_space<vmem>> -> memref<512xi32, #tpu.memory_space<vmem>>
    %dma_start3A_88 = tpu.memref_slice %arg3[%add3A_79] : memref<1048576xi32, #tpu.memory_space<hbm>> -> memref<512xi32, #tpu.memory_space<hbm>>
    tpu.enqueue_dma source(%dma_start3A_88 : memref<512xi32, #tpu.memory_space<hbm>>) target(%dma_start3A_87 : memref<512xi32, #tpu.memory_space<vmem>>) target_semaphore(%arg26 : memref<!tpu.dma_semaphore, #tpu.memory_space<semaphore_mem>>)
    %dma_start3A_89 = arith.constant 1 : i32
    %dma_start3A_90 = arith.constant 0 : i32
    %dma_start3A_91 = tpu.memref_slice %arg18[%dma_start3A_89, %dma_start3A_90] : memref<4x512xi32, #tpu.memory_space<vmem>> -> memref<1x512xi32, #tpu.memory_space<vmem>>
    %dma_start3A_92 = tpu.memref_squeeze %dma_start3A_91 : memref<1x512xi32, #tpu.memory_space<vmem>> -> memref<512xi32, #tpu.memory_space<vmem>>
    %dma_start3A_93 = tpu.memref_slice %arg4[%add3A_79] : memref<1048576xi32, #tpu.memory_space<hbm>> -> memref<512xi32, #tpu.memory_space<hbm>>
    %dma_start3A_94 = arith.constant 0 : i32
    %dma_start3A_95 = tpu.memref_slice %arg18[%dma_start3A_89, %dma_start3A_94] : memref<4x512xi32, #tpu.memory_space<vmem>> -> memref<1x512xi32, #tpu.memory_space<vmem>>
    %dma_start3A_96 = tpu.memref_squeeze %dma_start3A_95 : memref<1x512xi32, #tpu.memory_space<vmem>> -> memref<512xi32, #tpu.memory_space<vmem>>
    %dma_start3A_97 = tpu.memref_slice %arg4[%add3A_79] : memref<1048576xi32, #tpu.memory_space<hbm>> -> memref<512xi32, #tpu.memory_space<hbm>>
    tpu.enqueue_dma source(%dma_start3A_97 : memref<512xi32, #tpu.memory_space<hbm>>) target(%dma_start3A_96 : memref<512xi32, #tpu.memory_space<vmem>>) target_semaphore(%arg26 : memref<!tpu.dma_semaphore, #tpu.memory_space<semaphore_mem>>)
    %dma_start3A_98 = arith.constant 2 : i32
    %dma_start3A_99 = arith.constant 0 : i32
    %dma_start3A_100 = tpu.memref_slice %arg18[%dma_start3A_98, %dma_start3A_99] : memref<4x512xi32, #tpu.memory_space<vmem>> -> memref<1x512xi32, #tpu.memory_space<vmem>>
    %dma_start3A_101 = tpu.memref_squeeze %dma_start3A_100 : memref<1x512xi32, #tpu.memory_space<vmem>> -> memref<512xi32, #tpu.memory_space<vmem>>
    %dma_start3A_102 = tpu.memref_slice %arg5[%add3A_79] : memref<1048576xi32, #tpu.memory_space<hbm>> -> memref<512xi32, #tpu.memory_space<hbm>>
    %dma_start3A_103 = arith.constant 0 : i32
    %dma_start3A_104 = tpu.memref_slice %arg18[%dma_start3A_98, %dma_start3A_103] : memref<4x512xi32, #tpu.memory_space<vmem>> -> memref<1x512xi32, #tpu.memory_space<vmem>>
    %dma_start3A_105 = tpu.memref_squeeze %dma_start3A_104 : memref<1x512xi32, #tpu.memory_space<vmem>> -> memref<512xi32, #tpu.memory_space<vmem>>
    %dma_start3A_106 = tpu.memref_slice %arg5[%add3A_79] : memref<1048576xi32, #tpu.memory_space<hbm>> -> memref<512xi32, #tpu.memory_space<hbm>>
    tpu.enqueue_dma source(%dma_start3A_106 : memref<512xi32, #tpu.memory_space<hbm>>) target(%dma_start3A_105 : memref<512xi32, #tpu.memory_space<vmem>>) target_semaphore(%arg26 : memref<!tpu.dma_semaphore, #tpu.memory_space<semaphore_mem>>)
    %dma_start3A_107 = arith.constant 3 : i32
    %dma_start3A_108 = arith.constant 0 : i32
    %dma_start3A_109 = tpu.memref_slice %arg18[%dma_start3A_107, %dma_start3A_108] : memref<4x512xi32, #tpu.memory_space<vmem>> -> memref<1x512xi32, #tpu.memory_space<vmem>>
    %dma_start3A_110 = tpu.memref_squeeze %dma_start3A_109 : memref<1x512xi32, #tpu.memory_space<vmem>> -> memref<512xi32, #tpu.memory_space<vmem>>
    %dma_start3A_111 = tpu.memref_slice %arg6[%add3A_79] : memref<1048576xi32, #tpu.memory_space<hbm>> -> memref<512xi32, #tpu.memory_space<hbm>>
    %dma_start3A_112 = arith.constant 0 : i32
    %dma_start3A_113 = tpu.memref_slice %arg18[%dma_start3A_107, %dma_start3A_112] : memref<4x512xi32, #tpu.memory_space<vmem>> -> memref<1x512xi32, #tpu.memory_space<vmem>>
    %dma_start3A_114 = tpu.memref_squeeze %dma_start3A_113 : memref<1x512xi32, #tpu.memory_space<vmem>> -> memref<512xi32, #tpu.memory_space<vmem>>
    %dma_start3A_115 = tpu.memref_slice %arg6[%add3A_79] : memref<1048576xi32, #tpu.memory_space<hbm>> -> memref<512xi32, #tpu.memory_space<hbm>>
    tpu.enqueue_dma source(%dma_start3A_115 : memref<512xi32, #tpu.memory_space<hbm>>) target(%dma_start3A_114 : memref<512xi32, #tpu.memory_space<vmem>>) target_semaphore(%arg26 : memref<!tpu.dma_semaphore, #tpu.memory_space<semaphore_mem>>)
    %add3A_116 = arith.constant 512 : i32
    %add3A_117 = arith.addi %mul3A_2, %add3A_116 : i32
    %dma_start3A_118 = arith.constant 0 : i32
    %dma_start3A_119 = arith.constant 0 : i32
    %dma_start3A_120 = tpu.memref_slice %arg19[%dma_start3A_118, %dma_start3A_119] : memref<2x512xi32, #tpu.memory_space<vmem>> -> memref<1x512xi32, #tpu.memory_space<vmem>>
    %dma_start3A_121 = tpu.memref_squeeze %dma_start3A_120 : memref<1x512xi32, #tpu.memory_space<vmem>> -> memref<512xi32, #tpu.memory_space<vmem>>
    %dma_start3A_122 = tpu.memref_slice %arg7[%add3A_117] : memref<1048576xi32, #tpu.memory_space<hbm>> -> memref<512xi32, #tpu.memory_space<hbm>>
    %dma_start3A_123 = arith.constant 0 : i32
    %dma_start3A_124 = tpu.memref_slice %arg19[%dma_start3A_118, %dma_start3A_123] : memref<2x512xi32, #tpu.memory_space<vmem>> -> memref<1x512xi32, #tpu.memory_space<vmem>>
    %dma_start3A_125 = tpu.memref_squeeze %dma_start3A_124 : memref<1x512xi32, #tpu.memory_space<vmem>> -> memref<512xi32, #tpu.memory_space<vmem>>
    %dma_start3A_126 = tpu.memref_slice %arg7[%add3A_117] : memref<1048576xi32, #tpu.memory_space<hbm>> -> memref<512xi32, #tpu.memory_space<hbm>>
    tpu.enqueue_dma source(%dma_start3A_126 : memref<512xi32, #tpu.memory_space<hbm>>) target(%dma_start3A_125 : memref<512xi32, #tpu.memory_space<vmem>>) target_semaphore(%arg28 : memref<!tpu.dma_semaphore, #tpu.memory_space<semaphore_mem>>)
    %dma_start3A_127 = arith.constant 1 : i32
    %dma_start3A_128 = arith.constant 0 : i32
    %dma_start3A_129 = tpu.memref_slice %arg19[%dma_start3A_127, %dma_start3A_128] : memref<2x512xi32, #tpu.memory_space<vmem>> -> memref<1x512xi32, #tpu.memory_space<vmem>>
    %dma_start3A_130 = tpu.memref_squeeze %dma_start3A_129 : memref<1x512xi32, #tpu.memory_space<vmem>> -> memref<512xi32, #tpu.memory_space<vmem>>
    %dma_start3A_131 = tpu.memref_slice %arg8[%add3A_117] : memref<1048576xi32, #tpu.memory_space<hbm>> -> memref<512xi32, #tpu.memory_space<hbm>>
    %dma_start3A_132 = arith.constant 0 : i32
    %dma_start3A_133 = tpu.memref_slice %arg19[%dma_start3A_127, %dma_start3A_132] : memref<2x512xi32, #tpu.memory_space<vmem>> -> memref<1x512xi32, #tpu.memory_space<vmem>>
    %dma_start3A_134 = tpu.memref_squeeze %dma_start3A_133 : memref<1x512xi32, #tpu.memory_space<vmem>> -> memref<512xi32, #tpu.memory_space<vmem>>
    %dma_start3A_135 = tpu.memref_slice %arg8[%add3A_117] : memref<1048576xi32, #tpu.memory_space<hbm>> -> memref<512xi32, #tpu.memory_space<hbm>>
    tpu.enqueue_dma source(%dma_start3A_135 : memref<512xi32, #tpu.memory_space<hbm>>) target(%dma_start3A_134 : memref<512xi32, #tpu.memory_space<vmem>>) target_semaphore(%arg28 : memref<!tpu.dma_semaphore, #tpu.memory_space<semaphore_mem>>)
    %dma_start3A_136 = arith.constant 0 : i32
    %dma_start3A_137 = arith.constant 0 : i32
    %dma_start3A_138 = tpu.memref_slice %arg21[%dma_start3A_136, %dma_start3A_137] : memref<2x512xf32, #tpu.memory_space<vmem>> -> memref<1x512xf32, #tpu.memory_space<vmem>>
    %dma_start3A_139 = tpu.memref_squeeze %dma_start3A_138 : memref<1x512xf32, #tpu.memory_space<vmem>> -> memref<512xf32, #tpu.memory_space<vmem>>
    %dma_start3A_140 = tpu.memref_slice %arg9[%add3A_117] : memref<1048576xf32, #tpu.memory_space<hbm>> -> memref<512xf32, #tpu.memory_space<hbm>>
    %dma_start3A_141 = arith.constant 0 : i32
    %dma_start3A_142 = tpu.memref_slice %arg21[%dma_start3A_136, %dma_start3A_141] : memref<2x512xf32, #tpu.memory_space<vmem>> -> memref<1x512xf32, #tpu.memory_space<vmem>>
    %dma_start3A_143 = tpu.memref_squeeze %dma_start3A_142 : memref<1x512xf32, #tpu.memory_space<vmem>> -> memref<512xf32, #tpu.memory_space<vmem>>
    %dma_start3A_144 = tpu.memref_slice %arg9[%add3A_117] : memref<1048576xf32, #tpu.memory_space<hbm>> -> memref<512xf32, #tpu.memory_space<hbm>>
    tpu.enqueue_dma source(%dma_start3A_144 : memref<512xf32, #tpu.memory_space<hbm>>) target(%dma_start3A_143 : memref<512xf32, #tpu.memory_space<vmem>>) target_semaphore(%arg28 : memref<!tpu.dma_semaphore, #tpu.memory_space<semaphore_mem>>)
    %dma_start3A_145 = arith.constant 1 : i32
    %dma_start3A_146 = arith.constant 0 : i32
    %dma_start3A_147 = tpu.memref_slice %arg21[%dma_start3A_145, %dma_start3A_146] : memref<2x512xf32, #tpu.memory_space<vmem>> -> memref<1x512xf32, #tpu.memory_space<vmem>>
    %dma_start3A_148 = tpu.memref_squeeze %dma_start3A_147 : memref<1x512xf32, #tpu.memory_space<vmem>> -> memref<512xf32, #tpu.memory_space<vmem>>
    %dma_start3A_149 = tpu.memref_slice %arg10[%add3A_117] : memref<1048576xf32, #tpu.memory_space<hbm>> -> memref<512xf32, #tpu.memory_space<hbm>>
    %dma_start3A_150 = arith.constant 0 : i32
    %dma_start3A_151 = tpu.memref_slice %arg21[%dma_start3A_145, %dma_start3A_150] : memref<2x512xf32, #tpu.memory_space<vmem>> -> memref<1x512xf32, #tpu.memory_space<vmem>>
    %dma_start3A_152 = tpu.memref_squeeze %dma_start3A_151 : memref<1x512xf32, #tpu.memory_space<vmem>> -> memref<512xf32, #tpu.memory_space<vmem>>
    %dma_start3A_153 = tpu.memref_slice %arg10[%add3A_117] : memref<1048576xf32, #tpu.memory_space<hbm>> -> memref<512xf32, #tpu.memory_space<hbm>>
    tpu.enqueue_dma source(%dma_start3A_153 : memref<512xf32, #tpu.memory_space<hbm>>) target(%dma_start3A_152 : memref<512xf32, #tpu.memory_space<vmem>>) target_semaphore(%arg28 : memref<!tpu.dma_semaphore, #tpu.memory_space<semaphore_mem>>)
    %dma_wait3A = arith.constant 0 : i32
    %dma_wait3A_154 = arith.constant 0 : i32
    %dma_wait3A_155 = tpu.memref_slice %arg14[%dma_wait3A, %dma_wait3A_154] : memref<4x512xi32, #tpu.memory_space<vmem>> -> memref<1x512xi32, #tpu.memory_space<vmem>>
    %dma_wait3A_156 = tpu.memref_squeeze %dma_wait3A_155 : memref<1x512xi32, #tpu.memory_space<vmem>> -> memref<512xi32, #tpu.memory_space<vmem>>
    %dma_wait3A_157 = arith.constant 0 : i32
    %dma_wait3A_158 = tpu.memref_slice %arg3[%dma_wait3A_157] : memref<1048576xi32, #tpu.memory_space<hbm>> -> memref<512xi32, #tpu.memory_space<hbm>>
    %dma_wait3A_159 = arith.constant 0 : i32
    %dma_wait3A_160 = tpu.memref_slice %arg14[%dma_wait3A, %dma_wait3A_159] : memref<4x512xi32, #tpu.memory_space<vmem>> -> memref<1x512xi32, #tpu.memory_space<vmem>>
    %dma_wait3A_161 = tpu.memref_squeeze %dma_wait3A_160 : memref<1x512xi32, #tpu.memory_space<vmem>> -> memref<512xi32, #tpu.memory_space<vmem>>
    %dma_wait3A_162 = arith.constant 0 : i32
    %dma_wait3A_163 = tpu.memref_slice %arg3[%dma_wait3A_162] : memref<1048576xi32, #tpu.memory_space<hbm>> -> memref<512xi32, #tpu.memory_space<hbm>>
    tpu.wait_dma2 semaphore(%arg25 : memref<!tpu.dma_semaphore, #tpu.memory_space<semaphore_mem>>) src(%dma_wait3A_163 : memref<512xi32, #tpu.memory_space<hbm>>) dst(%dma_wait3A_161 : memref<512xi32, #tpu.memory_space<vmem>>)
    %dma_wait3A_164 = arith.constant 1 : i32
    %dma_wait3A_165 = arith.constant 0 : i32
    %dma_wait3A_166 = tpu.memref_slice %arg14[%dma_wait3A_164, %dma_wait3A_165] : memref<4x512xi32, #tpu.memory_space<vmem>> -> memref<1x512xi32, #tpu.memory_space<vmem>>
    %dma_wait3A_167 = tpu.memref_squeeze %dma_wait3A_166 : memref<1x512xi32, #tpu.memory_space<vmem>> -> memref<512xi32, #tpu.memory_space<vmem>>
    %dma_wait3A_168 = arith.constant 0 : i32
    %dma_wait3A_169 = tpu.memref_slice %arg3[%dma_wait3A_168] : memref<1048576xi32, #tpu.memory_space<hbm>> -> memref<512xi32, #tpu.memory_space<hbm>>
    %dma_wait3A_170 = arith.constant 0 : i32
    %dma_wait3A_171 = tpu.memref_slice %arg14[%dma_wait3A_164, %dma_wait3A_170] : memref<4x512xi32, #tpu.memory_space<vmem>> -> memref<1x512xi32, #tpu.memory_space<vmem>>
    %dma_wait3A_172 = tpu.memref_squeeze %dma_wait3A_171 : memref<1x512xi32, #tpu.memory_space<vmem>> -> memref<512xi32, #tpu.memory_space<vmem>>
    %dma_wait3A_173 = arith.constant 0 : i32
    %dma_wait3A_174 = tpu.memref_slice %arg3[%dma_wait3A_173] : memref<1048576xi32, #tpu.memory_space<hbm>> -> memref<512xi32, #tpu.memory_space<hbm>>
    tpu.wait_dma2 semaphore(%arg25 : memref<!tpu.dma_semaphore, #tpu.memory_space<semaphore_mem>>) src(%dma_wait3A_174 : memref<512xi32, #tpu.memory_space<hbm>>) dst(%dma_wait3A_172 : memref<512xi32, #tpu.memory_space<vmem>>)
    %dma_wait3A_175 = arith.constant 2 : i32
    %dma_wait3A_176 = arith.constant 0 : i32
    %dma_wait3A_177 = tpu.memref_slice %arg14[%dma_wait3A_175, %dma_wait3A_176] : memref<4x512xi32, #tpu.memory_space<vmem>> -> memref<1x512xi32, #tpu.memory_space<vmem>>
    %dma_wait3A_178 = tpu.memref_squeeze %dma_wait3A_177 : memref<1x512xi32, #tpu.memory_space<vmem>> -> memref<512xi32, #tpu.memory_space<vmem>>
    %dma_wait3A_179 = arith.constant 0 : i32
    %dma_wait3A_180 = tpu.memref_slice %arg3[%dma_wait3A_179] : memref<1048576xi32, #tpu.memory_space<hbm>> -> memref<512xi32, #tpu.memory_space<hbm>>
    %dma_wait3A_181 = arith.constant 0 : i32
    %dma_wait3A_182 = tpu.memref_slice %arg14[%dma_wait3A_175, %dma_wait3A_181] : memref<4x512xi32, #tpu.memory_space<vmem>> -> memref<1x512xi32, #tpu.memory_space<vmem>>
    %dma_wait3A_183 = tpu.memref_squeeze %dma_wait3A_182 : memref<1x512xi32, #tpu.memory_space<vmem>> -> memref<512xi32, #tpu.memory_space<vmem>>
    %dma_wait3A_184 = arith.constant 0 : i32
    %dma_wait3A_185 = tpu.memref_slice %arg3[%dma_wait3A_184] : memref<1048576xi32, #tpu.memory_space<hbm>> -> memref<512xi32, #tpu.memory_space<hbm>>
    tpu.wait_dma2 semaphore(%arg25 : memref<!tpu.dma_semaphore, #tpu.memory_space<semaphore_mem>>) src(%dma_wait3A_185 : memref<512xi32, #tpu.memory_space<hbm>>) dst(%dma_wait3A_183 : memref<512xi32, #tpu.memory_space<vmem>>)
    %dma_wait3A_186 = arith.constant 3 : i32
    %dma_wait3A_187 = arith.constant 0 : i32
    %dma_wait3A_188 = tpu.memref_slice %arg14[%dma_wait3A_186, %dma_wait3A_187] : memref<4x512xi32, #tpu.memory_space<vmem>> -> memref<1x512xi32, #tpu.memory_space<vmem>>
    %dma_wait3A_189 = tpu.memref_squeeze %dma_wait3A_188 : memref<1x512xi32, #tpu.memory_space<vmem>> -> memref<512xi32, #tpu.memory_space<vmem>>
    %dma_wait3A_190 = arith.constant 0 : i32
    %dma_wait3A_191 = tpu.memref_slice %arg3[%dma_wait3A_190] : memref<1048576xi32, #tpu.memory_space<hbm>> -> memref<512xi32, #tpu.memory_space<hbm>>
    %dma_wait3A_192 = arith.constant 0 : i32
    %dma_wait3A_193 = tpu.memref_slice %arg14[%dma_wait3A_186, %dma_wait3A_192] : memref<4x512xi32, #tpu.memory_space<vmem>> -> memref<1x512xi32, #tpu.memory_space<vmem>>
    %dma_wait3A_194 = tpu.memref_squeeze %dma_wait3A_193 : memref<1x512xi32, #tpu.memory_space<vmem>> -> memref<512xi32, #tpu.memory_space<vmem>>
    %dma_wait3A_195 = arith.constant 0 : i32
    %dma_wait3A_196 = tpu.memref_slice %arg3[%dma_wait3A_195] : memref<1048576xi32, #tpu.memory_space<hbm>> -> memref<512xi32, #tpu.memory_space<hbm>>
    tpu.wait_dma2 semaphore(%arg25 : memref<!tpu.dma_semaphore, #tpu.memory_space<semaphore_mem>>) src(%dma_wait3A_196 : memref<512xi32, #tpu.memory_space<hbm>>) dst(%dma_wait3A_194 : memref<512xi32, #tpu.memory_space<vmem>>)
    %dma_start3A_197 = arith.constant 0 : i32
    %dma_start3A_198 = arith.constant 0 : i32
    %dma_start3A_199 = arith.constant 0 : i32
    %dma_start3A_200 = tpu.memref_slice %arg16[%dma_start3A_198, %dma_start3A_199] : memref<2048x16xf32, #tpu.memory_space<vmem>> -> memref<512x16xf32, #tpu.memory_space<vmem>>
    %dma_start3A_201 = arith.constant 0 : i32
    %dma_start3A_202 = tpu.memref_slice %arg14[%dma_start3A_197, %dma_start3A_201] : memref<4x512xi32, #tpu.memory_space<vmem>> -> memref<1x512xi32, #tpu.memory_space<vmem>>
    %dma_start3A_203 = tpu.memref_squeeze %dma_start3A_202 : memref<1x512xi32, #tpu.memory_space<vmem>> -> memref<512xi32, #tpu.memory_space<vmem>>
    %dma_start3A_204 = arith.constant 0 : i32
    %dma_start3A_205 = arith.constant 0 : i32
    %dma_start3A_206 = tpu.memref_slice %arg2[%dma_start3A_204, %dma_start3A_205] : memref<2097152x16xf32, #tpu.memory_space<hbm>> -> memref<2097152x16xf32, #tpu.memory_space<hbm>>
    tpu.enqueue_indirect_dma source(%dma_start3A_206 : memref<2097152x16xf32, #tpu.memory_space<hbm>>) target(%dma_start3A_200 : memref<512x16xf32, #tpu.memory_space<vmem>>) offsets(%dma_start3A_203 : memref<512xi32, #tpu.memory_space<vmem>>) semaphore(%arg23 : memref<!tpu.dma_semaphore, #tpu.memory_space<semaphore_mem>>)
    %dma_start3A_207 = arith.constant 1 : i32
    %dma_start3A_208 = arith.constant 512 : i32
    %dma_start3A_209 = arith.constant 0 : i32
    %dma_start3A_210 = tpu.memref_slice %arg16[%dma_start3A_208, %dma_start3A_209] : memref<2048x16xf32, #tpu.memory_space<vmem>> -> memref<512x16xf32, #tpu.memory_space<vmem>>
    %dma_start3A_211 = arith.constant 0 : i32
    %dma_start3A_212 = tpu.memref_slice %arg14[%dma_start3A_207, %dma_start3A_211] : memref<4x512xi32, #tpu.memory_space<vmem>> -> memref<1x512xi32, #tpu.memory_space<vmem>>
    %dma_start3A_213 = tpu.memref_squeeze %dma_start3A_212 : memref<1x512xi32, #tpu.memory_space<vmem>> -> memref<512xi32, #tpu.memory_space<vmem>>
    %dma_start3A_214 = arith.constant 0 : i32
    %dma_start3A_215 = arith.constant 0 : i32
    %dma_start3A_216 = tpu.memref_slice %arg2[%dma_start3A_214, %dma_start3A_215] : memref<2097152x16xf32, #tpu.memory_space<hbm>> -> memref<2097152x16xf32, #tpu.memory_space<hbm>>
    tpu.enqueue_indirect_dma source(%dma_start3A_216 : memref<2097152x16xf32, #tpu.memory_space<hbm>>) target(%dma_start3A_210 : memref<512x16xf32, #tpu.memory_space<vmem>>) offsets(%dma_start3A_213 : memref<512xi32, #tpu.memory_space<vmem>>) semaphore(%arg23 : memref<!tpu.dma_semaphore, #tpu.memory_space<semaphore_mem>>)
    %dma_start3A_217 = arith.constant 2 : i32
    %dma_start3A_218 = arith.constant 1024 : i32
    %dma_start3A_219 = arith.constant 0 : i32
    %dma_start3A_220 = tpu.memref_slice %arg16[%dma_start3A_218, %dma_start3A_219] : memref<2048x16xf32, #tpu.memory_space<vmem>> -> memref<512x16xf32, #tpu.memory_space<vmem>>
    %dma_start3A_221 = arith.constant 0 : i32
    %dma_start3A_222 = tpu.memref_slice %arg14[%dma_start3A_217, %dma_start3A_221] : memref<4x512xi32, #tpu.memory_space<vmem>> -> memref<1x512xi32, #tpu.memory_space<vmem>>
    %dma_start3A_223 = tpu.memref_squeeze %dma_start3A_222 : memref<1x512xi32, #tpu.memory_space<vmem>> -> memref<512xi32, #tpu.memory_space<vmem>>
    %dma_start3A_224 = arith.constant 0 : i32
    %dma_start3A_225 = arith.constant 0 : i32
    %dma_start3A_226 = tpu.memref_slice %arg2[%dma_start3A_224, %dma_start3A_225] : memref<2097152x16xf32, #tpu.memory_space<hbm>> -> memref<2097152x16xf32, #tpu.memory_space<hbm>>
    tpu.enqueue_indirect_dma source(%dma_start3A_226 : memref<2097152x16xf32, #tpu.memory_space<hbm>>) target(%dma_start3A_220 : memref<512x16xf32, #tpu.memory_space<vmem>>) offsets(%dma_start3A_223 : memref<512xi32, #tpu.memory_space<vmem>>) semaphore(%arg23 : memref<!tpu.dma_semaphore, #tpu.memory_space<semaphore_mem>>)
    %dma_start3A_227 = arith.constant 3 : i32
    %dma_start3A_228 = arith.constant 1536 : i32
    %dma_start3A_229 = arith.constant 0 : i32
    %dma_start3A_230 = tpu.memref_slice %arg16[%dma_start3A_228, %dma_start3A_229] : memref<2048x16xf32, #tpu.memory_space<vmem>> -> memref<512x16xf32, #tpu.memory_space<vmem>>
    %dma_start3A_231 = arith.constant 0 : i32
    %dma_start3A_232 = tpu.memref_slice %arg14[%dma_start3A_227, %dma_start3A_231] : memref<4x512xi32, #tpu.memory_space<vmem>> -> memref<1x512xi32, #tpu.memory_space<vmem>>
    %dma_start3A_233 = tpu.memref_squeeze %dma_start3A_232 : memref<1x512xi32, #tpu.memory_space<vmem>> -> memref<512xi32, #tpu.memory_space<vmem>>
    %dma_start3A_234 = arith.constant 0 : i32
    %dma_start3A_235 = arith.constant 0 : i32
    %dma_start3A_236 = tpu.memref_slice %arg2[%dma_start3A_234, %dma_start3A_235] : memref<2097152x16xf32, #tpu.memory_space<hbm>> -> memref<2097152x16xf32, #tpu.memory_space<hbm>>
    tpu.enqueue_indirect_dma source(%dma_start3A_236 : memref<2097152x16xf32, #tpu.memory_space<hbm>>) target(%dma_start3A_230 : memref<512x16xf32, #tpu.memory_space<vmem>>) offsets(%dma_start3A_233 : memref<512xi32, #tpu.memory_space<vmem>>) semaphore(%arg23 : memref<!tpu.dma_semaphore, #tpu.memory_space<semaphore_mem>>)
    %dma_wait3A_237 = arith.constant 0 : i32
    %dma_wait3A_238 = arith.constant 0 : i32
    %dma_wait3A_239 = tpu.memref_slice %arg18[%dma_wait3A_237, %dma_wait3A_238] : memref<4x512xi32, #tpu.memory_space<vmem>> -> memref<1x512xi32, #tpu.memory_space<vmem>>
    %dma_wait3A_240 = tpu.memref_squeeze %dma_wait3A_239 : memref<1x512xi32, #tpu.memory_space<vmem>> -> memref<512xi32, #tpu.memory_space<vmem>>
    %dma_wait3A_241 = arith.constant 0 : i32
    %dma_wait3A_242 = tpu.memref_slice %arg3[%dma_wait3A_241] : memref<1048576xi32, #tpu.memory_space<hbm>> -> memref<512xi32, #tpu.memory_space<hbm>>
    %dma_wait3A_243 = arith.constant 0 : i32
    %dma_wait3A_244 = tpu.memref_slice %arg18[%dma_wait3A_237, %dma_wait3A_243] : memref<4x512xi32, #tpu.memory_space<vmem>> -> memref<1x512xi32, #tpu.memory_space<vmem>>
    %dma_wait3A_245 = tpu.memref_squeeze %dma_wait3A_244 : memref<1x512xi32, #tpu.memory_space<vmem>> -> memref<512xi32, #tpu.memory_space<vmem>>
    %dma_wait3A_246 = arith.constant 0 : i32
    %dma_wait3A_247 = tpu.memref_slice %arg3[%dma_wait3A_246] : memref<1048576xi32, #tpu.memory_space<hbm>> -> memref<512xi32, #tpu.memory_space<hbm>>
    tpu.wait_dma2 semaphore(%arg26 : memref<!tpu.dma_semaphore, #tpu.memory_space<semaphore_mem>>) src(%dma_wait3A_247 : memref<512xi32, #tpu.memory_space<hbm>>) dst(%dma_wait3A_245 : memref<512xi32, #tpu.memory_space<vmem>>)
    %dma_wait3A_248 = arith.constant 1 : i32
    %dma_wait3A_249 = arith.constant 0 : i32
    %dma_wait3A_250 = tpu.memref_slice %arg18[%dma_wait3A_248, %dma_wait3A_249] : memref<4x512xi32, #tpu.memory_space<vmem>> -> memref<1x512xi32, #tpu.memory_space<vmem>>
    %dma_wait3A_251 = tpu.memref_squeeze %dma_wait3A_250 : memref<1x512xi32, #tpu.memory_space<vmem>> -> memref<512xi32, #tpu.memory_space<vmem>>
    %dma_wait3A_252 = arith.constant 0 : i32
    %dma_wait3A_253 = tpu.memref_slice %arg3[%dma_wait3A_252] : memref<1048576xi32, #tpu.memory_space<hbm>> -> memref<512xi32, #tpu.memory_space<hbm>>
    %dma_wait3A_254 = arith.constant 0 : i32
    %dma_wait3A_255 = tpu.memref_slice %arg18[%dma_wait3A_248, %dma_wait3A_254] : memref<4x512xi32, #tpu.memory_space<vmem>> -> memref<1x512xi32, #tpu.memory_space<vmem>>
    %dma_wait3A_256 = tpu.memref_squeeze %dma_wait3A_255 : memref<1x512xi32, #tpu.memory_space<vmem>> -> memref<512xi32, #tpu.memory_space<vmem>>
    %dma_wait3A_257 = arith.constant 0 : i32
    %dma_wait3A_258 = tpu.memref_slice %arg3[%dma_wait3A_257] : memref<1048576xi32, #tpu.memory_space<hbm>> -> memref<512xi32, #tpu.memory_space<hbm>>
    tpu.wait_dma2 semaphore(%arg26 : memref<!tpu.dma_semaphore, #tpu.memory_space<semaphore_mem>>) src(%dma_wait3A_258 : memref<512xi32, #tpu.memory_space<hbm>>) dst(%dma_wait3A_256 : memref<512xi32, #tpu.memory_space<vmem>>)
    %dma_wait3A_259 = arith.constant 2 : i32
    %dma_wait3A_260 = arith.constant 0 : i32
    %dma_wait3A_261 = tpu.memref_slice %arg18[%dma_wait3A_259, %dma_wait3A_260] : memref<4x512xi32, #tpu.memory_space<vmem>> -> memref<1x512xi32, #tpu.memory_space<vmem>>
    %dma_wait3A_262 = tpu.memref_squeeze %dma_wait3A_261 : memref<1x512xi32, #tpu.memory_space<vmem>> -> memref<512xi32, #tpu.memory_space<vmem>>
    %dma_wait3A_263 = arith.constant 0 : i32
    %dma_wait3A_264 = tpu.memref_slice %arg3[%dma_wait3A_263] : memref<1048576xi32, #tpu.memory_space<hbm>> -> memref<512xi32, #tpu.memory_space<hbm>>
    %dma_wait3A_265 = arith.constant 0 : i32
    %dma_wait3A_266 = tpu.memref_slice %arg18[%dma_wait3A_259, %dma_wait3A_265] : memref<4x512xi32, #tpu.memory_space<vmem>> -> memref<1x512xi32, #tpu.memory_space<vmem>>
    %dma_wait3A_267 = tpu.memref_squeeze %dma_wait3A_266 : memref<1x512xi32, #tpu.memory_space<vmem>> -> memref<512xi32, #tpu.memory_space<vmem>>
    %dma_wait3A_268 = arith.constant 0 : i32
    %dma_wait3A_269 = tpu.memref_slice %arg3[%dma_wait3A_268] : memref<1048576xi32, #tpu.memory_space<hbm>> -> memref<512xi32, #tpu.memory_space<hbm>>
    tpu.wait_dma2 semaphore(%arg26 : memref<!tpu.dma_semaphore, #tpu.memory_space<semaphore_mem>>) src(%dma_wait3A_269 : memref<512xi32, #tpu.memory_space<hbm>>) dst(%dma_wait3A_267 : memref<512xi32, #tpu.memory_space<vmem>>)
    %dma_wait3A_270 = arith.constant 3 : i32
    %dma_wait3A_271 = arith.constant 0 : i32
    %dma_wait3A_272 = tpu.memref_slice %arg18[%dma_wait3A_270, %dma_wait3A_271] : memref<4x512xi32, #tpu.memory_space<vmem>> -> memref<1x512xi32, #tpu.memory_space<vmem>>
    %dma_wait3A_273 = tpu.memref_squeeze %dma_wait3A_272 : memref<1x512xi32, #tpu.memory_space<vmem>> -> memref<512xi32, #tpu.memory_space<vmem>>
    %dma_wait3A_274 = arith.constant 0 : i32
    %dma_wait3A_275 = tpu.memref_slice %arg3[%dma_wait3A_274] : memref<1048576xi32, #tpu.memory_space<hbm>> -> memref<512xi32, #tpu.memory_space<hbm>>
    %dma_wait3A_276 = arith.constant 0 : i32
    %dma_wait3A_277 = tpu.memref_slice %arg18[%dma_wait3A_270, %dma_wait3A_276] : memref<4x512xi32, #tpu.memory_space<vmem>> -> memref<1x512xi32, #tpu.memory_space<vmem>>
    %dma_wait3A_278 = tpu.memref_squeeze %dma_wait3A_277 : memref<1x512xi32, #tpu.memory_space<vmem>> -> memref<512xi32, #tpu.memory_space<vmem>>
    %dma_wait3A_279 = arith.constant 0 : i32
    %dma_wait3A_280 = tpu.memref_slice %arg3[%dma_wait3A_279] : memref<1048576xi32, #tpu.memory_space<hbm>> -> memref<512xi32, #tpu.memory_space<hbm>>
    tpu.wait_dma2 semaphore(%arg26 : memref<!tpu.dma_semaphore, #tpu.memory_space<semaphore_mem>>) src(%dma_wait3A_280 : memref<512xi32, #tpu.memory_space<hbm>>) dst(%dma_wait3A_278 : memref<512xi32, #tpu.memory_space<vmem>>)
    %dma_start3A_281 = arith.constant 0 : i32
    %dma_start3A_282 = arith.constant 0 : i32
    %dma_start3A_283 = arith.constant 0 : i32
    %dma_start3A_284 = tpu.memref_slice %arg20[%dma_start3A_282, %dma_start3A_283] : memref<2048x16xf32, #tpu.memory_space<vmem>> -> memref<512x16xf32, #tpu.memory_space<vmem>>
    %dma_start3A_285 = arith.constant 0 : i32
    %dma_start3A_286 = tpu.memref_slice %arg18[%dma_start3A_281, %dma_start3A_285] : memref<4x512xi32, #tpu.memory_space<vmem>> -> memref<1x512xi32, #tpu.memory_space<vmem>>
    %dma_start3A_287 = tpu.memref_squeeze %dma_start3A_286 : memref<1x512xi32, #tpu.memory_space<vmem>> -> memref<512xi32, #tpu.memory_space<vmem>>
    %dma_start3A_288 = arith.constant 0 : i32
    %dma_start3A_289 = arith.constant 0 : i32
    %dma_start3A_290 = tpu.memref_slice %arg2[%dma_start3A_288, %dma_start3A_289] : memref<2097152x16xf32, #tpu.memory_space<hbm>> -> memref<2097152x16xf32, #tpu.memory_space<hbm>>
    tpu.enqueue_indirect_dma source(%dma_start3A_290 : memref<2097152x16xf32, #tpu.memory_space<hbm>>) target(%dma_start3A_284 : memref<512x16xf32, #tpu.memory_space<vmem>>) offsets(%dma_start3A_287 : memref<512xi32, #tpu.memory_space<vmem>>) semaphore(%arg24 : memref<!tpu.dma_semaphore, #tpu.memory_space<semaphore_mem>>)
    %dma_start3A_291 = arith.constant 1 : i32
    %dma_start3A_292 = arith.constant 512 : i32
    %dma_start3A_293 = arith.constant 0 : i32
    %dma_start3A_294 = tpu.memref_slice %arg20[%dma_start3A_292, %dma_start3A_293] : memref<2048x16xf32, #tpu.memory_space<vmem>> -> memref<512x16xf32, #tpu.memory_space<vmem>>
    %dma_start3A_295 = arith.constant 0 : i32
    %dma_start3A_296 = tpu.memref_slice %arg18[%dma_start3A_291, %dma_start3A_295] : memref<4x512xi32, #tpu.memory_space<vmem>> -> memref<1x512xi32, #tpu.memory_space<vmem>>
    %dma_start3A_297 = tpu.memref_squeeze %dma_start3A_296 : memref<1x512xi32, #tpu.memory_space<vmem>> -> memref<512xi32, #tpu.memory_space<vmem>>
    %dma_start3A_298 = arith.constant 0 : i32
    %dma_start3A_299 = arith.constant 0 : i32
    %dma_start3A_300 = tpu.memref_slice %arg2[%dma_start3A_298, %dma_start3A_299] : memref<2097152x16xf32, #tpu.memory_space<hbm>> -> memref<2097152x16xf32, #tpu.memory_space<hbm>>
    tpu.enqueue_indirect_dma source(%dma_start3A_300 : memref<2097152x16xf32, #tpu.memory_space<hbm>>) target(%dma_start3A_294 : memref<512x16xf32, #tpu.memory_space<vmem>>) offsets(%dma_start3A_297 : memref<512xi32, #tpu.memory_space<vmem>>) semaphore(%arg24 : memref<!tpu.dma_semaphore, #tpu.memory_space<semaphore_mem>>)
    %dma_start3A_301 = arith.constant 2 : i32
    %dma_start3A_302 = arith.constant 1024 : i32
    %dma_start3A_303 = arith.constant 0 : i32
    %dma_start3A_304 = tpu.memref_slice %arg20[%dma_start3A_302, %dma_start3A_303] : memref<2048x16xf32, #tpu.memory_space<vmem>> -> memref<512x16xf32, #tpu.memory_space<vmem>>
    %dma_start3A_305 = arith.constant 0 : i32
    %dma_start3A_306 = tpu.memref_slice %arg18[%dma_start3A_301, %dma_start3A_305] : memref<4x512xi32, #tpu.memory_space<vmem>> -> memref<1x512xi32, #tpu.memory_space<vmem>>
    %dma_start3A_307 = tpu.memref_squeeze %dma_start3A_306 : memref<1x512xi32, #tpu.memory_space<vmem>> -> memref<512xi32, #tpu.memory_space<vmem>>
    %dma_start3A_308 = arith.constant 0 : i32
    %dma_start3A_309 = arith.constant 0 : i32
    %dma_start3A_310 = tpu.memref_slice %arg2[%dma_start3A_308, %dma_start3A_309] : memref<2097152x16xf32, #tpu.memory_space<hbm>> -> memref<2097152x16xf32, #tpu.memory_space<hbm>>
    tpu.enqueue_indirect_dma source(%dma_start3A_310 : memref<2097152x16xf32, #tpu.memory_space<hbm>>) target(%dma_start3A_304 : memref<512x16xf32, #tpu.memory_space<vmem>>) offsets(%dma_start3A_307 : memref<512xi32, #tpu.memory_space<vmem>>) semaphore(%arg24 : memref<!tpu.dma_semaphore, #tpu.memory_space<semaphore_mem>>)
    %dma_start3A_311 = arith.constant 3 : i32
    %dma_start3A_312 = arith.constant 1536 : i32
    %dma_start3A_313 = arith.constant 0 : i32
    %dma_start3A_314 = tpu.memref_slice %arg20[%dma_start3A_312, %dma_start3A_313] : memref<2048x16xf32, #tpu.memory_space<vmem>> -> memref<512x16xf32, #tpu.memory_space<vmem>>
    %dma_start3A_315 = arith.constant 0 : i32
    %dma_start3A_316 = tpu.memref_slice %arg18[%dma_start3A_311, %dma_start3A_315] : memref<4x512xi32, #tpu.memory_space<vmem>> -> memref<1x512xi32, #tpu.memory_space<vmem>>
    %dma_start3A_317 = tpu.memref_squeeze %dma_start3A_316 : memref<1x512xi32, #tpu.memory_space<vmem>> -> memref<512xi32, #tpu.memory_space<vmem>>
    %dma_start3A_318 = arith.constant 0 : i32
    %dma_start3A_319 = arith.constant 0 : i32
    %dma_start3A_320 = tpu.memref_slice %arg2[%dma_start3A_318, %dma_start3A_319] : memref<2097152x16xf32, #tpu.memory_space<hbm>> -> memref<2097152x16xf32, #tpu.memory_space<hbm>>
    tpu.enqueue_indirect_dma source(%dma_start3A_320 : memref<2097152x16xf32, #tpu.memory_space<hbm>>) target(%dma_start3A_314 : memref<512x16xf32, #tpu.memory_space<vmem>>) offsets(%dma_start3A_317 : memref<512xi32, #tpu.memory_space<vmem>>) semaphore(%arg24 : memref<!tpu.dma_semaphore, #tpu.memory_space<semaphore_mem>>)
    %scan3A = arith.constant 0 : i32
    %scan3A_321 = arith.constant 0 : i32
    %scan3A_322 = arith.constant 32 : i32
    %scan3A_323 = arith.addi %scan3A_321, %scan3A_322 : i32
    %scan3A_324 = arith.constant 1 : i32
    scf.for %scan3A_326 = %scan3A_321 to %scan3A_323 step %scan3A_324  : i32 {
      %mul3A_327 = arith.constant 2 : i32
      %mul3A_328 = arith.muli %mul3A_327, %scan3A_326 : i32
      %dma_wait3A_329 = arith.constant 0 : i32
      %dma_wait3A_330 = arith.constant 0 : i32
      %dma_wait3A_331 = tpu.memref_slice %arg16[%dma_wait3A_329, %dma_wait3A_330] : memref<2048x16xf32, #tpu.memory_space<vmem>> -> memref<512x16xf32, #tpu.memory_space<vmem>>
      %dma_wait3A_332 = arith.constant 0 : i32
      %dma_wait3A_333 = arith.constant 0 : i32
      %dma_wait3A_334 = tpu.memref_slice %arg2[%dma_wait3A_332, %dma_wait3A_333] : memref<2097152x16xf32, #tpu.memory_space<hbm>> -> memref<512x16xf32, #tpu.memory_space<hbm>>
      %dma_wait3A_335 = arith.constant 0 : i32
      %dma_wait3A_336 = arith.constant 0 : i32
      %dma_wait3A_337 = tpu.memref_slice %arg16[%dma_wait3A_335, %dma_wait3A_336] : memref<2048x16xf32, #tpu.memory_space<vmem>> -> memref<512x16xf32, #tpu.memory_space<vmem>>
      %dma_wait3A_338 = arith.constant 0 : i32
      %dma_wait3A_339 = arith.constant 0 : i32
      %dma_wait3A_340 = tpu.memref_slice %arg2[%dma_wait3A_338, %dma_wait3A_339] : memref<2097152x16xf32, #tpu.memory_space<hbm>> -> memref<512x16xf32, #tpu.memory_space<hbm>>
      tpu.wait_dma2 semaphore(%arg23 : memref<!tpu.dma_semaphore, #tpu.memory_space<semaphore_mem>>) src(%dma_wait3A_340 : memref<512x16xf32, #tpu.memory_space<hbm>>) dst(%dma_wait3A_337 : memref<512x16xf32, #tpu.memory_space<vmem>>)
      %dma_wait3A_341 = arith.constant 512 : i32
      %dma_wait3A_342 = arith.constant 0 : i32
      %dma_wait3A_343 = tpu.memref_slice %arg16[%dma_wait3A_341, %dma_wait3A_342] : memref<2048x16xf32, #tpu.memory_space<vmem>> -> memref<512x16xf32, #tpu.memory_space<vmem>>
      %dma_wait3A_344 = arith.constant 0 : i32
      %dma_wait3A_345 = arith.constant 0 : i32
      %dma_wait3A_346 = tpu.memref_slice %arg2[%dma_wait3A_344, %dma_wait3A_345] : memref<2097152x16xf32, #tpu.memory_space<hbm>> -> memref<512x16xf32, #tpu.memory_space<hbm>>
      %dma_wait3A_347 = arith.constant 512 : i32
      %dma_wait3A_348 = arith.constant 0 : i32
      %dma_wait3A_349 = tpu.memref_slice %arg16[%dma_wait3A_347, %dma_wait3A_348] : memref<2048x16xf32, #tpu.memory_space<vmem>> -> memref<512x16xf32, #tpu.memory_space<vmem>>
      %dma_wait3A_350 = arith.constant 0 : i32
      %dma_wait3A_351 = arith.constant 0 : i32
      %dma_wait3A_352 = tpu.memref_slice %arg2[%dma_wait3A_350, %dma_wait3A_351] : memref<2097152x16xf32, #tpu.memory_space<hbm>> -> memref<512x16xf32, #tpu.memory_space<hbm>>
      tpu.wait_dma2 semaphore(%arg23 : memref<!tpu.dma_semaphore, #tpu.memory_space<semaphore_mem>>) src(%dma_wait3A_352 : memref<512x16xf32, #tpu.memory_space<hbm>>) dst(%dma_wait3A_349 : memref<512x16xf32, #tpu.memory_space<vmem>>)
      %dma_wait3A_353 = arith.constant 1024 : i32
      %dma_wait3A_354 = arith.constant 0 : i32
      %dma_wait3A_355 = tpu.memref_slice %arg16[%dma_wait3A_353, %dma_wait3A_354] : memref<2048x16xf32, #tpu.memory_space<vmem>> -> memref<512x16xf32, #tpu.memory_space<vmem>>
      %dma_wait3A_356 = arith.constant 0 : i32
      %dma_wait3A_357 = arith.constant 0 : i32
      %dma_wait3A_358 = tpu.memref_slice %arg2[%dma_wait3A_356, %dma_wait3A_357] : memref<2097152x16xf32, #tpu.memory_space<hbm>> -> memref<512x16xf32, #tpu.memory_space<hbm>>
      %dma_wait3A_359 = arith.constant 1024 : i32
      %dma_wait3A_360 = arith.constant 0 : i32
      %dma_wait3A_361 = tpu.memref_slice %arg16[%dma_wait3A_359, %dma_wait3A_360] : memref<2048x16xf32, #tpu.memory_space<vmem>> -> memref<512x16xf32, #tpu.memory_space<vmem>>
      %dma_wait3A_362 = arith.constant 0 : i32
      %dma_wait3A_363 = arith.constant 0 : i32
      %dma_wait3A_364 = tpu.memref_slice %arg2[%dma_wait3A_362, %dma_wait3A_363] : memref<2097152x16xf32, #tpu.memory_space<hbm>> -> memref<512x16xf32, #tpu.memory_space<hbm>>
      tpu.wait_dma2 semaphore(%arg23 : memref<!tpu.dma_semaphore, #tpu.memory_space<semaphore_mem>>) src(%dma_wait3A_364 : memref<512x16xf32, #tpu.memory_space<hbm>>) dst(%dma_wait3A_361 : memref<512x16xf32, #tpu.memory_space<vmem>>)
      %dma_wait3A_365 = arith.constant 1536 : i32
      %dma_wait3A_366 = arith.constant 0 : i32
      %dma_wait3A_367 = tpu.memref_slice %arg16[%dma_wait3A_365, %dma_wait3A_366] : memref<2048x16xf32, #tpu.memory_space<vmem>> -> memref<512x16xf32, #tpu.memory_space<vmem>>
      %dma_wait3A_368 = arith.constant 0 : i32
      %dma_wait3A_369 = arith.constant 0 : i32
      %dma_wait3A_370 = tpu.memref_slice %arg2[%dma_wait3A_368, %dma_wait3A_369] : memref<2097152x16xf32, #tpu.memory_space<hbm>> -> memref<512x16xf32, #tpu.memory_space<hbm>>
      %dma_wait3A_371 = arith.constant 1536 : i32
      %dma_wait3A_372 = arith.constant 0 : i32
      %dma_wait3A_373 = tpu.memref_slice %arg16[%dma_wait3A_371, %dma_wait3A_372] : memref<2048x16xf32, #tpu.memory_space<vmem>> -> memref<512x16xf32, #tpu.memory_space<vmem>>
      %dma_wait3A_374 = arith.constant 0 : i32
      %dma_wait3A_375 = arith.constant 0 : i32
      %dma_wait3A_376 = tpu.memref_slice %arg2[%dma_wait3A_374, %dma_wait3A_375] : memref<2097152x16xf32, #tpu.memory_space<hbm>> -> memref<512x16xf32, #tpu.memory_space<hbm>>
      tpu.wait_dma2 semaphore(%arg23 : memref<!tpu.dma_semaphore, #tpu.memory_space<semaphore_mem>>) src(%dma_wait3A_376 : memref<512x16xf32, #tpu.memory_space<hbm>>) dst(%dma_wait3A_373 : memref<512x16xf32, #tpu.memory_space<vmem>>)
      %add3A_377 = arith.constant 2 : i32
      %add3A_378 = arith.addi %mul3A_328, %add3A_377 : i32
      %lt3A = arith.constant 64 : i32
      %lt3A_379 = arith.cmpi slt, %add3A_378, %lt3A : i32
      %convert_element_type3A = arith.extui %lt3A_379 : i1 to i32
      %cond3A = arith.constant 0 : i32
      %cond3A_380 = arith.cmpi ne, %convert_element_type3A, %cond3A : i32
      scf.if %cond3A_380 {
        %add3A_563 = arith.constant 2 : i32
        %add3A_564 = arith.addi %mul3A_328, %add3A_563 : i32
        %mul3A_565 = arith.constant 512 : i32
        %mul3A_566 = arith.muli %add3A_564, %mul3A_565 : i32
        %add3A_567 = arith.addi %mul3A_2, %mul3A_566 : i32
        %dma_start3A_568 = arith.constant 0 : i32
        %dma_start3A_569 = arith.constant 0 : i32
        %dma_start3A_570 = tpu.memref_slice %arg14[%dma_start3A_568, %dma_start3A_569] : memref<4x512xi32, #tpu.memory_space<vmem>> -> memref<1x512xi32, #tpu.memory_space<vmem>>
        %dma_start3A_571 = tpu.memref_squeeze %dma_start3A_570 : memref<1x512xi32, #tpu.memory_space<vmem>> -> memref<512xi32, #tpu.memory_space<vmem>>
        %dma_start3A_572 = tpu.memref_slice %arg3[%add3A_567] : memref<1048576xi32, #tpu.memory_space<hbm>> -> memref<512xi32, #tpu.memory_space<hbm>>
        %dma_start3A_573 = arith.constant 0 : i32
        %dma_start3A_574 = tpu.memref_slice %arg14[%dma_start3A_568, %dma_start3A_573] : memref<4x512xi32, #tpu.memory_space<vmem>> -> memref<1x512xi32, #tpu.memory_space<vmem>>
        %dma_start3A_575 = tpu.memref_squeeze %dma_start3A_574 : memref<1x512xi32, #tpu.memory_space<vmem>> -> memref<512xi32, #tpu.memory_space<vmem>>
        %dma_start3A_576 = tpu.memref_slice %arg3[%add3A_567] : memref<1048576xi32, #tpu.memory_space<hbm>> -> memref<512xi32, #tpu.memory_space<hbm>>
        tpu.enqueue_dma source(%dma_start3A_576 : memref<512xi32, #tpu.memory_space<hbm>>) target(%dma_start3A_575 : memref<512xi32, #tpu.memory_space<vmem>>) target_semaphore(%arg25 : memref<!tpu.dma_semaphore, #tpu.memory_space<semaphore_mem>>)
        %dma_start3A_577 = arith.constant 1 : i32
        %dma_start3A_578 = arith.constant 0 : i32
        %dma_start3A_579 = tpu.memref_slice %arg14[%dma_start3A_577, %dma_start3A_578] : memref<4x512xi32, #tpu.memory_space<vmem>> -> memref<1x512xi32, #tpu.memory_space<vmem>>
        %dma_start3A_580 = tpu.memref_squeeze %dma_start3A_579 : memref<1x512xi32, #tpu.memory_space<vmem>> -> memref<512xi32, #tpu.memory_space<vmem>>
        %dma_start3A_581 = tpu.memref_slice %arg4[%add3A_567] : memref<1048576xi32, #tpu.memory_space<hbm>> -> memref<512xi32, #tpu.memory_space<hbm>>
        %dma_start3A_582 = arith.constant 0 : i32
        %dma_start3A_583 = tpu.memref_slice %arg14[%dma_start3A_577, %dma_start3A_582] : memref<4x512xi32, #tpu.memory_space<vmem>> -> memref<1x512xi32, #tpu.memory_space<vmem>>
        %dma_start3A_584 = tpu.memref_squeeze %dma_start3A_583 : memref<1x512xi32, #tpu.memory_space<vmem>> -> memref<512xi32, #tpu.memory_space<vmem>>
        %dma_start3A_585 = tpu.memref_slice %arg4[%add3A_567] : memref<1048576xi32, #tpu.memory_space<hbm>> -> memref<512xi32, #tpu.memory_space<hbm>>
        tpu.enqueue_dma source(%dma_start3A_585 : memref<512xi32, #tpu.memory_space<hbm>>) target(%dma_start3A_584 : memref<512xi32, #tpu.memory_space<vmem>>) target_semaphore(%arg25 : memref<!tpu.dma_semaphore, #tpu.memory_space<semaphore_mem>>)
        %dma_start3A_586 = arith.constant 2 : i32
        %dma_start3A_587 = arith.constant 0 : i32
        %dma_start3A_588 = tpu.memref_slice %arg14[%dma_start3A_586, %dma_start3A_587] : memref<4x512xi32, #tpu.memory_space<vmem>> -> memref<1x512xi32, #tpu.memory_space<vmem>>
        %dma_start3A_589 = tpu.memref_squeeze %dma_start3A_588 : memref<1x512xi32, #tpu.memory_space<vmem>> -> memref<512xi32, #tpu.memory_space<vmem>>
        %dma_start3A_590 = tpu.memref_slice %arg5[%add3A_567] : memref<1048576xi32, #tpu.memory_space<hbm>> -> memref<512xi32, #tpu.memory_space<hbm>>
        %dma_start3A_591 = arith.constant 0 : i32
        %dma_start3A_592 = tpu.memref_slice %arg14[%dma_start3A_586, %dma_start3A_591] : memref<4x512xi32, #tpu.memory_space<vmem>> -> memref<1x512xi32, #tpu.memory_space<vmem>>
        %dma_start3A_593 = tpu.memref_squeeze %dma_start3A_592 : memref<1x512xi32, #tpu.memory_space<vmem>> -> memref<512xi32, #tpu.memory_space<vmem>>
        %dma_start3A_594 = tpu.memref_slice %arg5[%add3A_567] : memref<1048576xi32, #tpu.memory_space<hbm>> -> memref<512xi32, #tpu.memory_space<hbm>>
        tpu.enqueue_dma source(%dma_start3A_594 : memref<512xi32, #tpu.memory_space<hbm>>) target(%dma_start3A_593 : memref<512xi32, #tpu.memory_space<vmem>>) target_semaphore(%arg25 : memref<!tpu.dma_semaphore, #tpu.memory_space<semaphore_mem>>)
        %dma_start3A_595 = arith.constant 3 : i32
        %dma_start3A_596 = arith.constant 0 : i32
        %dma_start3A_597 = tpu.memref_slice %arg14[%dma_start3A_595, %dma_start3A_596] : memref<4x512xi32, #tpu.memory_space<vmem>> -> memref<1x512xi32, #tpu.memory_space<vmem>>
        %dma_start3A_598 = tpu.memref_squeeze %dma_start3A_597 : memref<1x512xi32, #tpu.memory_space<vmem>> -> memref<512xi32, #tpu.memory_space<vmem>>
        %dma_start3A_599 = tpu.memref_slice %arg6[%add3A_567] : memref<1048576xi32, #tpu.memory_space<hbm>> -> memref<512xi32, #tpu.memory_space<hbm>>
        %dma_start3A_600 = arith.constant 0 : i32
        %dma_start3A_601 = tpu.memref_slice %arg14[%dma_start3A_595, %dma_start3A_600] : memref<4x512xi32, #tpu.memory_space<vmem>> -> memref<1x512xi32, #tpu.memory_space<vmem>>
        %dma_start3A_602 = tpu.memref_squeeze %dma_start3A_601 : memref<1x512xi32, #tpu.memory_space<vmem>> -> memref<512xi32, #tpu.memory_space<vmem>>
        %dma_start3A_603 = tpu.memref_slice %arg6[%add3A_567] : memref<1048576xi32, #tpu.memory_space<hbm>> -> memref<512xi32, #tpu.memory_space<hbm>>
        tpu.enqueue_dma source(%dma_start3A_603 : memref<512xi32, #tpu.memory_space<hbm>>) target(%dma_start3A_602 : memref<512xi32, #tpu.memory_space<vmem>>) target_semaphore(%arg25 : memref<!tpu.dma_semaphore, #tpu.memory_space<semaphore_mem>>)
      } else {
      }
      %mul3A_381 = arith.constant 512 : i32
      %mul3A_382 = arith.muli %mul3A_328, %mul3A_381 : i32
      %add3A_383 = arith.addi %mul3A_2, %mul3A_382 : i32
      %dma_wait3A_384 = arith.constant 0 : i32
      %dma_wait3A_385 = arith.constant 0 : i32
      %dma_wait3A_386 = tpu.memref_slice %arg15[%dma_wait3A_384, %dma_wait3A_385] : memref<2x512xi32, #tpu.memory_space<vmem>> -> memref<1x512xi32, #tpu.memory_space<vmem>>
      %dma_wait3A_387 = tpu.memref_squeeze %dma_wait3A_386 : memref<1x512xi32, #tpu.memory_space<vmem>> -> memref<512xi32, #tpu.memory_space<vmem>>
      %dma_wait3A_388 = arith.constant 0 : i32
      %dma_wait3A_389 = tpu.memref_slice %arg7[%dma_wait3A_388] : memref<1048576xi32, #tpu.memory_space<hbm>> -> memref<512xi32, #tpu.memory_space<hbm>>
      %dma_wait3A_390 = arith.constant 0 : i32
      %dma_wait3A_391 = tpu.memref_slice %arg15[%dma_wait3A_384, %dma_wait3A_390] : memref<2x512xi32, #tpu.memory_space<vmem>> -> memref<1x512xi32, #tpu.memory_space<vmem>>
      %dma_wait3A_392 = tpu.memref_squeeze %dma_wait3A_391 : memref<1x512xi32, #tpu.memory_space<vmem>> -> memref<512xi32, #tpu.memory_space<vmem>>
      %dma_wait3A_393 = arith.constant 0 : i32
      %dma_wait3A_394 = tpu.memref_slice %arg7[%dma_wait3A_393] : memref<1048576xi32, #tpu.memory_space<hbm>> -> memref<512xi32, #tpu.memory_space<hbm>>
      tpu.wait_dma2 semaphore(%arg27 : memref<!tpu.dma_semaphore, #tpu.memory_space<semaphore_mem>>) src(%dma_wait3A_394 : memref<512xi32, #tpu.memory_space<hbm>>) dst(%dma_wait3A_392 : memref<512xi32, #tpu.memory_space<vmem>>)
      %dma_wait3A_395 = arith.constant 1 : i32
      %dma_wait3A_396 = arith.constant 0 : i32
      %dma_wait3A_397 = tpu.memref_slice %arg15[%dma_wait3A_395, %dma_wait3A_396] : memref<2x512xi32, #tpu.memory_space<vmem>> -> memref<1x512xi32, #tpu.memory_space<vmem>>
      %dma_wait3A_398 = tpu.memref_squeeze %dma_wait3A_397 : memref<1x512xi32, #tpu.memory_space<vmem>> -> memref<512xi32, #tpu.memory_space<vmem>>
      %dma_wait3A_399 = arith.constant 0 : i32
      %dma_wait3A_400 = tpu.memref_slice %arg7[%dma_wait3A_399] : memref<1048576xi32, #tpu.memory_space<hbm>> -> memref<512xi32, #tpu.memory_space<hbm>>
      %dma_wait3A_401 = arith.constant 0 : i32
      %dma_wait3A_402 = tpu.memref_slice %arg15[%dma_wait3A_395, %dma_wait3A_401] : memref<2x512xi32, #tpu.memory_space<vmem>> -> memref<1x512xi32, #tpu.memory_space<vmem>>
      %dma_wait3A_403 = tpu.memref_squeeze %dma_wait3A_402 : memref<1x512xi32, #tpu.memory_space<vmem>> -> memref<512xi32, #tpu.memory_space<vmem>>
      %dma_wait3A_404 = arith.constant 0 : i32
      %dma_wait3A_405 = tpu.memref_slice %arg7[%dma_wait3A_404] : memref<1048576xi32, #tpu.memory_space<hbm>> -> memref<512xi32, #tpu.memory_space<hbm>>
      tpu.wait_dma2 semaphore(%arg27 : memref<!tpu.dma_semaphore, #tpu.memory_space<semaphore_mem>>) src(%dma_wait3A_405 : memref<512xi32, #tpu.memory_space<hbm>>) dst(%dma_wait3A_403 : memref<512xi32, #tpu.memory_space<vmem>>)
      %dma_wait3A_406 = arith.constant 0 : i32
      %dma_wait3A_407 = arith.constant 0 : i32
      %dma_wait3A_408 = tpu.memref_slice %arg17[%dma_wait3A_406, %dma_wait3A_407] : memref<2x512xf32, #tpu.memory_space<vmem>> -> memref<1x512xf32, #tpu.memory_space<vmem>>
      %dma_wait3A_409 = tpu.memref_squeeze %dma_wait3A_408 : memref<1x512xf32, #tpu.memory_space<vmem>> -> memref<512xf32, #tpu.memory_space<vmem>>
      %dma_wait3A_410 = arith.constant 0 : i32
      %dma_wait3A_411 = tpu.memref_slice %arg9[%dma_wait3A_410] : memref<1048576xf32, #tpu.memory_space<hbm>> -> memref<512xf32, #tpu.memory_space<hbm>>
      %dma_wait3A_412 = arith.constant 0 : i32
      %dma_wait3A_413 = tpu.memref_slice %arg17[%dma_wait3A_406, %dma_wait3A_412] : memref<2x512xf32, #tpu.memory_space<vmem>> -> memref<1x512xf32, #tpu.memory_space<vmem>>
      %dma_wait3A_414 = tpu.memref_squeeze %dma_wait3A_413 : memref<1x512xf32, #tpu.memory_space<vmem>> -> memref<512xf32, #tpu.memory_space<vmem>>
      %dma_wait3A_415 = arith.constant 0 : i32
      %dma_wait3A_416 = tpu.memref_slice %arg9[%dma_wait3A_415] : memref<1048576xf32, #tpu.memory_space<hbm>> -> memref<512xf32, #tpu.memory_space<hbm>>
      tpu.wait_dma2 semaphore(%arg27 : memref<!tpu.dma_semaphore, #tpu.memory_space<semaphore_mem>>) src(%dma_wait3A_416 : memref<512xf32, #tpu.memory_space<hbm>>) dst(%dma_wait3A_414 : memref<512xf32, #tpu.memory_space<vmem>>)
      %dma_wait3A_417 = arith.constant 1 : i32
      %dma_wait3A_418 = arith.constant 0 : i32
      %dma_wait3A_419 = tpu.memref_slice %arg17[%dma_wait3A_417, %dma_wait3A_418] : memref<2x512xf32, #tpu.memory_space<vmem>> -> memref<1x512xf32, #tpu.memory_space<vmem>>
      %dma_wait3A_420 = tpu.memref_squeeze %dma_wait3A_419 : memref<1x512xf32, #tpu.memory_space<vmem>> -> memref<512xf32, #tpu.memory_space<vmem>>
      %dma_wait3A_421 = arith.constant 0 : i32
      %dma_wait3A_422 = tpu.memref_slice %arg9[%dma_wait3A_421] : memref<1048576xf32, #tpu.memory_space<hbm>> -> memref<512xf32, #tpu.memory_space<hbm>>
      %dma_wait3A_423 = arith.constant 0 : i32
      %dma_wait3A_424 = tpu.memref_slice %arg17[%dma_wait3A_417, %dma_wait3A_423] : memref<2x512xf32, #tpu.memory_space<vmem>> -> memref<1x512xf32, #tpu.memory_space<vmem>>
      %dma_wait3A_425 = tpu.memref_squeeze %dma_wait3A_424 : memref<1x512xf32, #tpu.memory_space<vmem>> -> memref<512xf32, #tpu.memory_space<vmem>>
      %dma_wait3A_426 = arith.constant 0 : i32
      %dma_wait3A_427 = tpu.memref_slice %arg9[%dma_wait3A_426] : memref<1048576xf32, #tpu.memory_space<hbm>> -> memref<512xf32, #tpu.memory_space<hbm>>
      tpu.wait_dma2 semaphore(%arg27 : memref<!tpu.dma_semaphore, #tpu.memory_space<semaphore_mem>>) src(%dma_wait3A_427 : memref<512xf32, #tpu.memory_space<hbm>>) dst(%dma_wait3A_425 : memref<512xf32, #tpu.memory_space<vmem>>)
      %scan3A_428 = arith.constant 0 : i32
      %scan3A_429 = arith.constant 0 : i32
      %scan3A_430 = arith.constant 32 : i32
      %scan3A_431 = arith.addi %scan3A_429, %scan3A_430 : i32
      %scan3A_432 = arith.constant 1 : i32
      scf.for %scan3A_563 = %scan3A_429 to %scan3A_431 step %scan3A_432  : i32 {
        %mul3A_564 = arith.constant 16 : i32
        %mul3A_565 = arith.muli %scan3A_563, %mul3A_564 : i32
        %mul3A_566 = arith.constant 16 : i32
        %mul3A_567 = arith.muli %scan3A_563, %mul3A_566 : i32
        %add3A_568 = vector.broadcast %mul3A_567 : i32 to vector<16xi32>
        %add3A_569 = arith.addi %add3A_568, %iota3A : vector<16xi32>
        %get3A = arith.constant 0 : i32
        %get3A_570 = arith.index_cast %get3A : i32 to index
        %get3A_571 = arith.index_cast %mul3A_565 : i32 to index
        %get3A_572 = tpu.vector_load %arg15[%get3A_570, %get3A_571] {strides = array<i32>} : memref<2x512xi32, #tpu.memory_space<vmem>>, vector<16xi32>,
        %get3A_573 = arith.constant 1 : i32
        %get3A_574 = arith.index_cast %get3A_573 : i32 to index
        %get3A_575 = arith.index_cast %mul3A_565 : i32 to index
        %get3A_576 = tpu.vector_load %arg15[%get3A_574, %get3A_575] {strides = array<i32>} : memref<2x512xi32, #tpu.memory_space<vmem>>, vector<16xi32>,
        %get3A_577 = arith.constant 0 : i32
        %get3A_578 = arith.index_cast %get3A_577 : i32 to index
        %get3A_579 = arith.index_cast %mul3A_565 : i32 to index
        %get3A_580 = tpu.vector_load %arg17[%get3A_578, %get3A_579] {strides = array<i32>} : memref<2x512xf32, #tpu.memory_space<vmem>>, vector<16xf32>,
        %get3A_581 = arith.constant 1 : i32
        %get3A_582 = arith.index_cast %get3A_581 : i32 to index
        %get3A_583 = arith.index_cast %mul3A_565 : i32 to index
        %get3A_584 = tpu.vector_load %arg17[%get3A_582, %get3A_583] {strides = array<i32>} : memref<2x512xf32, #tpu.memory_space<vmem>>, vector<16xf32>,
        %shift_left3A = arith.constant 2 : i32
        %shift_left3A_585 = vector.broadcast %shift_left3A : i32 to vector<16xi32>
        %shift_left3A_586 = arith.shli %get3A_572, %shift_left3A_585 : vector<16xi32>
        %ge3A = arith.constant 4 : i32
        %ge3A_587 = vector.broadcast %ge3A : i32 to vector<16xi32>
        %ge3A_588 = arith.cmpi sge, %get3A_576, %ge3A_587 : vector<16xi32>
        %jit3A = arith.constant 512 : i32
        %jit3A_589 = arith.constant 0 : i32
        %broadcast_in_dim3A = vector.broadcast %jit3A : i32 to vector<16xi32>
        %broadcast_in_dim3A_590 = vector.broadcast %jit3A_589 : i32 to vector<16xi32>
        %select_n3A = arith.select %ge3A_588, %broadcast_in_dim3A, %broadcast_in_dim3A_590 : vector<16xi1>, vector<16xi32>
        %shift_left3A_591 = arith.constant 2 : i32
        %shift_left3A_592 = vector.broadcast %shift_left3A_591 : i32 to vector<16xi32>
        %shift_left3A_593 = arith.shli %get3A_576, %shift_left3A_592 : vector<16xi32>
        %jit3A_594 = arith.constant 0 : i32
        %broadcast_in_dim3A_595 = vector.broadcast %jit3A_594 : i32 to vector<16xi32>
        %select_n3A_596 = arith.select %ge3A_588, %broadcast_in_dim3A_595, %shift_left3A_593 : vector<16xi1>, vector<16xi32>
        %add3A_597 = arith.addi %add3A_569, %select_n3A : vector<16xi32>
        %add3A_598 = arith.constant 1024 : i32
        %add3A_599 = vector.broadcast %add3A_598 : i32 to vector<16xi32>
        %add3A_600 = arith.addi %add3A_569, %add3A_599 : vector<16xi32>
        %add3A_601 = arith.addi %add3A_600, %select_n3A : vector<16xi32>
        %add3A_602 = arith.constant 0 : i32
        %add3A_603 = vector.broadcast %add3A_602 : i32 to vector<16xi32>
        %add3A_604 = arith.addi %shift_left3A_586, %add3A_603 : vector<16xi32>
        %gather3A = tpu.vector_load_idx %arg16[%add3A_569, %add3A_604] : memref<2048x16xf32, #tpu.memory_space<vmem>>[vector<16xi32>, vector<16xi32>], vector<16xf32>,
        %add3A_605 = arith.constant 0 : i32
        %add3A_606 = vector.broadcast %add3A_605 : i32 to vector<16xi32>
        %add3A_607 = arith.addi %select_n3A_596, %add3A_606 : vector<16xi32>
        %gather3A_608 = tpu.vector_load_idx %arg16[%add3A_597, %add3A_607] : memref<2048x16xf32, #tpu.memory_space<vmem>>[vector<16xi32>, vector<16xi32>], vector<16xf32>,
        %add3A_609 = arith.constant 0 : i32
        %add3A_610 = vector.broadcast %add3A_609 : i32 to vector<16xi32>
        %add3A_611 = arith.addi %shift_left3A_586, %add3A_610 : vector<16xi32>
        %gather3A_612 = tpu.vector_load_idx %arg16[%add3A_600, %add3A_611] : memref<2048x16xf32, #tpu.memory_space<vmem>>[vector<16xi32>, vector<16xi32>], vector<16xf32>,
        %add3A_613 = arith.constant 0 : i32
        %add3A_614 = vector.broadcast %add3A_613 : i32 to vector<16xi32>
        %add3A_615 = arith.addi %select_n3A_596, %add3A_614 : vector<16xi32>
        %gather3A_616 = tpu.vector_load_idx %arg16[%add3A_601, %add3A_615] : memref<2048x16xf32, #tpu.memory_space<vmem>>[vector<16xi32>, vector<16xi32>], vector<16xf32>,
        %sub3A = arith.subf %gather3A_608, %gather3A : vector<16xf32>
        %mul3A_617 = arith.mulf %get3A_580, %sub3A : vector<16xf32>
        %add3A_618 = arith.addf %gather3A, %mul3A_617 : vector<16xf32>
        %sub3A_619 = arith.subf %gather3A_616, %gather3A_612 : vector<16xf32>
        %mul3A_620 = arith.mulf %get3A_580, %sub3A_619 : vector<16xf32>
        %add3A_621 = arith.addf %gather3A_612, %mul3A_620 : vector<16xf32>
        %sub3A_622 = arith.subf %add3A_621, %add3A_618 : vector<16xf32>
        %mul3A_623 = arith.mulf %get3A_584, %sub3A_622 : vector<16xf32>
        %add3A_624 = arith.addf %add3A_618, %mul3A_623 : vector<16xf32>
        %mul3A_625 = arith.constant 3.906250e-03 : f32
        %mul3A_626 = vector.broadcast %mul3A_625 : f32 to vector<16xf32>
        %mul3A_627 = arith.mulf %add3A_624, %mul3A_626 : vector<16xf32>
        %swap3A = arith.constant 0 : i32
        %swap3A_628 = arith.index_cast %swap3A : i32 to index
        %swap3A_629 = arith.index_cast %mul3A_565 : i32 to index
        %swap3A_630 = tpu.vector_load %arg22[%swap3A_628, %swap3A_629] {strides = array<i32>} : memref<3x512xf32, #tpu.memory_space<vmem>>, vector<16xf32>,
        tpu.vector_store %arg22[%swap3A_628, %swap3A_629], %mul3A_627 {strides = array<i32>} : memref<3x512xf32, #tpu.memory_space<vmem>>, vector<16xf32>,
        %add3A_631 = arith.constant 1 : i32
        %add3A_632 = vector.broadcast %add3A_631 : i32 to vector<16xi32>
        %add3A_633 = arith.addi %shift_left3A_586, %add3A_632 : vector<16xi32>
        %gather3A_634 = tpu.vector_load_idx %arg16[%add3A_569, %add3A_633] : memref<2048x16xf32, #tpu.memory_space<vmem>>[vector<16xi32>, vector<16xi32>], vector<16xf32>,
        %add3A_635 = arith.constant 1 : i32
        %add3A_636 = vector.broadcast %add3A_635 : i32 to vector<16xi32>
        %add3A_637 = arith.addi %select_n3A_596, %add3A_636 : vector<16xi32>
        %gather3A_638 = tpu.vector_load_idx %arg16[%add3A_597, %add3A_637] : memref<2048x16xf32, #tpu.memory_space<vmem>>[vector<16xi32>, vector<16xi32>], vector<16xf32>,
        %add3A_639 = arith.constant 1 : i32
        %add3A_640 = vector.broadcast %add3A_639 : i32 to vector<16xi32>
        %add3A_641 = arith.addi %shift_left3A_586, %add3A_640 : vector<16xi32>
        %gather3A_642 = tpu.vector_load_idx %arg16[%add3A_600, %add3A_641] : memref<2048x16xf32, #tpu.memory_space<vmem>>[vector<16xi32>, vector<16xi32>], vector<16xf32>,
        %add3A_643 = arith.constant 1 : i32
        %add3A_644 = vector.broadcast %add3A_643 : i32 to vector<16xi32>
        %add3A_645 = arith.addi %select_n3A_596, %add3A_644 : vector<16xi32>
        %gather3A_646 = tpu.vector_load_idx %arg16[%add3A_601, %add3A_645] : memref<2048x16xf32, #tpu.memory_space<vmem>>[vector<16xi32>, vector<16xi32>], vector<16xf32>,
        %sub3A_647 = arith.subf %gather3A_638, %gather3A_634 : vector<16xf32>
        %mul3A_648 = arith.mulf %get3A_580, %sub3A_647 : vector<16xf32>
        %add3A_649 = arith.addf %gather3A_634, %mul3A_648 : vector<16xf32>
        %sub3A_650 = arith.subf %gather3A_646, %gather3A_642 : vector<16xf32>
        %mul3A_651 = arith.mulf %get3A_580, %sub3A_650 : vector<16xf32>
        %add3A_652 = arith.addf %gather3A_642, %mul3A_651 : vector<16xf32>
        %sub3A_653 = arith.subf %add3A_652, %add3A_649 : vector<16xf32>
        %mul3A_654 = arith.mulf %get3A_584, %sub3A_653 : vector<16xf32>
        %add3A_655 = arith.addf %add3A_649, %mul3A_654 : vector<16xf32>
        %mul3A_656 = arith.constant 3.906250e-03 : f32
        %mul3A_657 = vector.broadcast %mul3A_656 : f32 to vector<16xf32>
        %mul3A_658 = arith.mulf %add3A_655, %mul3A_657 : vector<16xf32>
        %swap3A_659 = arith.constant 1 : i32
        %swap3A_660 = arith.index_cast %swap3A_659 : i32 to index
        %swap3A_661 = arith.index_cast %mul3A_565 : i32 to index
        %swap3A_662 = tpu.vector_load %arg22[%swap3A_660, %swap3A_661] {strides = array<i32>} : memref<3x512xf32, #tpu.memory_space<vmem>>, vector<16xf32>,
        tpu.vector_store %arg22[%swap3A_660, %swap3A_661], %mul3A_658 {strides = array<i32>} : memref<3x512xf32, #tpu.memory_space<vmem>>, vector<16xf32>,
        %add3A_663 = arith.constant 2 : i32
        %add3A_664 = vector.broadcast %add3A_663 : i32 to vector<16xi32>
        %add3A_665 = arith.addi %shift_left3A_586, %add3A_664 : vector<16xi32>
        %gather3A_666 = tpu.vector_load_idx %arg16[%add3A_569, %add3A_665] : memref<2048x16xf32, #tpu.memory_space<vmem>>[vector<16xi32>, vector<16xi32>], vector<16xf32>,
        %add3A_667 = arith.constant 2 : i32
        %add3A_668 = vector.broadcast %add3A_667 : i32 to vector<16xi32>
        %add3A_669 = arith.addi %select_n3A_596, %add3A_668 : vector<16xi32>
        %gather3A_670 = tpu.vector_load_idx %arg16[%add3A_597, %add3A_669] : memref<2048x16xf32, #tpu.memory_space<vmem>>[vector<16xi32>, vector<16xi32>], vector<16xf32>,
        %add3A_671 = arith.constant 2 : i32
        %add3A_672 = vector.broadcast %add3A_671 : i32 to vector<16xi32>
        %add3A_673 = arith.addi %shift_left3A_586, %add3A_672 : vector<16xi32>
        %gather3A_674 = tpu.vector_load_idx %arg16[%add3A_600, %add3A_673] : memref<2048x16xf32, #tpu.memory_space<vmem>>[vector<16xi32>, vector<16xi32>], vector<16xf32>,
        %add3A_675 = arith.constant 2 : i32
        %add3A_676 = vector.broadcast %add3A_675 : i32 to vector<16xi32>
        %add3A_677 = arith.addi %select_n3A_596, %add3A_676 : vector<16xi32>
        %gather3A_678 = tpu.vector_load_idx %arg16[%add3A_601, %add3A_677] : memref<2048x16xf32, #tpu.memory_space<vmem>>[vector<16xi32>, vector<16xi32>], vector<16xf32>,
        %sub3A_679 = arith.subf %gather3A_670, %gather3A_666 : vector<16xf32>
        %mul3A_680 = arith.mulf %get3A_580, %sub3A_679 : vector<16xf32>
        %add3A_681 = arith.addf %gather3A_666, %mul3A_680 : vector<16xf32>
        %sub3A_682 = arith.subf %gather3A_678, %gather3A_674 : vector<16xf32>
        %mul3A_683 = arith.mulf %get3A_580, %sub3A_682 : vector<16xf32>
        %add3A_684 = arith.addf %gather3A_674, %mul3A_683 : vector<16xf32>
        %sub3A_685 = arith.subf %add3A_684, %add3A_681 : vector<16xf32>
        %mul3A_686 = arith.mulf %get3A_584, %sub3A_685 : vector<16xf32>
        %add3A_687 = arith.addf %add3A_681, %mul3A_686 : vector<16xf32>
        %mul3A_688 = arith.constant 3.906250e-03 : f32
        %mul3A_689 = vector.broadcast %mul3A_688 : f32 to vector<16xf32>
        %mul3A_690 = arith.mulf %add3A_687, %mul3A_689 : vector<16xf32>
        %swap3A_691 = arith.constant 2 : i32
        %swap3A_692 = arith.index_cast %swap3A_691 : i32 to index
        %swap3A_693 = arith.index_cast %mul3A_565 : i32 to index
        %swap3A_694 = tpu.vector_load %arg22[%swap3A_692, %swap3A_693] {strides = array<i32>} : memref<3x512xf32, #tpu.memory_space<vmem>>, vector<16xf32>,
        tpu.vector_store %arg22[%swap3A_692, %swap3A_693], %mul3A_690 {strides = array<i32>} : memref<3x512xf32, #tpu.memory_space<vmem>>, vector<16xf32>,
      }
      %scan3A_433 = arith.constant 32 : i32
      %run_scoped3A = arith.constant 0 : i32
      "tpu.region"() ({
        %run_scoped3A_563 = tpu.sem_alloc : memref<!tpu.dma_semaphore, #tpu.memory_space<semaphore_mem>>
        %dma_start3A_564 = arith.constant 0 : i32
        %dma_start3A_565 = tpu.memref_slice %arg22[%run_scoped3A, %dma_start3A_564] : memref<3x512xf32, #tpu.memory_space<vmem>> -> memref<1x512xf32, #tpu.memory_space<vmem>>
        %dma_start3A_566 = tpu.memref_squeeze %dma_start3A_565 : memref<1x512xf32, #tpu.memory_space<vmem>> -> memref<512xf32, #tpu.memory_space<vmem>>
        %dma_start3A_567 = tpu.memref_slice %arg11[%add3A_383] : memref<1048576xf32, #tpu.memory_space<hbm>> -> memref<512xf32, #tpu.memory_space<hbm>>
        %dma_start3A_568 = tpu.memref_slice %arg11[%add3A_383] : memref<1048576xf32, #tpu.memory_space<hbm>> -> memref<512xf32, #tpu.memory_space<hbm>>
        %dma_start3A_569 = arith.constant 0 : i32
        %dma_start3A_570 = tpu.memref_slice %arg22[%run_scoped3A, %dma_start3A_569] : memref<3x512xf32, #tpu.memory_space<vmem>> -> memref<1x512xf32, #tpu.memory_space<vmem>>
        %dma_start3A_571 = tpu.memref_squeeze %dma_start3A_570 : memref<1x512xf32, #tpu.memory_space<vmem>> -> memref<512xf32, #tpu.memory_space<vmem>>
        tpu.enqueue_dma source(%dma_start3A_571 : memref<512xf32, #tpu.memory_space<vmem>>) target(%dma_start3A_568 : memref<512xf32, #tpu.memory_space<hbm>>) target_semaphore(%run_scoped3A_563 : memref<!tpu.dma_semaphore, #tpu.memory_space<semaphore_mem>>)
        %dma_wait3A_572 = arith.constant 0 : i32
        %dma_wait3A_573 = tpu.memref_slice %arg22[%run_scoped3A, %dma_wait3A_572] : memref<3x512xf32, #tpu.memory_space<vmem>> -> memref<1x512xf32, #tpu.memory_space<vmem>>
        %dma_wait3A_574 = tpu.memref_squeeze %dma_wait3A_573 : memref<1x512xf32, #tpu.memory_space<vmem>> -> memref<512xf32, #tpu.memory_space<vmem>>
        %dma_wait3A_575 = tpu.memref_slice %arg11[%add3A_383] : memref<1048576xf32, #tpu.memory_space<hbm>> -> memref<512xf32, #tpu.memory_space<hbm>>
        %dma_wait3A_576 = tpu.memref_slice %arg11[%add3A_383] : memref<1048576xf32, #tpu.memory_space<hbm>> -> memref<512xf32, #tpu.memory_space<hbm>>
        %dma_wait3A_577 = arith.constant 0 : i32
        %dma_wait3A_578 = tpu.memref_slice %arg22[%run_scoped3A, %dma_wait3A_577] : memref<3x512xf32, #tpu.memory_space<vmem>> -> memref<1x512xf32, #tpu.memory_space<vmem>>
        %dma_wait3A_579 = tpu.memref_squeeze %dma_wait3A_578 : memref<1x512xf32, #tpu.memory_space<vmem>> -> memref<512xf32, #tpu.memory_space<vmem>>
        tpu.wait_dma2 semaphore(%run_scoped3A_563 : memref<!tpu.dma_semaphore, #tpu.memory_space<semaphore_mem>>) src(%dma_wait3A_579 : memref<512xf32, #tpu.memory_space<vmem>>) dst(%dma_wait3A_576 : memref<512xf32, #tpu.memory_space<hbm>>)
        tpu.yield
      }) : () -> ()
      %run_scoped3A_434 = arith.constant 1 : i32
      "tpu.region"() ({
        %run_scoped3A_563 = tpu.sem_alloc : memref<!tpu.dma_semaphore, #tpu.memory_space<semaphore_mem>>
        %dma_start3A_564 = arith.constant 0 : i32
        %dma_start3A_565 = tpu.memref_slice %arg22[%run_scoped3A_434, %dma_start3A_564] : memref<3x512xf32, #tpu.memory_space<vmem>> -> memref<1x512xf32, #tpu.memory_space<vmem>>
        %dma_start3A_566 = tpu.memref_squeeze %dma_start3A_565 : memref<1x512xf32, #tpu.memory_space<vmem>> -> memref<512xf32, #tpu.memory_space<vmem>>
        %dma_start3A_567 = tpu.memref_slice %arg12[%add3A_383] : memref<1048576xf32, #tpu.memory_space<hbm>> -> memref<512xf32, #tpu.memory_space<hbm>>
        %dma_start3A_568 = tpu.memref_slice %arg12[%add3A_383] : memref<1048576xf32, #tpu.memory_space<hbm>> -> memref<512xf32, #tpu.memory_space<hbm>>
        %dma_start3A_569 = arith.constant 0 : i32
        %dma_start3A_570 = tpu.memref_slice %arg22[%run_scoped3A_434, %dma_start3A_569] : memref<3x512xf32, #tpu.memory_space<vmem>> -> memref<1x512xf32, #tpu.memory_space<vmem>>
        %dma_start3A_571 = tpu.memref_squeeze %dma_start3A_570 : memref<1x512xf32, #tpu.memory_space<vmem>> -> memref<512xf32, #tpu.memory_space<vmem>>
        tpu.enqueue_dma source(%dma_start3A_571 : memref<512xf32, #tpu.memory_space<vmem>>) target(%dma_start3A_568 : memref<512xf32, #tpu.memory_space<hbm>>) target_semaphore(%run_scoped3A_563 : memref<!tpu.dma_semaphore, #tpu.memory_space<semaphore_mem>>)
        %dma_wait3A_572 = arith.constant 0 : i32
        %dma_wait3A_573 = tpu.memref_slice %arg22[%run_scoped3A_434, %dma_wait3A_572] : memref<3x512xf32, #tpu.memory_space<vmem>> -> memref<1x512xf32, #tpu.memory_space<vmem>>
        %dma_wait3A_574 = tpu.memref_squeeze %dma_wait3A_573 : memref<1x512xf32, #tpu.memory_space<vmem>> -> memref<512xf32, #tpu.memory_space<vmem>>
        %dma_wait3A_575 = tpu.memref_slice %arg12[%add3A_383] : memref<1048576xf32, #tpu.memory_space<hbm>> -> memref<512xf32, #tpu.memory_space<hbm>>
        %dma_wait3A_576 = tpu.memref_slice %arg12[%add3A_383] : memref<1048576xf32, #tpu.memory_space<hbm>> -> memref<512xf32, #tpu.memory_space<hbm>>
        %dma_wait3A_577 = arith.constant 0 : i32
        %dma_wait3A_578 = tpu.memref_slice %arg22[%run_scoped3A_434, %dma_wait3A_577] : memref<3x512xf32, #tpu.memory_space<vmem>> -> memref<1x512xf32, #tpu.memory_space<vmem>>
        %dma_wait3A_579 = tpu.memref_squeeze %dma_wait3A_578 : memref<1x512xf32, #tpu.memory_space<vmem>> -> memref<512xf32, #tpu.memory_space<vmem>>
        tpu.wait_dma2 semaphore(%run_scoped3A_563 : memref<!tpu.dma_semaphore, #tpu.memory_space<semaphore_mem>>) src(%dma_wait3A_579 : memref<512xf32, #tpu.memory_space<vmem>>) dst(%dma_wait3A_576 : memref<512xf32, #tpu.memory_space<hbm>>)
        tpu.yield
      }) : () -> ()
      %run_scoped3A_435 = arith.constant 2 : i32
      "tpu.region"() ({
        %run_scoped3A_563 = tpu.sem_alloc : memref<!tpu.dma_semaphore, #tpu.memory_space<semaphore_mem>>
        %dma_start3A_564 = arith.constant 0 : i32
        %dma_start3A_565 = tpu.memref_slice %arg22[%run_scoped3A_435, %dma_start3A_564] : memref<3x512xf32, #tpu.memory_space<vmem>> -> memref<1x512xf32, #tpu.memory_space<vmem>>
        %dma_start3A_566 = tpu.memref_squeeze %dma_start3A_565 : memref<1x512xf32, #tpu.memory_space<vmem>> -> memref<512xf32, #tpu.memory_space<vmem>>
        %dma_start3A_567 = tpu.memref_slice %arg13[%add3A_383] : memref<1048576xf32, #tpu.memory_space<hbm>> -> memref<512xf32, #tpu.memory_space<hbm>>
        %dma_start3A_568 = tpu.memref_slice %arg13[%add3A_383] : memref<1048576xf32, #tpu.memory_space<hbm>> -> memref<512xf32, #tpu.memory_space<hbm>>
        %dma_start3A_569 = arith.constant 0 : i32
        %dma_start3A_570 = tpu.memref_slice %arg22[%run_scoped3A_435, %dma_start3A_569] : memref<3x512xf32, #tpu.memory_space<vmem>> -> memref<1x512xf32, #tpu.memory_space<vmem>>
        %dma_start3A_571 = tpu.memref_squeeze %dma_start3A_570 : memref<1x512xf32, #tpu.memory_space<vmem>> -> memref<512xf32, #tpu.memory_space<vmem>>
        tpu.enqueue_dma source(%dma_start3A_571 : memref<512xf32, #tpu.memory_space<vmem>>) target(%dma_start3A_568 : memref<512xf32, #tpu.memory_space<hbm>>) target_semaphore(%run_scoped3A_563 : memref<!tpu.dma_semaphore, #tpu.memory_space<semaphore_mem>>)
        %dma_wait3A_572 = arith.constant 0 : i32
        %dma_wait3A_573 = tpu.memref_slice %arg22[%run_scoped3A_435, %dma_wait3A_572] : memref<3x512xf32, #tpu.memory_space<vmem>> -> memref<1x512xf32, #tpu.memory_space<vmem>>
        %dma_wait3A_574 = tpu.memref_squeeze %dma_wait3A_573 : memref<1x512xf32, #tpu.memory_space<vmem>> -> memref<512xf32, #tpu.memory_space<vmem>>
        %dma_wait3A_575 = tpu.memref_slice %arg13[%add3A_383] : memref<1048576xf32, #tpu.memory_space<hbm>> -> memref<512xf32, #tpu.memory_space<hbm>>
        %dma_wait3A_576 = tpu.memref_slice %arg13[%add3A_383] : memref<1048576xf32, #tpu.memory_space<hbm>> -> memref<512xf32, #tpu.memory_space<hbm>>
        %dma_wait3A_577 = arith.constant 0 : i32
        %dma_wait3A_578 = tpu.memref_slice %arg22[%run_scoped3A_435, %dma_wait3A_577] : memref<3x512xf32, #tpu.memory_space<vmem>> -> memref<1x512xf32, #tpu.memory_space<vmem>>
        %dma_wait3A_579 = tpu.memref_squeeze %dma_wait3A_578 : memref<1x512xf32, #tpu.memory_space<vmem>> -> memref<512xf32, #tpu.memory_space<vmem>>
        tpu.wait_dma2 semaphore(%run_scoped3A_563 : memref<!tpu.dma_semaphore, #tpu.memory_space<semaphore_mem>>) src(%dma_wait3A_579 : memref<512xf32, #tpu.memory_space<vmem>>) dst(%dma_wait3A_576 : memref<512xf32, #tpu.memory_space<hbm>>)
        tpu.yield
      }) : () -> ()
      %add3A_436 = arith.constant 2 : i32
      %add3A_437 = arith.addi %mul3A_328, %add3A_436 : i32
      %lt3A_438 = arith.constant 64 : i32
      %lt3A_439 = arith.cmpi slt, %add3A_437, %lt3A_438 : i32
      %convert_element_type3A_440 = arith.extui %lt3A_439 : i1 to i32
      %cond3A_441 = arith.constant 0 : i32
      %cond3A_442 = arith.cmpi ne, %convert_element_type3A_440, %cond3A_441 : i32
      scf.if %cond3A_442 {
        %add3A_563 = arith.constant 2 : i32
        %add3A_564 = arith.addi %mul3A_328, %add3A_563 : i32
        %mul3A_565 = arith.constant 512 : i32
        %mul3A_566 = arith.muli %add3A_564, %mul3A_565 : i32
        %add3A_567 = arith.addi %mul3A_2, %mul3A_566 : i32
        %dma_start3A_568 = arith.constant 0 : i32
        %dma_start3A_569 = arith.constant 0 : i32
        %dma_start3A_570 = tpu.memref_slice %arg15[%dma_start3A_568, %dma_start3A_569] : memref<2x512xi32, #tpu.memory_space<vmem>> -> memref<1x512xi32, #tpu.memory_space<vmem>>
        %dma_start3A_571 = tpu.memref_squeeze %dma_start3A_570 : memref<1x512xi32, #tpu.memory_space<vmem>> -> memref<512xi32, #tpu.memory_space<vmem>>
        %dma_start3A_572 = tpu.memref_slice %arg7[%add3A_567] : memref<1048576xi32, #tpu.memory_space<hbm>> -> memref<512xi32, #tpu.memory_space<hbm>>
        %dma_start3A_573 = arith.constant 0 : i32
        %dma_start3A_574 = tpu.memref_slice %arg15[%dma_start3A_568, %dma_start3A_573] : memref<2x512xi32, #tpu.memory_space<vmem>> -> memref<1x512xi32, #tpu.memory_space<vmem>>
        %dma_start3A_575 = tpu.memref_squeeze %dma_start3A_574 : memref<1x512xi32, #tpu.memory_space<vmem>> -> memref<512xi32, #tpu.memory_space<vmem>>
        %dma_start3A_576 = tpu.memref_slice %arg7[%add3A_567] : memref<1048576xi32, #tpu.memory_space<hbm>> -> memref<512xi32, #tpu.memory_space<hbm>>
        tpu.enqueue_dma source(%dma_start3A_576 : memref<512xi32, #tpu.memory_space<hbm>>) target(%dma_start3A_575 : memref<512xi32, #tpu.memory_space<vmem>>) target_semaphore(%arg27 : memref<!tpu.dma_semaphore, #tpu.memory_space<semaphore_mem>>)
        %dma_start3A_577 = arith.constant 1 : i32
        %dma_start3A_578 = arith.constant 0 : i32
        %dma_start3A_579 = tpu.memref_slice %arg15[%dma_start3A_577, %dma_start3A_578] : memref<2x512xi32, #tpu.memory_space<vmem>> -> memref<1x512xi32, #tpu.memory_space<vmem>>
        %dma_start3A_580 = tpu.memref_squeeze %dma_start3A_579 : memref<1x512xi32, #tpu.memory_space<vmem>> -> memref<512xi32, #tpu.memory_space<vmem>>
        %dma_start3A_581 = tpu.memref_slice %arg8[%add3A_567] : memref<1048576xi32, #tpu.memory_space<hbm>> -> memref<512xi32, #tpu.memory_space<hbm>>
        %dma_start3A_582 = arith.constant 0 : i32
        %dma_start3A_583 = tpu.memref_slice %arg15[%dma_start3A_577, %dma_start3A_582] : memref<2x512xi32, #tpu.memory_space<vmem>> -> memref<1x512xi32, #tpu.memory_space<vmem>>
        %dma_start3A_584 = tpu.memref_squeeze %dma_start3A_583 : memref<1x512xi32, #tpu.memory_space<vmem>> -> memref<512xi32, #tpu.memory_space<vmem>>
        %dma_start3A_585 = tpu.memref_slice %arg8[%add3A_567] : memref<1048576xi32, #tpu.memory_space<hbm>> -> memref<512xi32, #tpu.memory_space<hbm>>
        tpu.enqueue_dma source(%dma_start3A_585 : memref<512xi32, #tpu.memory_space<hbm>>) target(%dma_start3A_584 : memref<512xi32, #tpu.memory_space<vmem>>) target_semaphore(%arg27 : memref<!tpu.dma_semaphore, #tpu.memory_space<semaphore_mem>>)
        %dma_start3A_586 = arith.constant 0 : i32
        %dma_start3A_587 = arith.constant 0 : i32
        %dma_start3A_588 = tpu.memref_slice %arg17[%dma_start3A_586, %dma_start3A_587] : memref<2x512xf32, #tpu.memory_space<vmem>> -> memref<1x512xf32, #tpu.memory_space<vmem>>
        %dma_start3A_589 = tpu.memref_squeeze %dma_start3A_588 : memref<1x512xf32, #tpu.memory_space<vmem>> -> memref<512xf32, #tpu.memory_space<vmem>>
        %dma_start3A_590 = tpu.memref_slice %arg9[%add3A_567] : memref<1048576xf32, #tpu.memory_space<hbm>> -> memref<512xf32, #tpu.memory_space<hbm>>
        %dma_start3A_591 = arith.constant 0 : i32
        %dma_start3A_592 = tpu.memref_slice %arg17[%dma_start3A_586, %dma_start3A_591] : memref<2x512xf32, #tpu.memory_space<vmem>> -> memref<1x512xf32, #tpu.memory_space<vmem>>
        %dma_start3A_593 = tpu.memref_squeeze %dma_start3A_592 : memref<1x512xf32, #tpu.memory_space<vmem>> -> memref<512xf32, #tpu.memory_space<vmem>>
        %dma_start3A_594 = tpu.memref_slice %arg9[%add3A_567] : memref<1048576xf32, #tpu.memory_space<hbm>> -> memref<512xf32, #tpu.memory_space<hbm>>
        tpu.enqueue_dma source(%dma_start3A_594 : memref<512xf32, #tpu.memory_space<hbm>>) target(%dma_start3A_593 : memref<512xf32, #tpu.memory_space<vmem>>) target_semaphore(%arg27 : memref<!tpu.dma_semaphore, #tpu.memory_space<semaphore_mem>>)
        %dma_start3A_595 = arith.constant 1 : i32
        %dma_start3A_596 = arith.constant 0 : i32
        %dma_start3A_597 = tpu.memref_slice %arg17[%dma_start3A_595, %dma_start3A_596] : memref<2x512xf32, #tpu.memory_space<vmem>> -> memref<1x512xf32, #tpu.memory_space<vmem>>
        %dma_start3A_598 = tpu.memref_squeeze %dma_start3A_597 : memref<1x512xf32, #tpu.memory_space<vmem>> -> memref<512xf32, #tpu.memory_space<vmem>>
        %dma_start3A_599 = tpu.memref_slice %arg10[%add3A_567] : memref<1048576xf32, #tpu.memory_space<hbm>> -> memref<512xf32, #tpu.memory_space<hbm>>
        %dma_start3A_600 = arith.constant 0 : i32
        %dma_start3A_601 = tpu.memref_slice %arg17[%dma_start3A_595, %dma_start3A_600] : memref<2x512xf32, #tpu.memory_space<vmem>> -> memref<1x512xf32, #tpu.memory_space<vmem>>
        %dma_start3A_602 = tpu.memref_squeeze %dma_start3A_601 : memref<1x512xf32, #tpu.memory_space<vmem>> -> memref<512xf32, #tpu.memory_space<vmem>>
        %dma_start3A_603 = tpu.memref_slice %arg10[%add3A_567] : memref<1048576xf32, #tpu.memory_space<hbm>> -> memref<512xf32, #tpu.memory_space<hbm>>
        tpu.enqueue_dma source(%dma_start3A_603 : memref<512xf32, #tpu.memory_space<hbm>>) target(%dma_start3A_602 : memref<512xf32, #tpu.memory_space<vmem>>) target_semaphore(%arg27 : memref<!tpu.dma_semaphore, #tpu.memory_space<semaphore_mem>>)
        %dma_wait3A_604 = arith.constant 0 : i32
        %dma_wait3A_605 = arith.constant 0 : i32
        %dma_wait3A_606 = tpu.memref_slice %arg14[%dma_wait3A_604, %dma_wait3A_605] : memref<4x512xi32, #tpu.memory_space<vmem>> -> memref<1x512xi32, #tpu.memory_space<vmem>>
        %dma_wait3A_607 = tpu.memref_squeeze %dma_wait3A_606 : memref<1x512xi32, #tpu.memory_space<vmem>> -> memref<512xi32, #tpu.memory_space<vmem>>
        %dma_wait3A_608 = arith.constant 0 : i32
        %dma_wait3A_609 = tpu.memref_slice %arg3[%dma_wait3A_608] : memref<1048576xi32, #tpu.memory_space<hbm>> -> memref<512xi32, #tpu.memory_space<hbm>>
        %dma_wait3A_610 = arith.constant 0 : i32
        %dma_wait3A_611 = tpu.memref_slice %arg14[%dma_wait3A_604, %dma_wait3A_610] : memref<4x512xi32, #tpu.memory_space<vmem>> -> memref<1x512xi32, #tpu.memory_space<vmem>>
        %dma_wait3A_612 = tpu.memref_squeeze %dma_wait3A_611 : memref<1x512xi32, #tpu.memory_space<vmem>> -> memref<512xi32, #tpu.memory_space<vmem>>
        %dma_wait3A_613 = arith.constant 0 : i32
        %dma_wait3A_614 = tpu.memref_slice %arg3[%dma_wait3A_613] : memref<1048576xi32, #tpu.memory_space<hbm>> -> memref<512xi32, #tpu.memory_space<hbm>>
        tpu.wait_dma2 semaphore(%arg25 : memref<!tpu.dma_semaphore, #tpu.memory_space<semaphore_mem>>) src(%dma_wait3A_614 : memref<512xi32, #tpu.memory_space<hbm>>) dst(%dma_wait3A_612 : memref<512xi32, #tpu.memory_space<vmem>>)
        %dma_wait3A_615 = arith.constant 1 : i32
        %dma_wait3A_616 = arith.constant 0 : i32
        %dma_wait3A_617 = tpu.memref_slice %arg14[%dma_wait3A_615, %dma_wait3A_616] : memref<4x512xi32, #tpu.memory_space<vmem>> -> memref<1x512xi32, #tpu.memory_space<vmem>>
        %dma_wait3A_618 = tpu.memref_squeeze %dma_wait3A_617 : memref<1x512xi32, #tpu.memory_space<vmem>> -> memref<512xi32, #tpu.memory_space<vmem>>
        %dma_wait3A_619 = arith.constant 0 : i32
        %dma_wait3A_620 = tpu.memref_slice %arg3[%dma_wait3A_619] : memref<1048576xi32, #tpu.memory_space<hbm>> -> memref<512xi32, #tpu.memory_space<hbm>>
        %dma_wait3A_621 = arith.constant 0 : i32
        %dma_wait3A_622 = tpu.memref_slice %arg14[%dma_wait3A_615, %dma_wait3A_621] : memref<4x512xi32, #tpu.memory_space<vmem>> -> memref<1x512xi32, #tpu.memory_space<vmem>>
        %dma_wait3A_623 = tpu.memref_squeeze %dma_wait3A_622 : memref<1x512xi32, #tpu.memory_space<vmem>> -> memref<512xi32, #tpu.memory_space<vmem>>
        %dma_wait3A_624 = arith.constant 0 : i32
        %dma_wait3A_625 = tpu.memref_slice %arg3[%dma_wait3A_624] : memref<1048576xi32, #tpu.memory_space<hbm>> -> memref<512xi32, #tpu.memory_space<hbm>>
        tpu.wait_dma2 semaphore(%arg25 : memref<!tpu.dma_semaphore, #tpu.memory_space<semaphore_mem>>) src(%dma_wait3A_625 : memref<512xi32, #tpu.memory_space<hbm>>) dst(%dma_wait3A_623 : memref<512xi32, #tpu.memory_space<vmem>>)
        %dma_wait3A_626 = arith.constant 2 : i32
        %dma_wait3A_627 = arith.constant 0 : i32
        %dma_wait3A_628 = tpu.memref_slice %arg14[%dma_wait3A_626, %dma_wait3A_627] : memref<4x512xi32, #tpu.memory_space<vmem>> -> memref<1x512xi32, #tpu.memory_space<vmem>>
        %dma_wait3A_629 = tpu.memref_squeeze %dma_wait3A_628 : memref<1x512xi32, #tpu.memory_space<vmem>> -> memref<512xi32, #tpu.memory_space<vmem>>
        %dma_wait3A_630 = arith.constant 0 : i32
        %dma_wait3A_631 = tpu.memref_slice %arg3[%dma_wait3A_630] : memref<1048576xi32, #tpu.memory_space<hbm>> -> memref<512xi32, #tpu.memory_space<hbm>>
        %dma_wait3A_632 = arith.constant 0 : i32
        %dma_wait3A_633 = tpu.memref_slice %arg14[%dma_wait3A_626, %dma_wait3A_632] : memref<4x512xi32, #tpu.memory_space<vmem>> -> memref<1x512xi32, #tpu.memory_space<vmem>>
        %dma_wait3A_634 = tpu.memref_squeeze %dma_wait3A_633 : memref<1x512xi32, #tpu.memory_space<vmem>> -> memref<512xi32, #tpu.memory_space<vmem>>
        %dma_wait3A_635 = arith.constant 0 : i32
        %dma_wait3A_636 = tpu.memref_slice %arg3[%dma_wait3A_635] : memref<1048576xi32, #tpu.memory_space<hbm>> -> memref<512xi32, #tpu.memory_space<hbm>>
        tpu.wait_dma2 semaphore(%arg25 : memref<!tpu.dma_semaphore, #tpu.memory_space<semaphore_mem>>) src(%dma_wait3A_636 : memref<512xi32, #tpu.memory_space<hbm>>) dst(%dma_wait3A_634 : memref<512xi32, #tpu.memory_space<vmem>>)
        %dma_wait3A_637 = arith.constant 3 : i32
        %dma_wait3A_638 = arith.constant 0 : i32
        %dma_wait3A_639 = tpu.memref_slice %arg14[%dma_wait3A_637, %dma_wait3A_638] : memref<4x512xi32, #tpu.memory_space<vmem>> -> memref<1x512xi32, #tpu.memory_space<vmem>>
        %dma_wait3A_640 = tpu.memref_squeeze %dma_wait3A_639 : memref<1x512xi32, #tpu.memory_space<vmem>> -> memref<512xi32, #tpu.memory_space<vmem>>
        %dma_wait3A_641 = arith.constant 0 : i32
        %dma_wait3A_642 = tpu.memref_slice %arg3[%dma_wait3A_641] : memref<1048576xi32, #tpu.memory_space<hbm>> -> memref<512xi32, #tpu.memory_space<hbm>>
        %dma_wait3A_643 = arith.constant 0 : i32
        %dma_wait3A_644 = tpu.memref_slice %arg14[%dma_wait3A_637, %dma_wait3A_643] : memref<4x512xi32, #tpu.memory_space<vmem>> -> memref<1x512xi32, #tpu.memory_space<vmem>>
        %dma_wait3A_645 = tpu.memref_squeeze %dma_wait3A_644 : memref<1x512xi32, #tpu.memory_space<vmem>> -> memref<512xi32, #tpu.memory_space<vmem>>
        %dma_wait3A_646 = arith.constant 0 : i32
        %dma_wait3A_647 = tpu.memref_slice %arg3[%dma_wait3A_646] : memref<1048576xi32, #tpu.memory_space<hbm>> -> memref<512xi32, #tpu.memory_space<hbm>>
        tpu.wait_dma2 semaphore(%arg25 : memref<!tpu.dma_semaphore, #tpu.memory_space<semaphore_mem>>) src(%dma_wait3A_647 : memref<512xi32, #tpu.memory_space<hbm>>) dst(%dma_wait3A_645 : memref<512xi32, #tpu.memory_space<vmem>>)
        %dma_start3A_648 = arith.constant 0 : i32
        %dma_start3A_649 = arith.constant 0 : i32
        %dma_start3A_650 = arith.constant 0 : i32
        %dma_start3A_651 = tpu.memref_slice %arg16[%dma_start3A_649, %dma_start3A_650] : memref<2048x16xf32, #tpu.memory_space<vmem>> -> memref<512x16xf32, #tpu.memory_space<vmem>>
        %dma_start3A_652 = arith.constant 0 : i32
        %dma_start3A_653 = tpu.memref_slice %arg14[%dma_start3A_648, %dma_start3A_652] : memref<4x512xi32, #tpu.memory_space<vmem>> -> memref<1x512xi32, #tpu.memory_space<vmem>>
        %dma_start3A_654 = tpu.memref_squeeze %dma_start3A_653 : memref<1x512xi32, #tpu.memory_space<vmem>> -> memref<512xi32, #tpu.memory_space<vmem>>
        %dma_start3A_655 = arith.constant 0 : i32
        %dma_start3A_656 = arith.constant 0 : i32
        %dma_start3A_657 = tpu.memref_slice %arg2[%dma_start3A_655, %dma_start3A_656] : memref<2097152x16xf32, #tpu.memory_space<hbm>> -> memref<2097152x16xf32, #tpu.memory_space<hbm>>
        tpu.enqueue_indirect_dma source(%dma_start3A_657 : memref<2097152x16xf32, #tpu.memory_space<hbm>>) target(%dma_start3A_651 : memref<512x16xf32, #tpu.memory_space<vmem>>) offsets(%dma_start3A_654 : memref<512xi32, #tpu.memory_space<vmem>>) semaphore(%arg23 : memref<!tpu.dma_semaphore, #tpu.memory_space<semaphore_mem>>)
        %dma_start3A_658 = arith.constant 1 : i32
        %dma_start3A_659 = arith.constant 512 : i32
        %dma_start3A_660 = arith.constant 0 : i32
        %dma_start3A_661 = tpu.memref_slice %arg16[%dma_start3A_659, %dma_start3A_660] : memref<2048x16xf32, #tpu.memory_space<vmem>> -> memref<512x16xf32, #tpu.memory_space<vmem>>
        %dma_start3A_662 = arith.constant 0 : i32
        %dma_start3A_663 = tpu.memref_slice %arg14[%dma_start3A_658, %dma_start3A_662] : memref<4x512xi32, #tpu.memory_space<vmem>> -> memref<1x512xi32, #tpu.memory_space<vmem>>
        %dma_start3A_664 = tpu.memref_squeeze %dma_start3A_663 : memref<1x512xi32, #tpu.memory_space<vmem>> -> memref<512xi32, #tpu.memory_space<vmem>>
        %dma_start3A_665 = arith.constant 0 : i32
        %dma_start3A_666 = arith.constant 0 : i32
        %dma_start3A_667 = tpu.memref_slice %arg2[%dma_start3A_665, %dma_start3A_666] : memref<2097152x16xf32, #tpu.memory_space<hbm>> -> memref<2097152x16xf32, #tpu.memory_space<hbm>>
        tpu.enqueue_indirect_dma source(%dma_start3A_667 : memref<2097152x16xf32, #tpu.memory_space<hbm>>) target(%dma_start3A_661 : memref<512x16xf32, #tpu.memory_space<vmem>>) offsets(%dma_start3A_664 : memref<512xi32, #tpu.memory_space<vmem>>) semaphore(%arg23 : memref<!tpu.dma_semaphore, #tpu.memory_space<semaphore_mem>>)
        %dma_start3A_668 = arith.constant 2 : i32
        %dma_start3A_669 = arith.constant 1024 : i32
        %dma_start3A_670 = arith.constant 0 : i32
        %dma_start3A_671 = tpu.memref_slice %arg16[%dma_start3A_669, %dma_start3A_670] : memref<2048x16xf32, #tpu.memory_space<vmem>> -> memref<512x16xf32, #tpu.memory_space<vmem>>
        %dma_start3A_672 = arith.constant 0 : i32
        %dma_start3A_673 = tpu.memref_slice %arg14[%dma_start3A_668, %dma_start3A_672] : memref<4x512xi32, #tpu.memory_space<vmem>> -> memref<1x512xi32, #tpu.memory_space<vmem>>
        %dma_start3A_674 = tpu.memref_squeeze %dma_start3A_673 : memref<1x512xi32, #tpu.memory_space<vmem>> -> memref<512xi32, #tpu.memory_space<vmem>>
        %dma_start3A_675 = arith.constant 0 : i32
        %dma_start3A_676 = arith.constant 0 : i32
        %dma_start3A_677 = tpu.memref_slice %arg2[%dma_start3A_675, %dma_start3A_676] : memref<2097152x16xf32, #tpu.memory_space<hbm>> -> memref<2097152x16xf32, #tpu.memory_space<hbm>>
        tpu.enqueue_indirect_dma source(%dma_start3A_677 : memref<2097152x16xf32, #tpu.memory_space<hbm>>) target(%dma_start3A_671 : memref<512x16xf32, #tpu.memory_space<vmem>>) offsets(%dma_start3A_674 : memref<512xi32, #tpu.memory_space<vmem>>) semaphore(%arg23 : memref<!tpu.dma_semaphore, #tpu.memory_space<semaphore_mem>>)
        %dma_start3A_678 = arith.constant 3 : i32
        %dma_start3A_679 = arith.constant 1536 : i32
        %dma_start3A_680 = arith.constant 0 : i32
        %dma_start3A_681 = tpu.memref_slice %arg16[%dma_start3A_679, %dma_start3A_680] : memref<2048x16xf32, #tpu.memory_space<vmem>> -> memref<512x16xf32, #tpu.memory_space<vmem>>
        %dma_start3A_682 = arith.constant 0 : i32
        %dma_start3A_683 = tpu.memref_slice %arg14[%dma_start3A_678, %dma_start3A_682] : memref<4x512xi32, #tpu.memory_space<vmem>> -> memref<1x512xi32, #tpu.memory_space<vmem>>
        %dma_start3A_684 = tpu.memref_squeeze %dma_start3A_683 : memref<1x512xi32, #tpu.memory_space<vmem>> -> memref<512xi32, #tpu.memory_space<vmem>>
        %dma_start3A_685 = arith.constant 0 : i32
        %dma_start3A_686 = arith.constant 0 : i32
        %dma_start3A_687 = tpu.memref_slice %arg2[%dma_start3A_685, %dma_start3A_686] : memref<2097152x16xf32, #tpu.memory_space<hbm>> -> memref<2097152x16xf32, #tpu.memory_space<hbm>>
        tpu.enqueue_indirect_dma source(%dma_start3A_687 : memref<2097152x16xf32, #tpu.memory_space<hbm>>) target(%dma_start3A_681 : memref<512x16xf32, #tpu.memory_space<vmem>>) offsets(%dma_start3A_684 : memref<512xi32, #tpu.memory_space<vmem>>) semaphore(%arg23 : memref<!tpu.dma_semaphore, #tpu.memory_space<semaphore_mem>>)
      } else {
      }
      %dma_wait3A_443 = arith.constant 0 : i32
      %dma_wait3A_444 = arith.constant 0 : i32
      %dma_wait3A_445 = tpu.memref_slice %arg20[%dma_wait3A_443, %dma_wait3A_444] : memref<2048x16xf32, #tpu.memory_space<vmem>> -> memref<512x16xf32, #tpu.memory_space<vmem>>
      %dma_wait3A_446 = arith.constant 0 : i32
      %dma_wait3A_447 = arith.constant 0 : i32
      %dma_wait3A_448 = tpu.memref_slice %arg2[%dma_wait3A_446, %dma_wait3A_447] : memref<2097152x16xf32, #tpu.memory_space<hbm>> -> memref<512x16xf32, #tpu.memory_space<hbm>>
      %dma_wait3A_449 = arith.constant 0 : i32
      %dma_wait3A_450 = arith.constant 0 : i32
      %dma_wait3A_451 = tpu.memref_slice %arg20[%dma_wait3A_449, %dma_wait3A_450] : memref<2048x16xf32, #tpu.memory_space<vmem>> -> memref<512x16xf32, #tpu.memory_space<vmem>>
      %dma_wait3A_452 = arith.constant 0 : i32
      %dma_wait3A_453 = arith.constant 0 : i32
      %dma_wait3A_454 = tpu.memref_slice %arg2[%dma_wait3A_452, %dma_wait3A_453] : memref<2097152x16xf32, #tpu.memory_space<hbm>> -> memref<512x16xf32, #tpu.memory_space<hbm>>
      tpu.wait_dma2 semaphore(%arg24 : memref<!tpu.dma_semaphore, #tpu.memory_space<semaphore_mem>>) src(%dma_wait3A_454 : memref<512x16xf32, #tpu.memory_space<hbm>>) dst(%dma_wait3A_451 : memref<512x16xf32, #tpu.memory_space<vmem>>)
      %dma_wait3A_455 = arith.constant 512 : i32
      %dma_wait3A_456 = arith.constant 0 : i32
      %dma_wait3A_457 = tpu.memref_slice %arg20[%dma_wait3A_455, %dma_wait3A_456] : memref<2048x16xf32, #tpu.memory_space<vmem>> -> memref<512x16xf32, #tpu.memory_space<vmem>>
      %dma_wait3A_458 = arith.constant 0 : i32
      %dma_wait3A_459 = arith.constant 0 : i32
      %dma_wait3A_460 = tpu.memref_slice %arg2[%dma_wait3A_458, %dma_wait3A_459] : memref<2097152x16xf32, #tpu.memory_space<hbm>> -> memref<512x16xf32, #tpu.memory_space<hbm>>
      %dma_wait3A_461 = arith.constant 512 : i32
      %dma_wait3A_462 = arith.constant 0 : i32
      %dma_wait3A_463 = tpu.memref_slice %arg20[%dma_wait3A_461, %dma_wait3A_462] : memref<2048x16xf32, #tpu.memory_space<vmem>> -> memref<512x16xf32, #tpu.memory_space<vmem>>
      %dma_wait3A_464 = arith.constant 0 : i32
      %dma_wait3A_465 = arith.constant 0 : i32
      %dma_wait3A_466 = tpu.memref_slice %arg2[%dma_wait3A_464, %dma_wait3A_465] : memref<2097152x16xf32, #tpu.memory_space<hbm>> -> memref<512x16xf32, #tpu.memory_space<hbm>>
      tpu.wait_dma2 semaphore(%arg24 : memref<!tpu.dma_semaphore, #tpu.memory_space<semaphore_mem>>) src(%dma_wait3A_466 : memref<512x16xf32, #tpu.memory_space<hbm>>) dst(%dma_wait3A_463 : memref<512x16xf32, #tpu.memory_space<vmem>>)
      %dma_wait3A_467 = arith.constant 1024 : i32
      %dma_wait3A_468 = arith.constant 0 : i32
      %dma_wait3A_469 = tpu.memref_slice %arg20[%dma_wait3A_467, %dma_wait3A_468] : memref<2048x16xf32, #tpu.memory_space<vmem>> -> memref<512x16xf32, #tpu.memory_space<vmem>>
      %dma_wait3A_470 = arith.constant 0 : i32
      %dma_wait3A_471 = arith.constant 0 : i32
      %dma_wait3A_472 = tpu.memref_slice %arg2[%dma_wait3A_470, %dma_wait3A_471] : memref<2097152x16xf32, #tpu.memory_space<hbm>> -> memref<512x16xf32, #tpu.memory_space<hbm>>
      %dma_wait3A_473 = arith.constant 1024 : i32
      %dma_wait3A_474 = arith.constant 0 : i32
      %dma_wait3A_475 = tpu.memref_slice %arg20[%dma_wait3A_473, %dma_wait3A_474] : memref<2048x16xf32, #tpu.memory_space<vmem>> -> memref<512x16xf32, #tpu.memory_space<vmem>>
      %dma_wait3A_476 = arith.constant 0 : i32
      %dma_wait3A_477 = arith.constant 0 : i32
      %dma_wait3A_478 = tpu.memref_slice %arg2[%dma_wait3A_476, %dma_wait3A_477] : memref<2097152x16xf32, #tpu.memory_space<hbm>> -> memref<512x16xf32, #tpu.memory_space<hbm>>
      tpu.wait_dma2 semaphore(%arg24 : memref<!tpu.dma_semaphore, #tpu.memory_space<semaphore_mem>>) src(%dma_wait3A_478 : memref<512x16xf32, #tpu.memory_space<hbm>>) dst(%dma_wait3A_475 : memref<512x16xf32, #tpu.memory_space<vmem>>)
      %dma_wait3A_479 = arith.constant 1536 : i32
      %dma_wait3A_480 = arith.constant 0 : i32
      %dma_wait3A_481 = tpu.memref_slice %arg20[%dma_wait3A_479, %dma_wait3A_480] : memref<2048x16xf32, #tpu.memory_space<vmem>> -> memref<512x16xf32, #tpu.memory_space<vmem>>
      %dma_wait3A_482 = arith.constant 0 : i32
      %dma_wait3A_483 = arith.constant 0 : i32
      %dma_wait3A_484 = tpu.memref_slice %arg2[%dma_wait3A_482, %dma_wait3A_483] : memref<2097152x16xf32, #tpu.memory_space<hbm>> -> memref<512x16xf32, #tpu.memory_space<hbm>>
      %dma_wait3A_485 = arith.constant 1536 : i32
      %dma_wait3A_486 = arith.constant 0 : i32
      %dma_wait3A_487 = tpu.memref_slice %arg20[%dma_wait3A_485, %dma_wait3A_486] : memref<2048x16xf32, #tpu.memory_space<vmem>> -> memref<512x16xf32, #tpu.memory_space<vmem>>
      %dma_wait3A_488 = arith.constant 0 : i32
      %dma_wait3A_489 = arith.constant 0 : i32
      %dma_wait3A_490 = tpu.memref_slice %arg2[%dma_wait3A_488, %dma_wait3A_489] : memref<2097152x16xf32, #tpu.memory_space<hbm>> -> memref<512x16xf32, #tpu.memory_space<hbm>>
      tpu.wait_dma2 semaphore(%arg24 : memref<!tpu.dma_semaphore, #tpu.memory_space<semaphore_mem>>) src(%dma_wait3A_490 : memref<512x16xf32, #tpu.memory_space<hbm>>) dst(%dma_wait3A_487 : memref<512x16xf32, #tpu.memory_space<vmem>>)
      %add3A_491 = arith.constant 3 : i32
      %add3A_492 = arith.addi %mul3A_328, %add3A_491 : i32
      %lt3A_493 = arith.constant 64 : i32
      %lt3A_494 = arith.cmpi slt, %add3A_492, %lt3A_493 : i32
      %convert_element_type3A_495 = arith.extui %lt3A_494 : i1 to i32
      %cond3A_496 = arith.constant 0 : i32
      %cond3A_497 = arith.cmpi ne, %convert_element_type3A_495, %cond3A_496 : i32
      scf.if %cond3A_497 {
        %add3A_563 = arith.constant 3 : i32
        %add3A_564 = arith.addi %mul3A_328, %add3A_563 : i32
        %mul3A_565 = arith.constant 512 : i32
        %mul3A_566 = arith.muli %add3A_564, %mul3A_565 : i32
        %add3A_567 = arith.addi %mul3A_2, %mul3A_566 : i32
        %dma_start3A_568 = arith.constant 0 : i32
        %dma_start3A_569 = arith.constant 0 : i32
        %dma_start3A_570 = tpu.memref_slice %arg18[%dma_start3A_568, %dma_start3A_569] : memref<4x512xi32, #tpu.memory_space<vmem>> -> memref<1x512xi32, #tpu.memory_space<vmem>>
        %dma_start3A_571 = tpu.memref_squeeze %dma_start3A_570 : memref<1x512xi32, #tpu.memory_space<vmem>> -> memref<512xi32, #tpu.memory_space<vmem>>
        %dma_start3A_572 = tpu.memref_slice %arg3[%add3A_567] : memref<1048576xi32, #tpu.memory_space<hbm>> -> memref<512xi32, #tpu.memory_space<hbm>>
        %dma_start3A_573 = arith.constant 0 : i32
        %dma_start3A_574 = tpu.memref_slice %arg18[%dma_start3A_568, %dma_start3A_573] : memref<4x512xi32, #tpu.memory_space<vmem>> -> memref<1x512xi32, #tpu.memory_space<vmem>>
        %dma_start3A_575 = tpu.memref_squeeze %dma_start3A_574 : memref<1x512xi32, #tpu.memory_space<vmem>> -> memref<512xi32, #tpu.memory_space<vmem>>
        %dma_start3A_576 = tpu.memref_slice %arg3[%add3A_567] : memref<1048576xi32, #tpu.memory_space<hbm>> -> memref<512xi32, #tpu.memory_space<hbm>>
        tpu.enqueue_dma source(%dma_start3A_576 : memref<512xi32, #tpu.memory_space<hbm>>) target(%dma_start3A_575 : memref<512xi32, #tpu.memory_space<vmem>>) target_semaphore(%arg26 : memref<!tpu.dma_semaphore, #tpu.memory_space<semaphore_mem>>)
        %dma_start3A_577 = arith.constant 1 : i32
        %dma_start3A_578 = arith.constant 0 : i32
        %dma_start3A_579 = tpu.memref_slice %arg18[%dma_start3A_577, %dma_start3A_578] : memref<4x512xi32, #tpu.memory_space<vmem>> -> memref<1x512xi32, #tpu.memory_space<vmem>>
        %dma_start3A_580 = tpu.memref_squeeze %dma_start3A_579 : memref<1x512xi32, #tpu.memory_space<vmem>> -> memref<512xi32, #tpu.memory_space<vmem>>
        %dma_start3A_581 = tpu.memref_slice %arg4[%add3A_567] : memref<1048576xi32, #tpu.memory_space<hbm>> -> memref<512xi32, #tpu.memory_space<hbm>>
        %dma_start3A_582 = arith.constant 0 : i32
        %dma_start3A_583 = tpu.memref_slice %arg18[%dma_start3A_577, %dma_start3A_582] : memref<4x512xi32, #tpu.memory_space<vmem>> -> memref<1x512xi32, #tpu.memory_space<vmem>>
        %dma_start3A_584 = tpu.memref_squeeze %dma_start3A_583 : memref<1x512xi32, #tpu.memory_space<vmem>> -> memref<512xi32, #tpu.memory_space<vmem>>
        %dma_start3A_585 = tpu.memref_slice %arg4[%add3A_567] : memref<1048576xi32, #tpu.memory_space<hbm>> -> memref<512xi32, #tpu.memory_space<hbm>>
        tpu.enqueue_dma source(%dma_start3A_585 : memref<512xi32, #tpu.memory_space<hbm>>) target(%dma_start3A_584 : memref<512xi32, #tpu.memory_space<vmem>>) target_semaphore(%arg26 : memref<!tpu.dma_semaphore, #tpu.memory_space<semaphore_mem>>)
        %dma_start3A_586 = arith.constant 2 : i32
        %dma_start3A_587 = arith.constant 0 : i32
        %dma_start3A_588 = tpu.memref_slice %arg18[%dma_start3A_586, %dma_start3A_587] : memref<4x512xi32, #tpu.memory_space<vmem>> -> memref<1x512xi32, #tpu.memory_space<vmem>>
        %dma_start3A_589 = tpu.memref_squeeze %dma_start3A_588 : memref<1x512xi32, #tpu.memory_space<vmem>> -> memref<512xi32, #tpu.memory_space<vmem>>
        %dma_start3A_590 = tpu.memref_slice %arg5[%add3A_567] : memref<1048576xi32, #tpu.memory_space<hbm>> -> memref<512xi32, #tpu.memory_space<hbm>>
        %dma_start3A_591 = arith.constant 0 : i32
        %dma_start3A_592 = tpu.memref_slice %arg18[%dma_start3A_586, %dma_start3A_591] : memref<4x512xi32, #tpu.memory_space<vmem>> -> memref<1x512xi32, #tpu.memory_space<vmem>>
        %dma_start3A_593 = tpu.memref_squeeze %dma_start3A_592 : memref<1x512xi32, #tpu.memory_space<vmem>> -> memref<512xi32, #tpu.memory_space<vmem>>
        %dma_start3A_594 = tpu.memref_slice %arg5[%add3A_567] : memref<1048576xi32, #tpu.memory_space<hbm>> -> memref<512xi32, #tpu.memory_space<hbm>>
        tpu.enqueue_dma source(%dma_start3A_594 : memref<512xi32, #tpu.memory_space<hbm>>) target(%dma_start3A_593 : memref<512xi32, #tpu.memory_space<vmem>>) target_semaphore(%arg26 : memref<!tpu.dma_semaphore, #tpu.memory_space<semaphore_mem>>)
        %dma_start3A_595 = arith.constant 3 : i32
        %dma_start3A_596 = arith.constant 0 : i32
        %dma_start3A_597 = tpu.memref_slice %arg18[%dma_start3A_595, %dma_start3A_596] : memref<4x512xi32, #tpu.memory_space<vmem>> -> memref<1x512xi32, #tpu.memory_space<vmem>>
        %dma_start3A_598 = tpu.memref_squeeze %dma_start3A_597 : memref<1x512xi32, #tpu.memory_space<vmem>> -> memref<512xi32, #tpu.memory_space<vmem>>
        %dma_start3A_599 = tpu.memref_slice %arg6[%add3A_567] : memref<1048576xi32, #tpu.memory_space<hbm>> -> memref<512xi32, #tpu.memory_space<hbm>>
        %dma_start3A_600 = arith.constant 0 : i32
        %dma_start3A_601 = tpu.memref_slice %arg18[%dma_start3A_595, %dma_start3A_600] : memref<4x512xi32, #tpu.memory_space<vmem>> -> memref<1x512xi32, #tpu.memory_space<vmem>>
        %dma_start3A_602 = tpu.memref_squeeze %dma_start3A_601 : memref<1x512xi32, #tpu.memory_space<vmem>> -> memref<512xi32, #tpu.memory_space<vmem>>
        %dma_start3A_603 = tpu.memref_slice %arg6[%add3A_567] : memref<1048576xi32, #tpu.memory_space<hbm>> -> memref<512xi32, #tpu.memory_space<hbm>>
        tpu.enqueue_dma source(%dma_start3A_603 : memref<512xi32, #tpu.memory_space<hbm>>) target(%dma_start3A_602 : memref<512xi32, #tpu.memory_space<vmem>>) target_semaphore(%arg26 : memref<!tpu.dma_semaphore, #tpu.memory_space<semaphore_mem>>)
      } else {
      }
      %add3A_498 = arith.constant 1 : i32
      %add3A_499 = arith.addi %mul3A_328, %add3A_498 : i32
      %mul3A_500 = arith.constant 512 : i32
      %mul3A_501 = arith.muli %add3A_499, %mul3A_500 : i32
      %add3A_502 = arith.addi %mul3A_2, %mul3A_501 : i32
      %dma_wait3A_503 = arith.constant 0 : i32
      %dma_wait3A_504 = arith.constant 0 : i32
      %dma_wait3A_505 = tpu.memref_slice %arg19[%dma_wait3A_503, %dma_wait3A_504] : memref<2x512xi32, #tpu.memory_space<vmem>> -> memref<1x512xi32, #tpu.memory_space<vmem>>
      %dma_wait3A_506 = tpu.memref_squeeze %dma_wait3A_505 : memref<1x512xi32, #tpu.memory_space<vmem>> -> memref<512xi32, #tpu.memory_space<vmem>>
      %dma_wait3A_507 = arith.constant 0 : i32
      %dma_wait3A_508 = tpu.memref_slice %arg7[%dma_wait3A_507] : memref<1048576xi32, #tpu.memory_space<hbm>> -> memref<512xi32, #tpu.memory_space<hbm>>
      %dma_wait3A_509 = arith.constant 0 : i32
      %dma_wait3A_510 = tpu.memref_slice %arg19[%dma_wait3A_503, %dma_wait3A_509] : memref<2x512xi32, #tpu.memory_space<vmem>> -> memref<1x512xi32, #tpu.memory_space<vmem>>
      %dma_wait3A_511 = tpu.memref_squeeze %dma_wait3A_510 : memref<1x512xi32, #tpu.memory_space<vmem>> -> memref<512xi32, #tpu.memory_space<vmem>>
      %dma_wait3A_512 = arith.constant 0 : i32
      %dma_wait3A_513 = tpu.memref_slice %arg7[%dma_wait3A_512] : memref<1048576xi32, #tpu.memory_space<hbm>> -> memref<512xi32, #tpu.memory_space<hbm>>
      tpu.wait_dma2 semaphore(%arg28 : memref<!tpu.dma_semaphore, #tpu.memory_space<semaphore_mem>>) src(%dma_wait3A_513 : memref<512xi32, #tpu.memory_space<hbm>>) dst(%dma_wait3A_511 : memref<512xi32, #tpu.memory_space<vmem>>)
      %dma_wait3A_514 = arith.constant 1 : i32
      %dma_wait3A_515 = arith.constant 0 : i32
      %dma_wait3A_516 = tpu.memref_slice %arg19[%dma_wait3A_514, %dma_wait3A_515] : memref<2x512xi32, #tpu.memory_space<vmem>> -> memref<1x512xi32, #tpu.memory_space<vmem>>
      %dma_wait3A_517 = tpu.memref_squeeze %dma_wait3A_516 : memref<1x512xi32, #tpu.memory_space<vmem>> -> memref<512xi32, #tpu.memory_space<vmem>>
      %dma_wait3A_518 = arith.constant 0 : i32
      %dma_wait3A_519 = tpu.memref_slice %arg7[%dma_wait3A_518] : memref<1048576xi32, #tpu.memory_space<hbm>> -> memref<512xi32, #tpu.memory_space<hbm>>
      %dma_wait3A_520 = arith.constant 0 : i32
      %dma_wait3A_521 = tpu.memref_slice %arg19[%dma_wait3A_514, %dma_wait3A_520] : memref<2x512xi32, #tpu.memory_space<vmem>> -> memref<1x512xi32, #tpu.memory_space<vmem>>
      %dma_wait3A_522 = tpu.memref_squeeze %dma_wait3A_521 : memref<1x512xi32, #tpu.memory_space<vmem>> -> memref<512xi32, #tpu.memory_space<vmem>>
      %dma_wait3A_523 = arith.constant 0 : i32
      %dma_wait3A_524 = tpu.memref_slice %arg7[%dma_wait3A_523] : memref<1048576xi32, #tpu.memory_space<hbm>> -> memref<512xi32, #tpu.memory_space<hbm>>
      tpu.wait_dma2 semaphore(%arg28 : memref<!tpu.dma_semaphore, #tpu.memory_space<semaphore_mem>>) src(%dma_wait3A_524 : memref<512xi32, #tpu.memory_space<hbm>>) dst(%dma_wait3A_522 : memref<512xi32, #tpu.memory_space<vmem>>)
      %dma_wait3A_525 = arith.constant 0 : i32
      %dma_wait3A_526 = arith.constant 0 : i32
      %dma_wait3A_527 = tpu.memref_slice %arg21[%dma_wait3A_525, %dma_wait3A_526] : memref<2x512xf32, #tpu.memory_space<vmem>> -> memref<1x512xf32, #tpu.memory_space<vmem>>
      %dma_wait3A_528 = tpu.memref_squeeze %dma_wait3A_527 : memref<1x512xf32, #tpu.memory_space<vmem>> -> memref<512xf32, #tpu.memory_space<vmem>>
      %dma_wait3A_529 = arith.constant 0 : i32
      %dma_wait3A_530 = tpu.memref_slice %arg9[%dma_wait3A_529] : memref<1048576xf32, #tpu.memory_space<hbm>> -> memref<512xf32, #tpu.memory_space<hbm>>
      %dma_wait3A_531 = arith.constant 0 : i32
      %dma_wait3A_532 = tpu.memref_slice %arg21[%dma_wait3A_525, %dma_wait3A_531] : memref<2x512xf32, #tpu.memory_space<vmem>> -> memref<1x512xf32, #tpu.memory_space<vmem>>
      %dma_wait3A_533 = tpu.memref_squeeze %dma_wait3A_532 : memref<1x512xf32, #tpu.memory_space<vmem>> -> memref<512xf32, #tpu.memory_space<vmem>>
      %dma_wait3A_534 = arith.constant 0 : i32
      %dma_wait3A_535 = tpu.memref_slice %arg9[%dma_wait3A_534] : memref<1048576xf32, #tpu.memory_space<hbm>> -> memref<512xf32, #tpu.memory_space<hbm>>
      tpu.wait_dma2 semaphore(%arg28 : memref<!tpu.dma_semaphore, #tpu.memory_space<semaphore_mem>>) src(%dma_wait3A_535 : memref<512xf32, #tpu.memory_space<hbm>>) dst(%dma_wait3A_533 : memref<512xf32, #tpu.memory_space<vmem>>)
      %dma_wait3A_536 = arith.constant 1 : i32
      %dma_wait3A_537 = arith.constant 0 : i32
      %dma_wait3A_538 = tpu.memref_slice %arg21[%dma_wait3A_536, %dma_wait3A_537] : memref<2x512xf32, #tpu.memory_space<vmem>> -> memref<1x512xf32, #tpu.memory_space<vmem>>
      %dma_wait3A_539 = tpu.memref_squeeze %dma_wait3A_538 : memref<1x512xf32, #tpu.memory_space<vmem>> -> memref<512xf32, #tpu.memory_space<vmem>>
      %dma_wait3A_540 = arith.constant 0 : i32
      %dma_wait3A_541 = tpu.memref_slice %arg9[%dma_wait3A_540] : memref<1048576xf32, #tpu.memory_space<hbm>> -> memref<512xf32, #tpu.memory_space<hbm>>
      %dma_wait3A_542 = arith.constant 0 : i32
      %dma_wait3A_543 = tpu.memref_slice %arg21[%dma_wait3A_536, %dma_wait3A_542] : memref<2x512xf32, #tpu.memory_space<vmem>> -> memref<1x512xf32, #tpu.memory_space<vmem>>
      %dma_wait3A_544 = tpu.memref_squeeze %dma_wait3A_543 : memref<1x512xf32, #tpu.memory_space<vmem>> -> memref<512xf32, #tpu.memory_space<vmem>>
      %dma_wait3A_545 = arith.constant 0 : i32
      %dma_wait3A_546 = tpu.memref_slice %arg9[%dma_wait3A_545] : memref<1048576xf32, #tpu.memory_space<hbm>> -> memref<512xf32, #tpu.memory_space<hbm>>
      tpu.wait_dma2 semaphore(%arg28 : memref<!tpu.dma_semaphore, #tpu.memory_space<semaphore_mem>>) src(%dma_wait3A_546 : memref<512xf32, #tpu.memory_space<hbm>>) dst(%dma_wait3A_544 : memref<512xf32, #tpu.memory_space<vmem>>)
      %scan3A_547 = arith.constant 0 : i32
      %scan3A_548 = arith.constant 0 : i32
      %scan3A_549 = arith.constant 32 : i32
      %scan3A_550 = arith.addi %scan3A_548, %scan3A_549 : i32
      %scan3A_551 = arith.constant 1 : i32
      scf.for %scan3A_563 = %scan3A_548 to %scan3A_550 step %scan3A_551  : i32 {
        %mul3A_564 = arith.constant 16 : i32
        %mul3A_565 = arith.muli %scan3A_563, %mul3A_564 : i32
        %mul3A_566 = arith.constant 16 : i32
        %mul3A_567 = arith.muli %scan3A_563, %mul3A_566 : i32
        %add3A_568 = vector.broadcast %mul3A_567 : i32 to vector<16xi32>
        %add3A_569 = arith.addi %add3A_568, %iota3A : vector<16xi32>
        %get3A = arith.constant 0 : i32
        %get3A_570 = arith.index_cast %get3A : i32 to index
        %get3A_571 = arith.index_cast %mul3A_565 : i32 to index
        %get3A_572 = tpu.vector_load %arg19[%get3A_570, %get3A_571] {strides = array<i32>} : memref<2x512xi32, #tpu.memory_space<vmem>>, vector<16xi32>,
        %get3A_573 = arith.constant 1 : i32
        %get3A_574 = arith.index_cast %get3A_573 : i32 to index
        %get3A_575 = arith.index_cast %mul3A_565 : i32 to index
        %get3A_576 = tpu.vector_load %arg19[%get3A_574, %get3A_575] {strides = array<i32>} : memref<2x512xi32, #tpu.memory_space<vmem>>, vector<16xi32>,
        %get3A_577 = arith.constant 0 : i32
        %get3A_578 = arith.index_cast %get3A_577 : i32 to index
        %get3A_579 = arith.index_cast %mul3A_565 : i32 to index
        %get3A_580 = tpu.vector_load %arg21[%get3A_578, %get3A_579] {strides = array<i32>} : memref<2x512xf32, #tpu.memory_space<vmem>>, vector<16xf32>,
        %get3A_581 = arith.constant 1 : i32
        %get3A_582 = arith.index_cast %get3A_581 : i32 to index
        %get3A_583 = arith.index_cast %mul3A_565 : i32 to index
        %get3A_584 = tpu.vector_load %arg21[%get3A_582, %get3A_583] {strides = array<i32>} : memref<2x512xf32, #tpu.memory_space<vmem>>, vector<16xf32>,
        %shift_left3A = arith.constant 2 : i32
        %shift_left3A_585 = vector.broadcast %shift_left3A : i32 to vector<16xi32>
        %shift_left3A_586 = arith.shli %get3A_572, %shift_left3A_585 : vector<16xi32>
        %ge3A = arith.constant 4 : i32
        %ge3A_587 = vector.broadcast %ge3A : i32 to vector<16xi32>
        %ge3A_588 = arith.cmpi sge, %get3A_576, %ge3A_587 : vector<16xi32>
        %jit3A = arith.constant 512 : i32
        %jit3A_589 = arith.constant 0 : i32
        %broadcast_in_dim3A = vector.broadcast %jit3A : i32 to vector<16xi32>
        %broadcast_in_dim3A_590 = vector.broadcast %jit3A_589 : i32 to vector<16xi32>
        %select_n3A = arith.select %ge3A_588, %broadcast_in_dim3A, %broadcast_in_dim3A_590 : vector<16xi1>, vector<16xi32>
        %shift_left3A_591 = arith.constant 2 : i32
        %shift_left3A_592 = vector.broadcast %shift_left3A_591 : i32 to vector<16xi32>
        %shift_left3A_593 = arith.shli %get3A_576, %shift_left3A_592 : vector<16xi32>
        %jit3A_594 = arith.constant 0 : i32
        %broadcast_in_dim3A_595 = vector.broadcast %jit3A_594 : i32 to vector<16xi32>
        %select_n3A_596 = arith.select %ge3A_588, %broadcast_in_dim3A_595, %shift_left3A_593 : vector<16xi1>, vector<16xi32>
        %add3A_597 = arith.addi %add3A_569, %select_n3A : vector<16xi32>
        %add3A_598 = arith.constant 1024 : i32
        %add3A_599 = vector.broadcast %add3A_598 : i32 to vector<16xi32>
        %add3A_600 = arith.addi %add3A_569, %add3A_599 : vector<16xi32>
        %add3A_601 = arith.addi %add3A_600, %select_n3A : vector<16xi32>
        %add3A_602 = arith.constant 0 : i32
        %add3A_603 = vector.broadcast %add3A_602 : i32 to vector<16xi32>
        %add3A_604 = arith.addi %shift_left3A_586, %add3A_603 : vector<16xi32>
        %gather3A = tpu.vector_load_idx %arg20[%add3A_569, %add3A_604] : memref<2048x16xf32, #tpu.memory_space<vmem>>[vector<16xi32>, vector<16xi32>], vector<16xf32>,
        %add3A_605 = arith.constant 0 : i32
        %add3A_606 = vector.broadcast %add3A_605 : i32 to vector<16xi32>
        %add3A_607 = arith.addi %select_n3A_596, %add3A_606 : vector<16xi32>
        %gather3A_608 = tpu.vector_load_idx %arg20[%add3A_597, %add3A_607] : memref<2048x16xf32, #tpu.memory_space<vmem>>[vector<16xi32>, vector<16xi32>], vector<16xf32>,
        %add3A_609 = arith.constant 0 : i32
        %add3A_610 = vector.broadcast %add3A_609 : i32 to vector<16xi32>
        %add3A_611 = arith.addi %shift_left3A_586, %add3A_610 : vector<16xi32>
        %gather3A_612 = tpu.vector_load_idx %arg20[%add3A_600, %add3A_611] : memref<2048x16xf32, #tpu.memory_space<vmem>>[vector<16xi32>, vector<16xi32>], vector<16xf32>,
        %add3A_613 = arith.constant 0 : i32
        %add3A_614 = vector.broadcast %add3A_613 : i32 to vector<16xi32>
        %add3A_615 = arith.addi %select_n3A_596, %add3A_614 : vector<16xi32>
        %gather3A_616 = tpu.vector_load_idx %arg20[%add3A_601, %add3A_615] : memref<2048x16xf32, #tpu.memory_space<vmem>>[vector<16xi32>, vector<16xi32>], vector<16xf32>,
        %sub3A = arith.subf %gather3A_608, %gather3A : vector<16xf32>
        %mul3A_617 = arith.mulf %get3A_580, %sub3A : vector<16xf32>
        %add3A_618 = arith.addf %gather3A, %mul3A_617 : vector<16xf32>
        %sub3A_619 = arith.subf %gather3A_616, %gather3A_612 : vector<16xf32>
        %mul3A_620 = arith.mulf %get3A_580, %sub3A_619 : vector<16xf32>
        %add3A_621 = arith.addf %gather3A_612, %mul3A_620 : vector<16xf32>
        %sub3A_622 = arith.subf %add3A_621, %add3A_618 : vector<16xf32>
        %mul3A_623 = arith.mulf %get3A_584, %sub3A_622 : vector<16xf32>
        %add3A_624 = arith.addf %add3A_618, %mul3A_623 : vector<16xf32>
        %mul3A_625 = arith.constant 3.906250e-03 : f32
        %mul3A_626 = vector.broadcast %mul3A_625 : f32 to vector<16xf32>
        %mul3A_627 = arith.mulf %add3A_624, %mul3A_626 : vector<16xf32>
        %swap3A = arith.constant 0 : i32
        %swap3A_628 = arith.index_cast %swap3A : i32 to index
        %swap3A_629 = arith.index_cast %mul3A_565 : i32 to index
        %swap3A_630 = tpu.vector_load %arg22[%swap3A_628, %swap3A_629] {strides = array<i32>} : memref<3x512xf32, #tpu.memory_space<vmem>>, vector<16xf32>,
        tpu.vector_store %arg22[%swap3A_628, %swap3A_629], %mul3A_627 {strides = array<i32>} : memref<3x512xf32, #tpu.memory_space<vmem>>, vector<16xf32>,
        %add3A_631 = arith.constant 1 : i32
        %add3A_632 = vector.broadcast %add3A_631 : i32 to vector<16xi32>
        %add3A_633 = arith.addi %shift_left3A_586, %add3A_632 : vector<16xi32>
        %gather3A_634 = tpu.vector_load_idx %arg20[%add3A_569, %add3A_633] : memref<2048x16xf32, #tpu.memory_space<vmem>>[vector<16xi32>, vector<16xi32>], vector<16xf32>,
        %add3A_635 = arith.constant 1 : i32
        %add3A_636 = vector.broadcast %add3A_635 : i32 to vector<16xi32>
        %add3A_637 = arith.addi %select_n3A_596, %add3A_636 : vector<16xi32>
        %gather3A_638 = tpu.vector_load_idx %arg20[%add3A_597, %add3A_637] : memref<2048x16xf32, #tpu.memory_space<vmem>>[vector<16xi32>, vector<16xi32>], vector<16xf32>,
        %add3A_639 = arith.constant 1 : i32
        %add3A_640 = vector.broadcast %add3A_639 : i32 to vector<16xi32>
        %add3A_641 = arith.addi %shift_left3A_586, %add3A_640 : vector<16xi32>
        %gather3A_642 = tpu.vector_load_idx %arg20[%add3A_600, %add3A_641] : memref<2048x16xf32, #tpu.memory_space<vmem>>[vector<16xi32>, vector<16xi32>], vector<16xf32>,
        %add3A_643 = arith.constant 1 : i32
        %add3A_644 = vector.broadcast %add3A_643 : i32 to vector<16xi32>
        %add3A_645 = arith.addi %select_n3A_596, %add3A_644 : vector<16xi32>
        %gather3A_646 = tpu.vector_load_idx %arg20[%add3A_601, %add3A_645] : memref<2048x16xf32, #tpu.memory_space<vmem>>[vector<16xi32>, vector<16xi32>], vector<16xf32>,
        %sub3A_647 = arith.subf %gather3A_638, %gather3A_634 : vector<16xf32>
        %mul3A_648 = arith.mulf %get3A_580, %sub3A_647 : vector<16xf32>
        %add3A_649 = arith.addf %gather3A_634, %mul3A_648 : vector<16xf32>
        %sub3A_650 = arith.subf %gather3A_646, %gather3A_642 : vector<16xf32>
        %mul3A_651 = arith.mulf %get3A_580, %sub3A_650 : vector<16xf32>
        %add3A_652 = arith.addf %gather3A_642, %mul3A_651 : vector<16xf32>
        %sub3A_653 = arith.subf %add3A_652, %add3A_649 : vector<16xf32>
        %mul3A_654 = arith.mulf %get3A_584, %sub3A_653 : vector<16xf32>
        %add3A_655 = arith.addf %add3A_649, %mul3A_654 : vector<16xf32>
        %mul3A_656 = arith.constant 3.906250e-03 : f32
        %mul3A_657 = vector.broadcast %mul3A_656 : f32 to vector<16xf32>
        %mul3A_658 = arith.mulf %add3A_655, %mul3A_657 : vector<16xf32>
        %swap3A_659 = arith.constant 1 : i32
        %swap3A_660 = arith.index_cast %swap3A_659 : i32 to index
        %swap3A_661 = arith.index_cast %mul3A_565 : i32 to index
        %swap3A_662 = tpu.vector_load %arg22[%swap3A_660, %swap3A_661] {strides = array<i32>} : memref<3x512xf32, #tpu.memory_space<vmem>>, vector<16xf32>,
        tpu.vector_store %arg22[%swap3A_660, %swap3A_661], %mul3A_658 {strides = array<i32>} : memref<3x512xf32, #tpu.memory_space<vmem>>, vector<16xf32>,
        %add3A_663 = arith.constant 2 : i32
        %add3A_664 = vector.broadcast %add3A_663 : i32 to vector<16xi32>
        %add3A_665 = arith.addi %shift_left3A_586, %add3A_664 : vector<16xi32>
        %gather3A_666 = tpu.vector_load_idx %arg20[%add3A_569, %add3A_665] : memref<2048x16xf32, #tpu.memory_space<vmem>>[vector<16xi32>, vector<16xi32>], vector<16xf32>,
        %add3A_667 = arith.constant 2 : i32
        %add3A_668 = vector.broadcast %add3A_667 : i32 to vector<16xi32>
        %add3A_669 = arith.addi %select_n3A_596, %add3A_668 : vector<16xi32>
        %gather3A_670 = tpu.vector_load_idx %arg20[%add3A_597, %add3A_669] : memref<2048x16xf32, #tpu.memory_space<vmem>>[vector<16xi32>, vector<16xi32>], vector<16xf32>,
        %add3A_671 = arith.constant 2 : i32
        %add3A_672 = vector.broadcast %add3A_671 : i32 to vector<16xi32>
        %add3A_673 = arith.addi %shift_left3A_586, %add3A_672 : vector<16xi32>
        %gather3A_674 = tpu.vector_load_idx %arg20[%add3A_600, %add3A_673] : memref<2048x16xf32, #tpu.memory_space<vmem>>[vector<16xi32>, vector<16xi32>], vector<16xf32>,
        %add3A_675 = arith.constant 2 : i32
        %add3A_676 = vector.broadcast %add3A_675 : i32 to vector<16xi32>
        %add3A_677 = arith.addi %select_n3A_596, %add3A_676 : vector<16xi32>
        %gather3A_678 = tpu.vector_load_idx %arg20[%add3A_601, %add3A_677] : memref<2048x16xf32, #tpu.memory_space<vmem>>[vector<16xi32>, vector<16xi32>], vector<16xf32>,
        %sub3A_679 = arith.subf %gather3A_670, %gather3A_666 : vector<16xf32>
        %mul3A_680 = arith.mulf %get3A_580, %sub3A_679 : vector<16xf32>
        %add3A_681 = arith.addf %gather3A_666, %mul3A_680 : vector<16xf32>
        %sub3A_682 = arith.subf %gather3A_678, %gather3A_674 : vector<16xf32>
        %mul3A_683 = arith.mulf %get3A_580, %sub3A_682 : vector<16xf32>
        %add3A_684 = arith.addf %gather3A_674, %mul3A_683 : vector<16xf32>
        %sub3A_685 = arith.subf %add3A_684, %add3A_681 : vector<16xf32>
        %mul3A_686 = arith.mulf %get3A_584, %sub3A_685 : vector<16xf32>
        %add3A_687 = arith.addf %add3A_681, %mul3A_686 : vector<16xf32>
        %mul3A_688 = arith.constant 3.906250e-03 : f32
        %mul3A_689 = vector.broadcast %mul3A_688 : f32 to vector<16xf32>
        %mul3A_690 = arith.mulf %add3A_687, %mul3A_689 : vector<16xf32>
        %swap3A_691 = arith.constant 2 : i32
        %swap3A_692 = arith.index_cast %swap3A_691 : i32 to index
        %swap3A_693 = arith.index_cast %mul3A_565 : i32 to index
        %swap3A_694 = tpu.vector_load %arg22[%swap3A_692, %swap3A_693] {strides = array<i32>} : memref<3x512xf32, #tpu.memory_space<vmem>>, vector<16xf32>,
        tpu.vector_store %arg22[%swap3A_692, %swap3A_693], %mul3A_690 {strides = array<i32>} : memref<3x512xf32, #tpu.memory_space<vmem>>, vector<16xf32>,
      }
      %scan3A_552 = arith.constant 32 : i32
      %run_scoped3A_553 = arith.constant 0 : i32
      "tpu.region"() ({
        %run_scoped3A_563 = tpu.sem_alloc : memref<!tpu.dma_semaphore, #tpu.memory_space<semaphore_mem>>
        %dma_start3A_564 = arith.constant 0 : i32
        %dma_start3A_565 = tpu.memref_slice %arg22[%run_scoped3A_553, %dma_start3A_564] : memref<3x512xf32, #tpu.memory_space<vmem>> -> memref<1x512xf32, #tpu.memory_space<vmem>>
        %dma_start3A_566 = tpu.memref_squeeze %dma_start3A_565 : memref<1x512xf32, #tpu.memory_space<vmem>> -> memref<512xf32, #tpu.memory_space<vmem>>
        %dma_start3A_567 = tpu.memref_slice %arg11[%add3A_502] : memref<1048576xf32, #tpu.memory_space<hbm>> -> memref<512xf32, #tpu.memory_space<hbm>>
        %dma_start3A_568 = tpu.memref_slice %arg11[%add3A_502] : memref<1048576xf32, #tpu.memory_space<hbm>> -> memref<512xf32, #tpu.memory_space<hbm>>
        %dma_start3A_569 = arith.constant 0 : i32
        %dma_start3A_570 = tpu.memref_slice %arg22[%run_scoped3A_553, %dma_start3A_569] : memref<3x512xf32, #tpu.memory_space<vmem>> -> memref<1x512xf32, #tpu.memory_space<vmem>>
        %dma_start3A_571 = tpu.memref_squeeze %dma_start3A_570 : memref<1x512xf32, #tpu.memory_space<vmem>> -> memref<512xf32, #tpu.memory_space<vmem>>
        tpu.enqueue_dma source(%dma_start3A_571 : memref<512xf32, #tpu.memory_space<vmem>>) target(%dma_start3A_568 : memref<512xf32, #tpu.memory_space<hbm>>) target_semaphore(%run_scoped3A_563 : memref<!tpu.dma_semaphore, #tpu.memory_space<semaphore_mem>>)
        %dma_wait3A_572 = arith.constant 0 : i32
        %dma_wait3A_573 = tpu.memref_slice %arg22[%run_scoped3A_553, %dma_wait3A_572] : memref<3x512xf32, #tpu.memory_space<vmem>> -> memref<1x512xf32, #tpu.memory_space<vmem>>
        %dma_wait3A_574 = tpu.memref_squeeze %dma_wait3A_573 : memref<1x512xf32, #tpu.memory_space<vmem>> -> memref<512xf32, #tpu.memory_space<vmem>>
        %dma_wait3A_575 = tpu.memref_slice %arg11[%add3A_502] : memref<1048576xf32, #tpu.memory_space<hbm>> -> memref<512xf32, #tpu.memory_space<hbm>>
        %dma_wait3A_576 = tpu.memref_slice %arg11[%add3A_502] : memref<1048576xf32, #tpu.memory_space<hbm>> -> memref<512xf32, #tpu.memory_space<hbm>>
        %dma_wait3A_577 = arith.constant 0 : i32
        %dma_wait3A_578 = tpu.memref_slice %arg22[%run_scoped3A_553, %dma_wait3A_577] : memref<3x512xf32, #tpu.memory_space<vmem>> -> memref<1x512xf32, #tpu.memory_space<vmem>>
        %dma_wait3A_579 = tpu.memref_squeeze %dma_wait3A_578 : memref<1x512xf32, #tpu.memory_space<vmem>> -> memref<512xf32, #tpu.memory_space<vmem>>
        tpu.wait_dma2 semaphore(%run_scoped3A_563 : memref<!tpu.dma_semaphore, #tpu.memory_space<semaphore_mem>>) src(%dma_wait3A_579 : memref<512xf32, #tpu.memory_space<vmem>>) dst(%dma_wait3A_576 : memref<512xf32, #tpu.memory_space<hbm>>)
        tpu.yield
      }) : () -> ()
      %run_scoped3A_554 = arith.constant 1 : i32
      "tpu.region"() ({
        %run_scoped3A_563 = tpu.sem_alloc : memref<!tpu.dma_semaphore, #tpu.memory_space<semaphore_mem>>
        %dma_start3A_564 = arith.constant 0 : i32
        %dma_start3A_565 = tpu.memref_slice %arg22[%run_scoped3A_554, %dma_start3A_564] : memref<3x512xf32, #tpu.memory_space<vmem>> -> memref<1x512xf32, #tpu.memory_space<vmem>>
        %dma_start3A_566 = tpu.memref_squeeze %dma_start3A_565 : memref<1x512xf32, #tpu.memory_space<vmem>> -> memref<512xf32, #tpu.memory_space<vmem>>
        %dma_start3A_567 = tpu.memref_slice %arg12[%add3A_502] : memref<1048576xf32, #tpu.memory_space<hbm>> -> memref<512xf32, #tpu.memory_space<hbm>>
        %dma_start3A_568 = tpu.memref_slice %arg12[%add3A_502] : memref<1048576xf32, #tpu.memory_space<hbm>> -> memref<512xf32, #tpu.memory_space<hbm>>
        %dma_start3A_569 = arith.constant 0 : i32
        %dma_start3A_570 = tpu.memref_slice %arg22[%run_scoped3A_554, %dma_start3A_569] : memref<3x512xf32, #tpu.memory_space<vmem>> -> memref<1x512xf32, #tpu.memory_space<vmem>>
        %dma_start3A_571 = tpu.memref_squeeze %dma_start3A_570 : memref<1x512xf32, #tpu.memory_space<vmem>> -> memref<512xf32, #tpu.memory_space<vmem>>
        tpu.enqueue_dma source(%dma_start3A_571 : memref<512xf32, #tpu.memory_space<vmem>>) target(%dma_start3A_568 : memref<512xf32, #tpu.memory_space<hbm>>) target_semaphore(%run_scoped3A_563 : memref<!tpu.dma_semaphore, #tpu.memory_space<semaphore_mem>>)
        %dma_wait3A_572 = arith.constant 0 : i32
        %dma_wait3A_573 = tpu.memref_slice %arg22[%run_scoped3A_554, %dma_wait3A_572] : memref<3x512xf32, #tpu.memory_space<vmem>> -> memref<1x512xf32, #tpu.memory_space<vmem>>
        %dma_wait3A_574 = tpu.memref_squeeze %dma_wait3A_573 : memref<1x512xf32, #tpu.memory_space<vmem>> -> memref<512xf32, #tpu.memory_space<vmem>>
        %dma_wait3A_575 = tpu.memref_slice %arg12[%add3A_502] : memref<1048576xf32, #tpu.memory_space<hbm>> -> memref<512xf32, #tpu.memory_space<hbm>>
        %dma_wait3A_576 = tpu.memref_slice %arg12[%add3A_502] : memref<1048576xf32, #tpu.memory_space<hbm>> -> memref<512xf32, #tpu.memory_space<hbm>>
        %dma_wait3A_577 = arith.constant 0 : i32
        %dma_wait3A_578 = tpu.memref_slice %arg22[%run_scoped3A_554, %dma_wait3A_577] : memref<3x512xf32, #tpu.memory_space<vmem>> -> memref<1x512xf32, #tpu.memory_space<vmem>>
        %dma_wait3A_579 = tpu.memref_squeeze %dma_wait3A_578 : memref<1x512xf32, #tpu.memory_space<vmem>> -> memref<512xf32, #tpu.memory_space<vmem>>
        tpu.wait_dma2 semaphore(%run_scoped3A_563 : memref<!tpu.dma_semaphore, #tpu.memory_space<semaphore_mem>>) src(%dma_wait3A_579 : memref<512xf32, #tpu.memory_space<vmem>>) dst(%dma_wait3A_576 : memref<512xf32, #tpu.memory_space<hbm>>)
        tpu.yield
      }) : () -> ()
      %run_scoped3A_555 = arith.constant 2 : i32
      "tpu.region"() ({
        %run_scoped3A_563 = tpu.sem_alloc : memref<!tpu.dma_semaphore, #tpu.memory_space<semaphore_mem>>
        %dma_start3A_564 = arith.constant 0 : i32
        %dma_start3A_565 = tpu.memref_slice %arg22[%run_scoped3A_555, %dma_start3A_564] : memref<3x512xf32, #tpu.memory_space<vmem>> -> memref<1x512xf32, #tpu.memory_space<vmem>>
        %dma_start3A_566 = tpu.memref_squeeze %dma_start3A_565 : memref<1x512xf32, #tpu.memory_space<vmem>> -> memref<512xf32, #tpu.memory_space<vmem>>
        %dma_start3A_567 = tpu.memref_slice %arg13[%add3A_502] : memref<1048576xf32, #tpu.memory_space<hbm>> -> memref<512xf32, #tpu.memory_space<hbm>>
        %dma_start3A_568 = tpu.memref_slice %arg13[%add3A_502] : memref<1048576xf32, #tpu.memory_space<hbm>> -> memref<512xf32, #tpu.memory_space<hbm>>
        %dma_start3A_569 = arith.constant 0 : i32
        %dma_start3A_570 = tpu.memref_slice %arg22[%run_scoped3A_555, %dma_start3A_569] : memref<3x512xf32, #tpu.memory_space<vmem>> -> memref<1x512xf32, #tpu.memory_space<vmem>>
        %dma_start3A_571 = tpu.memref_squeeze %dma_start3A_570 : memref<1x512xf32, #tpu.memory_space<vmem>> -> memref<512xf32, #tpu.memory_space<vmem>>
        tpu.enqueue_dma source(%dma_start3A_571 : memref<512xf32, #tpu.memory_space<vmem>>) target(%dma_start3A_568 : memref<512xf32, #tpu.memory_space<hbm>>) target_semaphore(%run_scoped3A_563 : memref<!tpu.dma_semaphore, #tpu.memory_space<semaphore_mem>>)
        %dma_wait3A_572 = arith.constant 0 : i32
        %dma_wait3A_573 = tpu.memref_slice %arg22[%run_scoped3A_555, %dma_wait3A_572] : memref<3x512xf32, #tpu.memory_space<vmem>> -> memref<1x512xf32, #tpu.memory_space<vmem>>
        %dma_wait3A_574 = tpu.memref_squeeze %dma_wait3A_573 : memref<1x512xf32, #tpu.memory_space<vmem>> -> memref<512xf32, #tpu.memory_space<vmem>>
        %dma_wait3A_575 = tpu.memref_slice %arg13[%add3A_502] : memref<1048576xf32, #tpu.memory_space<hbm>> -> memref<512xf32, #tpu.memory_space<hbm>>
        %dma_wait3A_576 = tpu.memref_slice %arg13[%add3A_502] : memref<1048576xf32, #tpu.memory_space<hbm>> -> memref<512xf32, #tpu.memory_space<hbm>>
        %dma_wait3A_577 = arith.constant 0 : i32
        %dma_wait3A_578 = tpu.memref_slice %arg22[%run_scoped3A_555, %dma_wait3A_577] : memref<3x512xf32, #tpu.memory_space<vmem>> -> memref<1x512xf32, #tpu.memory_space<vmem>>
        %dma_wait3A_579 = tpu.memref_squeeze %dma_wait3A_578 : memref<1x512xf32, #tpu.memory_space<vmem>> -> memref<512xf32, #tpu.memory_space<vmem>>
        tpu.wait_dma2 semaphore(%run_scoped3A_563 : memref<!tpu.dma_semaphore, #tpu.memory_space<semaphore_mem>>) src(%dma_wait3A_579 : memref<512xf32, #tpu.memory_space<vmem>>) dst(%dma_wait3A_576 : memref<512xf32, #tpu.memory_space<hbm>>)
        tpu.yield
      }) : () -> ()
      %add3A_556 = arith.constant 3 : i32
      %add3A_557 = arith.addi %mul3A_328, %add3A_556 : i32
      %lt3A_558 = arith.constant 64 : i32
      %lt3A_559 = arith.cmpi slt, %add3A_557, %lt3A_558 : i32
      %convert_element_type3A_560 = arith.extui %lt3A_559 : i1 to i32
      %cond3A_561 = arith.constant 0 : i32
      %cond3A_562 = arith.cmpi ne, %convert_element_type3A_560, %cond3A_561 : i32
      scf.if %cond3A_562 {
        %add3A_563 = arith.constant 3 : i32
        %add3A_564 = arith.addi %mul3A_328, %add3A_563 : i32
        %mul3A_565 = arith.constant 512 : i32
        %mul3A_566 = arith.muli %add3A_564, %mul3A_565 : i32
        %add3A_567 = arith.addi %mul3A_2, %mul3A_566 : i32
        %dma_start3A_568 = arith.constant 0 : i32
        %dma_start3A_569 = arith.constant 0 : i32
        %dma_start3A_570 = tpu.memref_slice %arg19[%dma_start3A_568, %dma_start3A_569] : memref<2x512xi32, #tpu.memory_space<vmem>> -> memref<1x512xi32, #tpu.memory_space<vmem>>
        %dma_start3A_571 = tpu.memref_squeeze %dma_start3A_570 : memref<1x512xi32, #tpu.memory_space<vmem>> -> memref<512xi32, #tpu.memory_space<vmem>>
        %dma_start3A_572 = tpu.memref_slice %arg7[%add3A_567] : memref<1048576xi32, #tpu.memory_space<hbm>> -> memref<512xi32, #tpu.memory_space<hbm>>
        %dma_start3A_573 = arith.constant 0 : i32
        %dma_start3A_574 = tpu.memref_slice %arg19[%dma_start3A_568, %dma_start3A_573] : memref<2x512xi32, #tpu.memory_space<vmem>> -> memref<1x512xi32, #tpu.memory_space<vmem>>
        %dma_start3A_575 = tpu.memref_squeeze %dma_start3A_574 : memref<1x512xi32, #tpu.memory_space<vmem>> -> memref<512xi32, #tpu.memory_space<vmem>>
        %dma_start3A_576 = tpu.memref_slice %arg7[%add3A_567] : memref<1048576xi32, #tpu.memory_space<hbm>> -> memref<512xi32, #tpu.memory_space<hbm>>
        tpu.enqueue_dma source(%dma_start3A_576 : memref<512xi32, #tpu.memory_space<hbm>>) target(%dma_start3A_575 : memref<512xi32, #tpu.memory_space<vmem>>) target_semaphore(%arg28 : memref<!tpu.dma_semaphore, #tpu.memory_space<semaphore_mem>>)
        %dma_start3A_577 = arith.constant 1 : i32
        %dma_start3A_578 = arith.constant 0 : i32
        %dma_start3A_579 = tpu.memref_slice %arg19[%dma_start3A_577, %dma_start3A_578] : memref<2x512xi32, #tpu.memory_space<vmem>> -> memref<1x512xi32, #tpu.memory_space<vmem>>
        %dma_start3A_580 = tpu.memref_squeeze %dma_start3A_579 : memref<1x512xi32, #tpu.memory_space<vmem>> -> memref<512xi32, #tpu.memory_space<vmem>>
        %dma_start3A_581 = tpu.memref_slice %arg8[%add3A_567] : memref<1048576xi32, #tpu.memory_space<hbm>> -> memref<512xi32, #tpu.memory_space<hbm>>
        %dma_start3A_582 = arith.constant 0 : i32
        %dma_start3A_583 = tpu.memref_slice %arg19[%dma_start3A_577, %dma_start3A_582] : memref<2x512xi32, #tpu.memory_space<vmem>> -> memref<1x512xi32, #tpu.memory_space<vmem>>
        %dma_start3A_584 = tpu.memref_squeeze %dma_start3A_583 : memref<1x512xi32, #tpu.memory_space<vmem>> -> memref<512xi32, #tpu.memory_space<vmem>>
        %dma_start3A_585 = tpu.memref_slice %arg8[%add3A_567] : memref<1048576xi32, #tpu.memory_space<hbm>> -> memref<512xi32, #tpu.memory_space<hbm>>
        tpu.enqueue_dma source(%dma_start3A_585 : memref<512xi32, #tpu.memory_space<hbm>>) target(%dma_start3A_584 : memref<512xi32, #tpu.memory_space<vmem>>) target_semaphore(%arg28 : memref<!tpu.dma_semaphore, #tpu.memory_space<semaphore_mem>>)
        %dma_start3A_586 = arith.constant 0 : i32
        %dma_start3A_587 = arith.constant 0 : i32
        %dma_start3A_588 = tpu.memref_slice %arg21[%dma_start3A_586, %dma_start3A_587] : memref<2x512xf32, #tpu.memory_space<vmem>> -> memref<1x512xf32, #tpu.memory_space<vmem>>
        %dma_start3A_589 = tpu.memref_squeeze %dma_start3A_588 : memref<1x512xf32, #tpu.memory_space<vmem>> -> memref<512xf32, #tpu.memory_space<vmem>>
        %dma_start3A_590 = tpu.memref_slice %arg9[%add3A_567] : memref<1048576xf32, #tpu.memory_space<hbm>> -> memref<512xf32, #tpu.memory_space<hbm>>
        %dma_start3A_591 = arith.constant 0 : i32
        %dma_start3A_592 = tpu.memref_slice %arg21[%dma_start3A_586, %dma_start3A_591] : memref<2x512xf32, #tpu.memory_space<vmem>> -> memref<1x512xf32, #tpu.memory_space<vmem>>
        %dma_start3A_593 = tpu.memref_squeeze %dma_start3A_592 : memref<1x512xf32, #tpu.memory_space<vmem>> -> memref<512xf32, #tpu.memory_space<vmem>>
        %dma_start3A_594 = tpu.memref_slice %arg9[%add3A_567] : memref<1048576xf32, #tpu.memory_space<hbm>> -> memref<512xf32, #tpu.memory_space<hbm>>
        tpu.enqueue_dma source(%dma_start3A_594 : memref<512xf32, #tpu.memory_space<hbm>>) target(%dma_start3A_593 : memref<512xf32, #tpu.memory_space<vmem>>) target_semaphore(%arg28 : memref<!tpu.dma_semaphore, #tpu.memory_space<semaphore_mem>>)
        %dma_start3A_595 = arith.constant 1 : i32
        %dma_start3A_596 = arith.constant 0 : i32
        %dma_start3A_597 = tpu.memref_slice %arg21[%dma_start3A_595, %dma_start3A_596] : memref<2x512xf32, #tpu.memory_space<vmem>> -> memref<1x512xf32, #tpu.memory_space<vmem>>
        %dma_start3A_598 = tpu.memref_squeeze %dma_start3A_597 : memref<1x512xf32, #tpu.memory_space<vmem>> -> memref<512xf32, #tpu.memory_space<vmem>>
        %dma_start3A_599 = tpu.memref_slice %arg10[%add3A_567] : memref<1048576xf32, #tpu.memory_space<hbm>> -> memref<512xf32, #tpu.memory_space<hbm>>
        %dma_start3A_600 = arith.constant 0 : i32
        %dma_start3A_601 = tpu.memref_slice %arg21[%dma_start3A_595, %dma_start3A_600] : memref<2x512xf32, #tpu.memory_space<vmem>> -> memref<1x512xf32, #tpu.memory_space<vmem>>
        %dma_start3A_602 = tpu.memref_squeeze %dma_start3A_601 : memref<1x512xf32, #tpu.memory_space<vmem>> -> memref<512xf32, #tpu.memory_space<vmem>>
        %dma_start3A_603 = tpu.memref_slice %arg10[%add3A_567] : memref<1048576xf32, #tpu.memory_space<hbm>> -> memref<512xf32, #tpu.memory_space<hbm>>
        tpu.enqueue_dma source(%dma_start3A_603 : memref<512xf32, #tpu.memory_space<hbm>>) target(%dma_start3A_602 : memref<512xf32, #tpu.memory_space<vmem>>) target_semaphore(%arg28 : memref<!tpu.dma_semaphore, #tpu.memory_space<semaphore_mem>>)
        %dma_wait3A_604 = arith.constant 0 : i32
        %dma_wait3A_605 = arith.constant 0 : i32
        %dma_wait3A_606 = tpu.memref_slice %arg18[%dma_wait3A_604, %dma_wait3A_605] : memref<4x512xi32, #tpu.memory_space<vmem>> -> memref<1x512xi32, #tpu.memory_space<vmem>>
        %dma_wait3A_607 = tpu.memref_squeeze %dma_wait3A_606 : memref<1x512xi32, #tpu.memory_space<vmem>> -> memref<512xi32, #tpu.memory_space<vmem>>
        %dma_wait3A_608 = arith.constant 0 : i32
        %dma_wait3A_609 = tpu.memref_slice %arg3[%dma_wait3A_608] : memref<1048576xi32, #tpu.memory_space<hbm>> -> memref<512xi32, #tpu.memory_space<hbm>>
        %dma_wait3A_610 = arith.constant 0 : i32
        %dma_wait3A_611 = tpu.memref_slice %arg18[%dma_wait3A_604, %dma_wait3A_610] : memref<4x512xi32, #tpu.memory_space<vmem>> -> memref<1x512xi32, #tpu.memory_space<vmem>>
        %dma_wait3A_612 = tpu.memref_squeeze %dma_wait3A_611 : memref<1x512xi32, #tpu.memory_space<vmem>> -> memref<512xi32, #tpu.memory_space<vmem>>
        %dma_wait3A_613 = arith.constant 0 : i32
        %dma_wait3A_614 = tpu.memref_slice %arg3[%dma_wait3A_613] : memref<1048576xi32, #tpu.memory_space<hbm>> -> memref<512xi32, #tpu.memory_space<hbm>>
        tpu.wait_dma2 semaphore(%arg26 : memref<!tpu.dma_semaphore, #tpu.memory_space<semaphore_mem>>) src(%dma_wait3A_614 : memref<512xi32, #tpu.memory_space<hbm>>) dst(%dma_wait3A_612 : memref<512xi32, #tpu.memory_space<vmem>>)
        %dma_wait3A_615 = arith.constant 1 : i32
        %dma_wait3A_616 = arith.constant 0 : i32
        %dma_wait3A_617 = tpu.memref_slice %arg18[%dma_wait3A_615, %dma_wait3A_616] : memref<4x512xi32, #tpu.memory_space<vmem>> -> memref<1x512xi32, #tpu.memory_space<vmem>>
        %dma_wait3A_618 = tpu.memref_squeeze %dma_wait3A_617 : memref<1x512xi32, #tpu.memory_space<vmem>> -> memref<512xi32, #tpu.memory_space<vmem>>
        %dma_wait3A_619 = arith.constant 0 : i32
        %dma_wait3A_620 = tpu.memref_slice %arg3[%dma_wait3A_619] : memref<1048576xi32, #tpu.memory_space<hbm>> -> memref<512xi32, #tpu.memory_space<hbm>>
        %dma_wait3A_621 = arith.constant 0 : i32
        %dma_wait3A_622 = tpu.memref_slice %arg18[%dma_wait3A_615, %dma_wait3A_621] : memref<4x512xi32, #tpu.memory_space<vmem>> -> memref<1x512xi32, #tpu.memory_space<vmem>>
        %dma_wait3A_623 = tpu.memref_squeeze %dma_wait3A_622 : memref<1x512xi32, #tpu.memory_space<vmem>> -> memref<512xi32, #tpu.memory_space<vmem>>
        %dma_wait3A_624 = arith.constant 0 : i32
        %dma_wait3A_625 = tpu.memref_slice %arg3[%dma_wait3A_624] : memref<1048576xi32, #tpu.memory_space<hbm>> -> memref<512xi32, #tpu.memory_space<hbm>>
        tpu.wait_dma2 semaphore(%arg26 : memref<!tpu.dma_semaphore, #tpu.memory_space<semaphore_mem>>) src(%dma_wait3A_625 : memref<512xi32, #tpu.memory_space<hbm>>) dst(%dma_wait3A_623 : memref<512xi32, #tpu.memory_space<vmem>>)
        %dma_wait3A_626 = arith.constant 2 : i32
        %dma_wait3A_627 = arith.constant 0 : i32
        %dma_wait3A_628 = tpu.memref_slice %arg18[%dma_wait3A_626, %dma_wait3A_627] : memref<4x512xi32, #tpu.memory_space<vmem>> -> memref<1x512xi32, #tpu.memory_space<vmem>>
        %dma_wait3A_629 = tpu.memref_squeeze %dma_wait3A_628 : memref<1x512xi32, #tpu.memory_space<vmem>> -> memref<512xi32, #tpu.memory_space<vmem>>
        %dma_wait3A_630 = arith.constant 0 : i32
        %dma_wait3A_631 = tpu.memref_slice %arg3[%dma_wait3A_630] : memref<1048576xi32, #tpu.memory_space<hbm>> -> memref<512xi32, #tpu.memory_space<hbm>>
        %dma_wait3A_632 = arith.constant 0 : i32
        %dma_wait3A_633 = tpu.memref_slice %arg18[%dma_wait3A_626, %dma_wait3A_632] : memref<4x512xi32, #tpu.memory_space<vmem>> -> memref<1x512xi32, #tpu.memory_space<vmem>>
        %dma_wait3A_634 = tpu.memref_squeeze %dma_wait3A_633 : memref<1x512xi32, #tpu.memory_space<vmem>> -> memref<512xi32, #tpu.memory_space<vmem>>
        %dma_wait3A_635 = arith.constant 0 : i32
        %dma_wait3A_636 = tpu.memref_slice %arg3[%dma_wait3A_635] : memref<1048576xi32, #tpu.memory_space<hbm>> -> memref<512xi32, #tpu.memory_space<hbm>>
        tpu.wait_dma2 semaphore(%arg26 : memref<!tpu.dma_semaphore, #tpu.memory_space<semaphore_mem>>) src(%dma_wait3A_636 : memref<512xi32, #tpu.memory_space<hbm>>) dst(%dma_wait3A_634 : memref<512xi32, #tpu.memory_space<vmem>>)
        %dma_wait3A_637 = arith.constant 3 : i32
        %dma_wait3A_638 = arith.constant 0 : i32
        %dma_wait3A_639 = tpu.memref_slice %arg18[%dma_wait3A_637, %dma_wait3A_638] : memref<4x512xi32, #tpu.memory_space<vmem>> -> memref<1x512xi32, #tpu.memory_space<vmem>>
        %dma_wait3A_640 = tpu.memref_squeeze %dma_wait3A_639 : memref<1x512xi32, #tpu.memory_space<vmem>> -> memref<512xi32, #tpu.memory_space<vmem>>
        %dma_wait3A_641 = arith.constant 0 : i32
        %dma_wait3A_642 = tpu.memref_slice %arg3[%dma_wait3A_641] : memref<1048576xi32, #tpu.memory_space<hbm>> -> memref<512xi32, #tpu.memory_space<hbm>>
        %dma_wait3A_643 = arith.constant 0 : i32
        %dma_wait3A_644 = tpu.memref_slice %arg18[%dma_wait3A_637, %dma_wait3A_643] : memref<4x512xi32, #tpu.memory_space<vmem>> -> memref<1x512xi32, #tpu.memory_space<vmem>>
        %dma_wait3A_645 = tpu.memref_squeeze %dma_wait3A_644 : memref<1x512xi32, #tpu.memory_space<vmem>> -> memref<512xi32, #tpu.memory_space<vmem>>
        %dma_wait3A_646 = arith.constant 0 : i32
        %dma_wait3A_647 = tpu.memref_slice %arg3[%dma_wait3A_646] : memref<1048576xi32, #tpu.memory_space<hbm>> -> memref<512xi32, #tpu.memory_space<hbm>>
        tpu.wait_dma2 semaphore(%arg26 : memref<!tpu.dma_semaphore, #tpu.memory_space<semaphore_mem>>) src(%dma_wait3A_647 : memref<512xi32, #tpu.memory_space<hbm>>) dst(%dma_wait3A_645 : memref<512xi32, #tpu.memory_space<vmem>>)
        %dma_start3A_648 = arith.constant 0 : i32
        %dma_start3A_649 = arith.constant 0 : i32
        %dma_start3A_650 = arith.constant 0 : i32
        %dma_start3A_651 = tpu.memref_slice %arg20[%dma_start3A_649, %dma_start3A_650] : memref<2048x16xf32, #tpu.memory_space<vmem>> -> memref<512x16xf32, #tpu.memory_space<vmem>>
        %dma_start3A_652 = arith.constant 0 : i32
        %dma_start3A_653 = tpu.memref_slice %arg18[%dma_start3A_648, %dma_start3A_652] : memref<4x512xi32, #tpu.memory_space<vmem>> -> memref<1x512xi32, #tpu.memory_space<vmem>>
        %dma_start3A_654 = tpu.memref_squeeze %dma_start3A_653 : memref<1x512xi32, #tpu.memory_space<vmem>> -> memref<512xi32, #tpu.memory_space<vmem>>
        %dma_start3A_655 = arith.constant 0 : i32
        %dma_start3A_656 = arith.constant 0 : i32
        %dma_start3A_657 = tpu.memref_slice %arg2[%dma_start3A_655, %dma_start3A_656] : memref<2097152x16xf32, #tpu.memory_space<hbm>> -> memref<2097152x16xf32, #tpu.memory_space<hbm>>
        tpu.enqueue_indirect_dma source(%dma_start3A_657 : memref<2097152x16xf32, #tpu.memory_space<hbm>>) target(%dma_start3A_651 : memref<512x16xf32, #tpu.memory_space<vmem>>) offsets(%dma_start3A_654 : memref<512xi32, #tpu.memory_space<vmem>>) semaphore(%arg24 : memref<!tpu.dma_semaphore, #tpu.memory_space<semaphore_mem>>)
        %dma_start3A_658 = arith.constant 1 : i32
        %dma_start3A_659 = arith.constant 512 : i32
        %dma_start3A_660 = arith.constant 0 : i32
        %dma_start3A_661 = tpu.memref_slice %arg20[%dma_start3A_659, %dma_start3A_660] : memref<2048x16xf32, #tpu.memory_space<vmem>> -> memref<512x16xf32, #tpu.memory_space<vmem>>
        %dma_start3A_662 = arith.constant 0 : i32
        %dma_start3A_663 = tpu.memref_slice %arg18[%dma_start3A_658, %dma_start3A_662] : memref<4x512xi32, #tpu.memory_space<vmem>> -> memref<1x512xi32, #tpu.memory_space<vmem>>
        %dma_start3A_664 = tpu.memref_squeeze %dma_start3A_663 : memref<1x512xi32, #tpu.memory_space<vmem>> -> memref<512xi32, #tpu.memory_space<vmem>>
        %dma_start3A_665 = arith.constant 0 : i32
        %dma_start3A_666 = arith.constant 0 : i32
        %dma_start3A_667 = tpu.memref_slice %arg2[%dma_start3A_665, %dma_start3A_666] : memref<2097152x16xf32, #tpu.memory_space<hbm>> -> memref<2097152x16xf32, #tpu.memory_space<hbm>>
        tpu.enqueue_indirect_dma source(%dma_start3A_667 : memref<2097152x16xf32, #tpu.memory_space<hbm>>) target(%dma_start3A_661 : memref<512x16xf32, #tpu.memory_space<vmem>>) offsets(%dma_start3A_664 : memref<512xi32, #tpu.memory_space<vmem>>) semaphore(%arg24 : memref<!tpu.dma_semaphore, #tpu.memory_space<semaphore_mem>>)
        %dma_start3A_668 = arith.constant 2 : i32
        %dma_start3A_669 = arith.constant 1024 : i32
        %dma_start3A_670 = arith.constant 0 : i32
        %dma_start3A_671 = tpu.memref_slice %arg20[%dma_start3A_669, %dma_start3A_670] : memref<2048x16xf32, #tpu.memory_space<vmem>> -> memref<512x16xf32, #tpu.memory_space<vmem>>
        %dma_start3A_672 = arith.constant 0 : i32
        %dma_start3A_673 = tpu.memref_slice %arg18[%dma_start3A_668, %dma_start3A_672] : memref<4x512xi32, #tpu.memory_space<vmem>> -> memref<1x512xi32, #tpu.memory_space<vmem>>
        %dma_start3A_674 = tpu.memref_squeeze %dma_start3A_673 : memref<1x512xi32, #tpu.memory_space<vmem>> -> memref<512xi32, #tpu.memory_space<vmem>>
        %dma_start3A_675 = arith.constant 0 : i32
        %dma_start3A_676 = arith.constant 0 : i32
        %dma_start3A_677 = tpu.memref_slice %arg2[%dma_start3A_675, %dma_start3A_676] : memref<2097152x16xf32, #tpu.memory_space<hbm>> -> memref<2097152x16xf32, #tpu.memory_space<hbm>>
        tpu.enqueue_indirect_dma source(%dma_start3A_677 : memref<2097152x16xf32, #tpu.memory_space<hbm>>) target(%dma_start3A_671 : memref<512x16xf32, #tpu.memory_space<vmem>>) offsets(%dma_start3A_674 : memref<512xi32, #tpu.memory_space<vmem>>) semaphore(%arg24 : memref<!tpu.dma_semaphore, #tpu.memory_space<semaphore_mem>>)
        %dma_start3A_678 = arith.constant 3 : i32
        %dma_start3A_679 = arith.constant 1536 : i32
        %dma_start3A_680 = arith.constant 0 : i32
        %dma_start3A_681 = tpu.memref_slice %arg20[%dma_start3A_679, %dma_start3A_680] : memref<2048x16xf32, #tpu.memory_space<vmem>> -> memref<512x16xf32, #tpu.memory_space<vmem>>
        %dma_start3A_682 = arith.constant 0 : i32
        %dma_start3A_683 = tpu.memref_slice %arg18[%dma_start3A_678, %dma_start3A_682] : memref<4x512xi32, #tpu.memory_space<vmem>> -> memref<1x512xi32, #tpu.memory_space<vmem>>
        %dma_start3A_684 = tpu.memref_squeeze %dma_start3A_683 : memref<1x512xi32, #tpu.memory_space<vmem>> -> memref<512xi32, #tpu.memory_space<vmem>>
        %dma_start3A_685 = arith.constant 0 : i32
        %dma_start3A_686 = arith.constant 0 : i32
        %dma_start3A_687 = tpu.memref_slice %arg2[%dma_start3A_685, %dma_start3A_686] : memref<2097152x16xf32, #tpu.memory_space<hbm>> -> memref<2097152x16xf32, #tpu.memory_space<hbm>>
        tpu.enqueue_indirect_dma source(%dma_start3A_687 : memref<2097152x16xf32, #tpu.memory_space<hbm>>) target(%dma_start3A_681 : memref<512x16xf32, #tpu.memory_space<vmem>>) offsets(%dma_start3A_684 : memref<512xi32, #tpu.memory_space<vmem>>) semaphore(%arg24 : memref<!tpu.dma_semaphore, #tpu.memory_space<semaphore_mem>>)
      } else {
      }
    }
    %scan3A_325 = arith.constant 32 : i32
    return
  }
}

module attributes {stable_mosaic.version = 14 : i64} {
  func.func @_uv_body(%arg0: i32, %arg1: memref<3x8192xf32, #tpu.memory_space<vmem>>, %arg2: memref<8192xi32, #tpu.memory_space<vmem>>, %arg3: memref<8192xi32, #tpu.memory_space<vmem>>, %arg4: memref<8192xi32, #tpu.memory_space<vmem>>, %arg5: memref<8192xi32, #tpu.memory_space<vmem>>, %arg6: memref<8192xi32, #tpu.memory_space<vmem>>, %arg7: memref<8192xi32, #tpu.memory_space<vmem>>, %arg8: memref<8192xf32, #tpu.memory_space<vmem>>, %arg9: memref<8192xf32, #tpu.memory_space<vmem>>) attributes {dimension_semantics = [#tpu.dimension_semantics<arbitrary>], iteration_bounds = array<i64: 128>, scalar_prefetch = 0 : i64, scratch_operands = 0 : i64, tpu.core_type = #tpu.core_type<tc>, window_params = [{transform_indices = @transform_0, window_bounds = array<i64: 3, 8192>}, {transform_indices = @transform_1, window_bounds = array<i64: 8192>}, {transform_indices = @transform_2, window_bounds = array<i64: 8192>}, {transform_indices = @transform_3, window_bounds = array<i64: 8192>}, {transform_indices = @transform_4, window_bounds = array<i64: 8192>}, {transform_indices = @transform_5, window_bounds = array<i64: 8192>}, {transform_indices = @transform_6, window_bounds = array<i64: 8192>}, {transform_indices = @transform_7, window_bounds = array<i64: 8192>}, {transform_indices = @transform_8, window_bounds = array<i64: 8192>}]} {
    %get3A = arith.constant 0 : index
    %get3A_0 = arith.constant 0 : index
    %get3A_1 = vector.load %arg1[%get3A, %get3A_0] : memref<3x8192xf32, #tpu.memory_space<vmem>>, vector<1x8192xf32>
    %get3A_2 = vector.shape_cast %get3A_1 : vector<1x8192xf32> to vector<8192xf32>
    %get3A_3 = arith.constant 1 : index
    %get3A_4 = arith.constant 0 : index
    %get3A_5 = vector.load %arg1[%get3A_3, %get3A_4] : memref<3x8192xf32, #tpu.memory_space<vmem>>, vector<1x8192xf32>
    %get3A_6 = vector.shape_cast %get3A_5 : vector<1x8192xf32> to vector<8192xf32>
    %get3A_7 = arith.constant 2 : index
    %get3A_8 = arith.constant 0 : index
    %get3A_9 = vector.load %arg1[%get3A_7, %get3A_8] : memref<3x8192xf32, #tpu.memory_space<vmem>>, vector<1x8192xf32>
    %get3A_10 = vector.shape_cast %get3A_9 : vector<1x8192xf32> to vector<8192xf32>
    %mul3A = arith.mulf %get3A_2, %get3A_2 : vector<8192xf32>
    %mul3A_11 = arith.mulf %get3A_6, %get3A_6 : vector<8192xf32>
    %add3A = arith.addf %mul3A, %mul3A_11 : vector<8192xf32>
    %mul3A_12 = arith.mulf %get3A_10, %get3A_10 : vector<8192xf32>
    %add3A_13 = arith.addf %add3A, %mul3A_12 : vector<8192xf32>
    %sqrt3A = math.sqrt %add3A_13 : vector<8192xf32>
    %div3A = arith.divf %get3A_6, %sqrt3A : vector<8192xf32>
    %jit3A = arith.constant -0.999998986 : f32
    %jit3A_14 = arith.constant 0.999998986 : f32
    %max3A = vector.broadcast %jit3A : f32 to vector<8192xf32>
    %max3A_15 = arith.maximumf %max3A, %div3A : vector<8192xf32>
    %min3A = vector.broadcast %jit3A_14 : f32 to vector<8192xf32>
    %min3A_16 = arith.minimumf %min3A, %max3A_15 : vector<8192xf32>
    %add3A_17 = arith.constant 1.000000e+00 : f32
    %add3A_18 = vector.broadcast %add3A_17 : f32 to vector<8192xf32>
    %add3A_19 = arith.addf %add3A_18, %min3A_16 : vector<8192xf32>
    %sub3A = arith.constant 1.000000e+00 : f32
    %sub3A_20 = vector.broadcast %sub3A : f32 to vector<8192xf32>
    %sub3A_21 = arith.subf %sub3A_20, %min3A_16 : vector<8192xf32>
    %mul3A_22 = arith.mulf %add3A_19, %sub3A_21 : vector<8192xf32>
    %sqrt3A_23 = math.sqrt %mul3A_22 : vector<8192xf32>
    %atan23A = math.atan2 %sqrt3A_23, %min3A_16 : vector<8192xf32>
    %atan23A_24 = math.atan2 %get3A_2, %get3A_10 : vector<8192xf32>
    %div3A_25 = arith.constant 6.28318548 : f32
    %div3A_26 = vector.broadcast %div3A_25 : f32 to vector<8192xf32>
    %div3A_27 = arith.divf %atan23A_24, %div3A_26 : vector<8192xf32>
    %add3A_28 = arith.constant 5.000000e-01 : f32
    %add3A_29 = vector.broadcast %add3A_28 : f32 to vector<8192xf32>
    %add3A_30 = arith.addf %div3A_27, %add3A_29 : vector<8192xf32>
    %floor3A = math.floor %add3A_30 : vector<8192xf32>
    %sub3A_31 = arith.subf %add3A_30, %floor3A : vector<8192xf32>
    %div3A_32 = arith.constant 3.14159274 : f32
    %div3A_33 = vector.broadcast %div3A_32 : f32 to vector<8192xf32>
    %div3A_34 = arith.divf %atan23A, %div3A_33 : vector<8192xf32>
    %mul3A_35 = arith.constant 4.096000e+03 : f32
    %mul3A_36 = vector.broadcast %mul3A_35 : f32 to vector<8192xf32>
    %mul3A_37 = arith.mulf %sub3A_31, %mul3A_36 : vector<8192xf32>
    %jit3A_38 = arith.constant 0.000000e+00 : f32
    %jit3A_39 = arith.constant 4.095000e+03 : f32
    %max3A_40 = vector.broadcast %jit3A_38 : f32 to vector<8192xf32>
    %max3A_41 = arith.maximumf %max3A_40, %mul3A_37 : vector<8192xf32>
    %min3A_42 = vector.broadcast %jit3A_39 : f32 to vector<8192xf32>
    %min3A_43 = arith.minimumf %min3A_42, %max3A_41 : vector<8192xf32>
    %mul3A_44 = arith.constant 2.048000e+03 : f32
    %mul3A_45 = vector.broadcast %mul3A_44 : f32 to vector<8192xf32>
    %mul3A_46 = arith.mulf %div3A_34, %mul3A_45 : vector<8192xf32>
    %jit3A_47 = arith.constant 0.000000e+00 : f32
    %jit3A_48 = arith.constant 2.047000e+03 : f32
    %max3A_49 = vector.broadcast %jit3A_47 : f32 to vector<8192xf32>
    %max3A_50 = arith.maximumf %max3A_49, %mul3A_46 : vector<8192xf32>
    %min3A_51 = vector.broadcast %jit3A_48 : f32 to vector<8192xf32>
    %min3A_52 = arith.minimumf %min3A_51, %max3A_50 : vector<8192xf32>
    %floor3A_53 = math.floor %min3A_43 : vector<8192xf32>
    %floor3A_54 = math.floor %min3A_52 : vector<8192xf32>
    %sub3A_55 = arith.subf %min3A_43, %floor3A_53 : vector<8192xf32>
    %swap3A = arith.constant 0 : index
    %swap3A_56 = vector.load %arg8[%swap3A] : memref<8192xf32, #tpu.memory_space<vmem>>, vector<8192xf32>
    tpu.vector_store %arg8[%swap3A], %sub3A_55 {strides = array<i32>} : memref<8192xf32, #tpu.memory_space<vmem>>, vector<8192xf32>,
    %sub3A_57 = arith.subf %min3A_52, %floor3A_54 : vector<8192xf32>
    %swap3A_58 = arith.constant 0 : index
    %swap3A_59 = vector.load %arg9[%swap3A_58] : memref<8192xf32, #tpu.memory_space<vmem>>, vector<8192xf32>
    tpu.vector_store %arg9[%swap3A_58], %sub3A_57 {strides = array<i32>} : memref<8192xf32, #tpu.memory_space<vmem>>, vector<8192xf32>,
    %convert_element_type3A = arith.fptosi %floor3A_53 : vector<8192xf32> to vector<8192xi32>
    %convert_element_type3A_60 = arith.fptosi %floor3A_54 : vector<8192xf32> to vector<8192xi32>
    %add3A_61 = arith.constant 1 : i32
    %add3A_62 = vector.broadcast %add3A_61 : i32 to vector<8192xi32>
    %add3A_63 = arith.addi %convert_element_type3A, %add3A_62 : vector<8192xi32>
    %min3A_64 = arith.constant 4095 : i32
    %min3A_65 = vector.broadcast %min3A_64 : i32 to vector<8192xi32>
    %min3A_66 = arith.minsi %add3A_63, %min3A_65 : vector<8192xi32>
    %add3A_67 = arith.constant 1 : i32
    %add3A_68 = vector.broadcast %add3A_67 : i32 to vector<8192xi32>
    %add3A_69 = arith.addi %convert_element_type3A_60, %add3A_68 : vector<8192xi32>
    %min3A_70 = arith.constant 2047 : i32
    %min3A_71 = vector.broadcast %min3A_70 : i32 to vector<8192xi32>
    %min3A_72 = arith.minsi %add3A_69, %min3A_71 : vector<8192xi32>
    %shift_right_arithmetic3A = arith.constant 2 : i32
    %shift_right_arithmetic3A_73 = vector.broadcast %shift_right_arithmetic3A : i32 to vector<8192xi32>
    %shift_right_arithmetic3A_74 = arith.shrsi %convert_element_type3A, %shift_right_arithmetic3A_73 : vector<8192xi32>
    %add3A_75 = arith.constant 1 : i32
    %add3A_76 = vector.broadcast %add3A_75 : i32 to vector<8192xi32>
    %add3A_77 = arith.addi %shift_right_arithmetic3A_74, %add3A_76 : vector<8192xi32>
    %min3A_78 = arith.constant 1023 : i32
    %min3A_79 = vector.broadcast %min3A_78 : i32 to vector<8192xi32>
    %min3A_80 = arith.minsi %add3A_77, %min3A_79 : vector<8192xi32>
    %mul3A_81 = arith.constant 1024 : i32
    %mul3A_82 = vector.broadcast %mul3A_81 : i32 to vector<8192xi32>
    %mul3A_83 = arith.muli %convert_element_type3A_60, %mul3A_82 : vector<8192xi32>
    %add3A_84 = arith.addi %mul3A_83, %shift_right_arithmetic3A_74 : vector<8192xi32>
    %swap3A_85 = arith.constant 0 : index
    %swap3A_86 = vector.load %arg2[%swap3A_85] : memref<8192xi32, #tpu.memory_space<vmem>>, vector<8192xi32>
    tpu.vector_store %arg2[%swap3A_85], %add3A_84 {strides = array<i32>} : memref<8192xi32, #tpu.memory_space<vmem>>, vector<8192xi32>,
    %mul3A_87 = arith.constant 1024 : i32
    %mul3A_88 = vector.broadcast %mul3A_87 : i32 to vector<8192xi32>
    %mul3A_89 = arith.muli %convert_element_type3A_60, %mul3A_88 : vector<8192xi32>
    %add3A_90 = arith.addi %mul3A_89, %min3A_80 : vector<8192xi32>
    %swap3A_91 = arith.constant 0 : index
    %swap3A_92 = vector.load %arg3[%swap3A_91] : memref<8192xi32, #tpu.memory_space<vmem>>, vector<8192xi32>
    tpu.vector_store %arg3[%swap3A_91], %add3A_90 {strides = array<i32>} : memref<8192xi32, #tpu.memory_space<vmem>>, vector<8192xi32>,
    %mul3A_93 = arith.constant 1024 : i32
    %mul3A_94 = vector.broadcast %mul3A_93 : i32 to vector<8192xi32>
    %mul3A_95 = arith.muli %min3A_72, %mul3A_94 : vector<8192xi32>
    %add3A_96 = arith.addi %mul3A_95, %shift_right_arithmetic3A_74 : vector<8192xi32>
    %swap3A_97 = arith.constant 0 : index
    %swap3A_98 = vector.load %arg4[%swap3A_97] : memref<8192xi32, #tpu.memory_space<vmem>>, vector<8192xi32>
    tpu.vector_store %arg4[%swap3A_97], %add3A_96 {strides = array<i32>} : memref<8192xi32, #tpu.memory_space<vmem>>, vector<8192xi32>,
    %mul3A_99 = arith.constant 1024 : i32
    %mul3A_100 = vector.broadcast %mul3A_99 : i32 to vector<8192xi32>
    %mul3A_101 = arith.muli %min3A_72, %mul3A_100 : vector<8192xi32>
    %add3A_102 = arith.addi %mul3A_101, %min3A_80 : vector<8192xi32>
    %swap3A_103 = arith.constant 0 : index
    %swap3A_104 = vector.load %arg5[%swap3A_103] : memref<8192xi32, #tpu.memory_space<vmem>>, vector<8192xi32>
    tpu.vector_store %arg5[%swap3A_103], %add3A_102 {strides = array<i32>} : memref<8192xi32, #tpu.memory_space<vmem>>, vector<8192xi32>,
    %and3A = arith.constant 3 : i32
    %and3A_105 = vector.broadcast %and3A : i32 to vector<8192xi32>
    %and3A_106 = arith.andi %convert_element_type3A, %and3A_105 : vector<8192xi32>
    %swap3A_107 = arith.constant 0 : index
    %swap3A_108 = vector.load %arg6[%swap3A_107] : memref<8192xi32, #tpu.memory_space<vmem>>, vector<8192xi32>
    tpu.vector_store %arg6[%swap3A_107], %and3A_106 {strides = array<i32>} : memref<8192xi32, #tpu.memory_space<vmem>>, vector<8192xi32>,
    %shift_left3A = arith.constant 2 : i32
    %shift_left3A_109 = vector.broadcast %shift_left3A : i32 to vector<8192xi32>
    %shift_left3A_110 = arith.shli %shift_right_arithmetic3A_74, %shift_left3A_109 : vector<8192xi32>
    %sub3A_111 = arith.subi %min3A_66, %shift_left3A_110 : vector<8192xi32>
    %swap3A_112 = arith.constant 0 : index
    %swap3A_113 = vector.load %arg7[%swap3A_112] : memref<8192xi32, #tpu.memory_space<vmem>>, vector<8192xi32>
    tpu.vector_store %arg7[%swap3A_112], %sub3A_111 {strides = array<i32>} : memref<8192xi32, #tpu.memory_space<vmem>>, vector<8192xi32>,
    return
  }
  func.func @transform_0(%arg0: i32) -> (i32, i32) {
    %c0_i32 = arith.constant 0 : i32
    %c0_i32_0 = arith.constant 0 : i32
    return %c0_i32, %arg0 : i32, i32
  }
  func.func @transform_1(%arg0: i32) -> i32 {
    %c0_i32 = arith.constant 0 : i32
    return %arg0 : i32
  }
  func.func @transform_2(%arg0: i32) -> i32 {
    %c0_i32 = arith.constant 0 : i32
    return %arg0 : i32
  }
  func.func @transform_3(%arg0: i32) -> i32 {
    %c0_i32 = arith.constant 0 : i32
    return %arg0 : i32
  }
  func.func @transform_4(%arg0: i32) -> i32 {
    %c0_i32 = arith.constant 0 : i32
    return %arg0 : i32
  }
  func.func @transform_5(%arg0: i32) -> i32 {
    %c0_i32 = arith.constant 0 : i32
    return %arg0 : i32
  }
  func.func @transform_6(%arg0: i32) -> i32 {
    %c0_i32 = arith.constant 0 : i32
    return %arg0 : i32
  }
  func.func @transform_7(%arg0: i32) -> i32 {
    %c0_i32 = arith.constant 0 : i32
    return %arg0 : i32
  }
  func.func @transform_8(%arg0: i32) -> i32 {
    %c0_i32 = arith.constant 0 : i32
    return %arg0 : i32
  }
}

</mosaic_0001>

<sc_bundles>
// kernel: kernel.5.cloned.1.call-start
scs
__scs_entry_jumppad:
0x0: {  	(pc) =	sbr.rel $0x88, $3  }
0x1: {  	(tag) =	ssettag $0x0;
	lr =	simm.s32 $0x1  }
0x2: {  	[smem:$0x3F9F] =	sst lr;
	_ =	strace $0xD0000000  }
0x3: {  	_ = 	snop  }
0x4: {  	_ = 	snop  }
0x5: {  	_ = 	snop  }
0x6: {  	_ = 	snop  }
0x7: {  	_ = 	snop  }
__scs_overlays_trampoline_lowered:
0x8: {  	[smem:$0x3FAE] =	sst s0  }
0x9: {  	[smem:$0x3FAF] =	sst s1  }
0xa: {  	[smem:$0x3FB0] =	sst s2  }
0xb: {  	[smem:$0x3FB1] =	sst s3  }
0xc: {  	[smem:$0x3FB2] =	sst s4  }
0xd: {  	[smem:$0x3FB3] =	sst s5  }
0xe: {  	[smem:$0x3FB4] =	sst s6  }
0xf: {  	[smem:$0x3FB5] =	sst s7  }
0x10: {  	[smem:$0x3FB6] =	sst s8  }
0x11: {  	[smem:$0x3FB7] =	sst s9;
	s0 =	simm.s32 @!p0 $0x0  }
0x12: {  	s1 =	sld [smem:$0x3F9D];
	s0 =	simm.s32 @p0 $0x1  }
0x13: {  	[smem:$0x3FB8] =	sst s0;
	s0 =	simm.s32 @!p1 $0x0  }
0x14: {  	s2 =	sld [smem:$0x3F9C];
	s0 =	simm.s32 @p1 $0x1  }
0x15: {  	[smem:$0x3FB9] =	sst s0;
	s0 =	simm.s32 @!p2 $0x0  }
0x16: {  	s3 =	sld [smem:$0x3FDB];
	s0 =	simm.s32 @p2 $0x1  }
0x17: {  	s4 =	simm.s32 $0x1BF5;
	[smem:$0x3FBB] =	sst s0  }
0x18: {  	s0 =	sld [smem:$0x3F9E];
	_ =	swait.ge [sflag:s4], $0x0  }
0x19: {  	s7 =	sld [smem:$0x3F9F]  }
0x1a: {  	s8 =	sadd.s32 $0xFFFFE003, lr  }
0x1b: {  	s9 =	sadd.s32 $0xFFFFFEF7, lr;
	s5 =	simm.s32 $0xFFFFFFFF;
	p2 =	slt.u32 s8, $0xFFFFF086  }
0x1c: {  	p1 =	slt.u32 s9, $0xF7A;
	s5 =	simm.s32 @!p2 $0x0  }
0x1d: {  	s5 =	simm.s32 @p1 $0x1;
	p0 =	seq.s32 s7, s2  }
0x1e: {  	s7 =	smul.u32 @!p0 $0xF7A, s2;
	p2 =	seq.s32 @!p0 s5, $0x0  }
0x1f: {  	s9 =	smul.u32 $0xF7A, s1;
	s8 =	simm.s32 @!p0 $0x1BF5;
	p2 =	por !p2, p0  }
0x20: {  	[sflag:s8] =	ssyncset.s32 @!p0 $0xFFFFF086;
	s6 =	sadd.s32 @!p0 s3, s7;
	s7 =	simm.s32 @!p0 $0x108  }
0x21: {  	s3 =	sadd.s32 s3, s9;
	s6 =	sadd.s32 @!p0 $0x88, s6;
	s7 =	simm.s32 @p2 $0x1082  }
0x22: {  	[simem:s7], [sflag:s8] =	dma.local @!p0 [hbm:s6], $0xF7A  }
0x23: {  	s9 =	sor.u32 $0xD0000000, s2;
	s6 =	simm.s32 $0x108;
	_ =	swait.ge @!p0 [sflag:s8], $0x0  }
0x24: {  	s3 =	sadd.s32 $0x88, s3;
	s6 =	simm.s32 @!p1 $0x1082;
	[sflag:s4] =	ssyncset.s32 $0xFFFFF086  }
0x25: {  	[simem:s6], [sflag:s4] =	dma.local [hbm:s3], $0xF7A  }
0x26: {  	[smem:$0x3F9F] =	sst s1;
	(tag) =	ssettag s2;
	_ =	strace s9  }
0x27: {  	s1 =	sld [smem:$0x3FAF]  }
0x28: {  	s2 =	sld [smem:$0x3FB0]  }
0x29: {  	s4 =	sld [smem:$0x3FB2]  }
0x2a: {  	p0 =	seq.s32 s5, $0x0;
	s5 =	sld [smem:$0x3FB3]  }
0x2b: {  	s6 =	sld [smem:$0x3FB4]  }
0x2c: {  	s7 =	sld [smem:$0x3FB5]  }
0x2d: {  	s3 =	simm.s32 $0x108;
	s8 =	sld [smem:$0x3FB6]  }
0x2e: {  	s3 =	simm.s32 @!p0 $0x1082;
	s9 =	sld [smem:$0x3FB7]  }
0x2f: {  	lr =	sadd.s32 s0, s3;
	s0 =	sld [smem:$0x3FAE]  }
0x30: {  	s3 =	sld [smem:$0x3FB1]  }
0x31: {  	[smem:$0x3FBA] =	sst s10  }
0x32: {  	s10 =	sld [smem:$0x3FB8];
	_ =	sdelay $0x3  }
0x33: {  	p0 =	seq.s32 s10, $0x1;
	s10 =	sld [smem:$0x3FBA];
	_ =	sdelay $0x3  }
0x34: {  	[smem:$0x3FBA] =	sst s10  }
0x35: {  	s10 =	sld [smem:$0x3FB9];
	_ =	sdelay $0x3  }
0x36: {  	p1 =	seq.s32 s10, $0x1;
	s10 =	sld [smem:$0x3FBA];
	_ =	sdelay $0x3  }
0x37: {  	[smem:$0x3FBA] =	sst s10  }
0x38: {  	s10 =	sld [smem:$0x3FBB]  }
0x39: {  	_ = 	snop;
	(pc) =	sbr.ind lr, $3  }
0x3a: {  	_ = 	snop  }
0x3b: {  	_ = 	snop  }
0x3c: {  	p2 =	seq.s32 s10, $0x1;
	s10 =	sld [smem:$0x3FBA]  }
0x3d: {  	_ =	shalt  }
0x3e: {  	_ =	shalt  }
0x3f: {  	_ =	shalt  }
0x40: {  	_ =	shalt  }
0x41: {  	_ =	shalt  }
0x42: {  	_ =	shalt  }
0x43: {  	_ =	shalt  }
0x44: {  	_ =	shalt  }
0x45: {  	_ =	shalt  }
0x46: {  	_ =	shalt  }
0x47: {  	_ =	shalt  }
0x48: {  	_ =	shalt  }
0x49: {  	_ =	shalt  }
0x4a: {  	_ =	shalt  }
0x4b: {  	_ =	shalt  }
0x4c: {  	_ =	shalt  }
0x4d: {  	_ =	shalt  }
0x4e: {  	_ =	shalt  }
0x4f: {  	_ =	shalt  }
0x50: {  	_ =	shalt  }
0x51: {  	_ =	shalt  }
0x52: {  	_ =	shalt  }
0x53: {  	_ =	shalt  }
0x54: {  	_ =	shalt  }
0x55: {  	_ =	shalt  }
0x56: {  	_ =	shalt  }
0x57: {  	_ =	shalt  }
0x58: {  	_ =	shalt  }
0x59: {  	_ =	shalt  }
0x5a: {  	_ =	shalt  }
0x5b: {  	_ =	shalt  }
0x5c: {  	_ =	shalt  }
0x5d: {  	_ =	shalt  }
0x5e: {  	_ =	shalt  }
0x5f: {  	_ =	shalt  }
0x60: {  	_ =	shalt  }
0x61: {  	_ =	shalt  }
0x62: {  	_ =	shalt  }
0x63: {  	_ =	shalt  }
0x64: {  	_ =	shalt  }
0x65: {  	_ =	shalt  }
0x66: {  	_ =	shalt  }
0x67: {  	_ =	shalt  }
0x68: {  	_ =	shalt  }
0x69: {  	_ =	shalt  }
0x6a: {  	_ =	shalt  }
0x6b: {  	_ =	shalt  }
0x6c: {  	_ =	shalt  }
0x6d: {  	_ =	shalt  }
0x6e: {  	_ =	shalt  }
0x6f: {  	_ =	shalt  }
0x70: {  	_ =	shalt  }
0x71: {  	_ =	shalt  }
0x72: {  	_ =	shalt  }
0x73: {  	_ =	shalt  }
0x74: {  	_ =	shalt  }
0x75: {  	_ =	shalt  }
0x76: {  	_ =	shalt  }
0x77: {  	_ =	shalt  }
0x78: {  	_ =	shalt  }
0x79: {  	_ =	shalt  }
0x7a: {  	_ =	shalt  }
0x7b: {  	_ =	shalt  }
0x7c: {  	_ =	shalt  }
0x7d: {  	_ =	shalt  }
0x7e: {  	_ =	shalt  }
0x7f: {  	_ =	shalt  }
0x80: {  	_ =	shalt  }
0x81: {  	_ =	shalt  }
0x82: {  	_ =	shalt  }
0x83: {  	_ =	shalt  }
0x84: {  	_ =	shalt  }
0x85: {  	_ =	shalt  }
0x86: {  	_ =	shalt  }
0x87: {  	_ =	shalt  }
.Lfunc_end0:
.L_simem_size_0:
called_computation.1_lowered:
.L_overlay_start_0:
0x88: {  	s2 =	sld [smem:$0x3FD9]  }
0x89: {  	s3 =	sld [smem:$0x3FFE];
	_ =	sdelay $0x1  }
0x8a: {  	s1 =	srdreg.scid  }
0x8b: {  	s0 =	sand.u32 $0x1, s1  }
0x8c: {  	s16 =	sshll.u32 s0, $0xA;
	s2 =	sadd.s32 s3, s2  }
0x8d: {  	s2 =	sadd.s32 s2, s16  }
0x8e: {  	[smem:$0x3FC6] =	sst s2  }
0x8f: {  	_ = 	snop  }
0x90: {  	(tm) =	ssettm $0x1  }
0x91: {  	s17 =	sld [smem:$0x3FFB];
	_ =	sdelay $0x3  }
0x92: {  	_ =	strace s17  }
0x93: {  	s2 =	sld [smem:$0x3FFC];
	_ =	sdelay $0x3  }
0x94: {  	_ =	strace s2  }
0x95: {  	s2 =	sld [smem:$0x3FFD];
	_ =	sdelay $0x3  }
0x96: {  	_ =	strace s2  }
0x97: {  	_ =	strace $0x8FFFFFFF  }
0x98: {  	s18 =	sld [smem:$0x3FDB];
	_ =	sdelay $0x1  }
0x99: {  	s19 =	simm.s32 $_scs_section_size  }
0x9a: {  	s4 =	simm.s32 $_size__tile_overlayer_lowered;
	s5 =	simm.s32 $_tile_overlayer_lowered  }
0x9b: {  	s22 =	simm.s32 $0x1BFF;
	s21 =	sshll.u32 s5, $0x1;
	s2 =	sadd.s32 s19, s18  }
0x9c: {  	s6 =	simm.s32 $0x0;
	s20 =	sshll.u32 s4, $0x1;
	s4 =	sadd.s32 s21, s2  }
0x9d: {  	[timem:s6], [sflag:s22] =	dma.local [hbm:s4], s20  }
0x9e: {  	_ =	swait.ge [sflag:s22], s20  }
0x9f: {  	s3 =	ssub.s32 $0x0, s20;
	[sflag:s22] =	ssyncset.done $0x0  }
0xa0: {  	[sflag:s22] =	ssyncadd.s32 s3;
	_ =	sdelay $0x1  }
0xa1: {  	s23 =	simm.s32 $0x1B8B  }
0xa2: {  	_ =	swait.ge [sflag:s23], $0x1  }
0xa3: {  	[sflag:s23] =	ssyncset.done $0x0  }
0xa4: {  	s25 =	simm.s32 $0x1B8E;
	s24 =	sld [smem:$0x3FFE];
	[sflag:s23] =	ssyncadd.s32 $0xFFFFFFFF  }
0xa5: {  	s26 =	simm.s32 $execute0_lowered;
	[smem:$0x3FD2] =	sst s25  }
0xa6: {  	s4 =	sshll.u32 s26, $0x1;
	_ =	strace $0x80000049;
	[dreg:$0x1] =	wrdreg $0xFFFFFFFF  }
0xa7: {  	s28 =	simm.s32 $_size_execute0_lowered;
	s2 =	sadd.s32 s2, s4;
	[dreg:$0x0] =	wrdreg $0x0  }
0xa8: {  	s4 =	sshll.u32 s28, $0x1;
	[dreg:$0x2] =	wrdreg s2  }
0xa9: {  	[dreg:$0x3] =	wrdreg s4  }
0xaa: {  	[dreg:$0x4] =	wrdreg $0xC0  }
0xab: {  	_ =	task [dreg:s6], $0x5FFFF  }
0xac: {  	[dreg:$0x1] =	wrdreg $0xFFFFFFFF  }
0xad: {  	[dreg:$0x0] =	wrdreg $0x60  }
0xae: {  	[dreg:$0x2] =	wrdreg s24  }
0xaf: {  	[dreg:$0x3] =	wrdreg $0x9  }
0xb0: {  	_ =	task.clear_ibuf [dreg:s6], $0x4FFFF;
	_ =	strace $0x90000049  }
0xb1: {  	s29 =	simm.s32 $0x9;
	_ =	strace $0x8000004B  }
0xb2: {  	_ =	swait.ge [sflag:s29], $0x1  }
0xb3: {  	[sflag:s29] =	ssyncadd.s32 $0xFFFFFFFF  }
0xb4: {  	_ =	strace $0x9000004B  }
0xb5: {  	_ =	sfence  }
0xb6: {  	s30 =	sld [smem:$0x0];
	_ =	sdelay $0x2  }
0xb7: {  	s31 =	sshll.u32 s1, $0xD;
	s1 =	sshrl.u32 s1, $0x2  }
0xb8: {  	s3 =	sand.u32 $0x4000, s31;
	s1 =	sadd.s32 s1, s30  }
0xb9: {  	s0 =	sor.u32 s3, s0;
	s1 =	sshll.u32 s1, $0x11  }
0xba: {  	s0 =	sor.u32 s1, s0  }
0xbb: {  	s0 =	sadd.s32 $0x8F2B, s0  }
0xbc: {  	[sflag:s0] =	ssyncadd.remote.s32 $0x1  }
0xbd: {  	_ =	sfence.sel $0xFFFF  }
0xbe: {  	[dreg:$0x0] =	wrdreg $0xFFFFFFFF;
	(pc) =	sbr.abs _section_cstart, $3  }
0xbf: {  	[dreg:$0x1] =	wrdreg $0xFFFFFFFF  }
0xc0: {  	_ =	task.clear_ibuf [dreg:s6], $0x2FFFF;
	_ =	strace $0x9FFFFFFF  }
0xc1: {  	(tm) =	ssettm $0x7FFFFFFF  }
tec
execute0_lowered:
.L_overlay_start_1:
0x0: {  	(tag) =	ssettag $0x1  }
0x1: {  	s0 =	rddreg [dreg:$0x0];
	s2 =	simm.s32 $0x0  }
0x2: {  	s1 =	srdreg.scid;
	s3 =	stileid.u32;
	s19 =	simm.s32 $0x7000  }
0x3: {  	s20 =	simm.s32 $0x8000;
	s21 =	simm.s32 $0x9000;
	s22 =	simm.s32 $0x1  }
0x4: {  	s23 =	simm.s32 $0x3000;
	s24 =	simm.s32 $0x3;
	s25 =	simm.s32 $0xA000  }
0x5: {  	s26 =	simm.s32 $0x2;
	s28 =	simm.s32 $0x4;
	s29 =	simm.s32 $0x0  }
0x6: {  	[smem:$0x7FF] =	sst s2;
	s1 =	sand.u32 $0x1, s1;
	s4 =	sshll.u32 s3, $0x13  }
0x7: {  	s3 =	sadd.s32 $0x1C00, s0;
	s7 =	sadd.s32 $0x201C00, s0;
	s5 =	sshll.u32 s1, $0x12  }
0x8: {  	_ =	strace $0x8000004A;
	s1 =	ssub.s32 $0x2, s1;
	s4 =	sor.u32 s5, s4  }
.Ltmp0:
0x9: {  	v1 =	vlaneseq.u32;
	s5 =	sadd.s32 $0x301C00, s0;
	s6 =	sshrl.u32 s1, $0x1;
	(pc) =	sbr.rel .LBB2_1-.Ltmp0, $4  }
0xa: {  	v0 =	vand.u32 $0x3, v1;
	s9 =	sshrl.u32 s4, $0x3;
	s1 =	ssub.s32 s1, s6;
	s13 =	sshll.u32 s4, $0x2  }
0xb: {  	v0 =	vmul.u32 $0x4, v0;
	s14 =	sor.u32 $0x2000, s4;
	s15 =	sor.u32 $0x3000, s4;
	s6 =	sadd.s32 s3, s9  }
0xc: {  	s9 =	sadd.s32 s9, s7;
	s16 =	smax.u32 s1, $0x1;
	s8 =	sadd.s32 $0x100000, s6  }
0xd: {  	v1 =	vmul.u32 $0x4, v1;
	v2 =	vor.u32 $0x1, v0;
	v3 =	vor.u32 $0x2, v0;
	s10 =	sadd.s32 $0x200, s6;
	s11 =	sadd.s32 $0x100200, s6;
	s12 =	sadd.s32 $0x200200, s6  }
.LBB2_8:
0xe: {  	s29 =	sadd.s32 $0x1, s29  }
0xf: {  	_ =	swait.ge [sflag:s26], $0x4000;
	p0 =	sne.s32 s29, s16  }
.Ltmp1:
0x10: {  	[sflag:s26] =	ssyncset.done $0x0;
	(pc) =	sbr.rel @!p0 .LBB2_9-.Ltmp1, $4  }
0x11: {  	[sflag:s26] =	ssyncadd.s32 $0xFFFFC000  }
0x12: {  	_ =	swait.ge [sflag:s28], $0x4000  }
0x13: {  	[sflag:s28] =	ssyncset.done $0x0  }
0x14: {  	[sflag:s28] =	ssyncadd.s32 $0xFFFFC000  }
.LBB2_1:
0x15: {  	[tilespmem:s2], [sflag:$0x1] =	stream.linear.gather [hbm4b:s6+s2], $0x1000, $0x38;
	[tilespmem:$0xE000] =	vst v63  }
0x16: {  	s0 =	simm.s32 $0x1000  }
0x17: {  	[tilespmem:s0], [sflag:$0x1] =	stream.linear.gather [hbm4b:s8+s2], $0x1000, $0x38;
	[tilespmem:$0xE000] =	vst v63  }
0x18: {  	s31 =	simm.s32 $0x2000  }
0x19: {  	[tilespmem:s31], [sflag:$0x1] =	stream.linear.gather [hbm4b:s9+s2], $0x1000, $0x38;
	[tilespmem:$0xE000] =	vst v63  }
0x1a: {  	_ = 	snop  }
0x1b: {  	[tilespmem:s19], [sflag:$0x3] =	stream.linear.gather [hbm4b:s10+s2], $0x1000, $0x38;
	[tilespmem:$0xE000] =	vst v63  }
0x1c: {  	_ = 	snop  }
0x1d: {  	[tilespmem:s20], [sflag:$0x3] =	stream.linear.gather [hbm4b:s11+s2], $0x1000, $0x38;
	[tilespmem:$0xE000] =	vst v63  }
0x1e: {  	s30 =	simm.s32 $0x0  }
0x1f: {  	[tilespmem:s21], [sflag:$0x3] =	stream.linear.gather [hbm4b:s12+s2], $0x1000, $0x38;
	[tilespmem:$0xE000] =	vst v63  }
.LBB2_2:
0x20: {  	_ =	swait.ge [sflag:s22], $0x1000  }
0x21: {  	[sflag:s22] =	ssyncset.done $0x0  }
0x22: {  	[sflag:s22] =	ssyncadd.s32 $0xFFFFF000  }
0x23: {  	_ =	swait.ge [sflag:s22], $0x1000  }
0x24: {  	[sflag:s22] =	ssyncset.done $0x0  }
0x25: {  	[sflag:s22] =	ssyncadd.s32 $0xFFFFF000  }
0x26: {  	_ =	swait.ge [sflag:s22], $0x1000  }
0x27: {  	p0 =	seq.s32 s30, $0x0;
	s0 =	simm.s32 $0x0;
	[sflag:s22] =	ssyncset.done $0x0  }
0x28: {  	s1 =	simm.s32 @!p0 $0x2;
	v4 =	vmov s0;
	[sflag:s22] =	ssyncadd.s32 $0xFFFFF000  }
0x29: {  	v4 =	vshll.u32 v4, $0x2;
	_ =	swait.ge @!p0 [sflag:s1], $0x4000  }
0x2a: {  	v4 =	vor.u32 v1, v4;
	[sflag:s1] =	ssyncset.done @!p0 $0x0  }
0x2b: {  	s0 =	simm.s32 $0x2000;
	v5 =	vand.u32 $0x3FF0, v4;
	[sflag:s1] =	ssyncadd.s32 @!p0 $0xFFFFC000  }
0x2c: {  	v6 =	vor.u32 v0, v5;
	v4 =	vld [tilespmem:s0+$0xFFFFE000];
	_ =	sdelay $0x4  }
0x2d: {  	[tilespmem:v6+s23+$0x0] =	vst.idx.msk $0xffff, v4  }
0x2e: {  	v6 =	vor.u32 v2, v5;
	v4 =	vld [tilespmem:s0+$0xFFFFF000];
	_ =	sdelay $0x4  }
0x2f: {  	[tilespmem:v6+s23+$0x0] =	vst.idx.msk $0xffff, v4  }
0x30: {  	v5 =	vor.u32 v3, v5;
	v4 =	vld [tilespmem:s0+$0x0]  }
0x31: {  	s18 =	simm.s32 $0x10  }
0x32: {  	s31 =	sshll.u32 s30, $0xD;
	s1 =	simm.s32 $0x20;
	v6 =	vmov s18  }
.LBB2_3:
0x33: {  	p1 =	sne.s32 s1, $0xFF0;
	v6 =	vshll.u32 v6, $0x2  }
0x34: {  	v6 =	vor.u32 v1, v6  }
0x35: {  	s0 =	sadd.s32 $0x10, s0;
	v6 =	vand.u32 $0x3FF0, v6;
	[tilespmem:v5+s23+$0x0] =	vst.idx.msk $0xffff, v4  }
0x36: {  	v4 =	vld [tilespmem:s0+$0xFFFFE000];
	v5 =	vor.u32 v0, v6;
	_ =	sdelay $0x4  }
0x37: {  	[tilespmem:v5+s23+$0x0] =	vst.idx.msk $0xffff, v4  }
0x38: {  	v5 =	vor.u32 v2, v6;
	v4 =	vld [tilespmem:s0+$0xFFFFF000];
	_ =	sdelay $0x3  }
.Ltmp2:
0x39: {  	(pc) =	sbr.rel @p1 .LBB2_3-.Ltmp2, $3  }
0x3a: {  	[tilespmem:v5+s23+$0x0] =	vst.idx.msk $0xffff, v4  }
0x3b: {  	v5 =	vor.u32 v3, v6;
	v4 =	vld [tilespmem:s0+$0x0];
	_ =	sdelay $0x1  }
0x3c: {  	v6 =	vmov s1;
	s1 =	sadd.s32 $0x10, s1  }
0x3d: {  	_ =	sdelay $0x1  }
0x3e: {  	v6 =	vshll.u32 v6, $0x2  }
0x3f: {  	v6 =	vor.u32 v1, v6  }
0x40: {  	s0 =	sadd.s32 $0x10, s0;
	v6 =	vand.u32 $0x3FF0, v6;
	[tilespmem:v5+s23+$0x0] =	vst.idx.msk $0xffff, v4  }
0x41: {  	v4 =	vld [tilespmem:s0+$0xFFFFE000];
	v5 =	vor.u32 v0, v6;
	_ =	sdelay $0x4  }
0x42: {  	[tilespmem:v5+s23+$0x0] =	vst.idx.msk $0xffff, v4  }
0x43: {  	v5 =	vor.u32 v2, v6;
	v4 =	vld [tilespmem:s0+$0xFFFFF000];
	_ =	sdelay $0x4  }
0x44: {  	[tilespmem:v5+s23+$0x0] =	vst.idx.msk $0xffff, v4  }
0x45: {  	v5 =	vor.u32 v3, v6;
	v4 =	vld [tilespmem:s0+$0x0];
	_ =	sdelay $0x1  }
0x46: {  	s1 =	sshll.u32 s30, $0xF  }
0x47: {  	s0 =	sadd.s32 s13, s1  }
0x48: {  	s0 =	sshrl.u32 s0, $0x3  }
0x49: {  	p1 =	seq.s32 s30, $0x1F;
	s0 =	sadd.s32 s5, s0;
	[tilespmem:v5+s23+$0x0] =	vst.idx.msk $0xffff, v4  }
0x4a: {  	[hbm4b:s0+s2] =	stream.linear.scatter [tilespmem:s23], [sflag:$0x2], $0x4000, $0x38;
	[tilespmem:$0xE000] =	vst v63  }
0x4b: {  	s0 =	sadd.s32 @!p1 s31, s14  }
0x4c: {  	s0 =	sshrl.u32 @!p1 s0, $0x3  }
0x4d: {  	s17 =	simm.s32 @!p1 $0x0;
	s1 =	sadd.s32 @!p1 s3, s0  }
0x4e: {  	[tilespmem:s17], [sflag:$0x1] =	stream.linear.gather @!p1 [hbm4b:s1+s17], $0x1000, $0x38;
	[tilespmem:$0xE000] =	vst v63  }
0x4f: {  	s18 =	simm.s32 @!p1 $0x1000;
	s1 =	sadd.s32 @!p1 $0x100000, s1  }
0x50: {  	[tilespmem:s18], [sflag:$0x1] =	stream.linear.gather @!p1 [hbm4b:s1+s17], $0x1000, $0x38;
	[tilespmem:$0xE000] =	vst v63  }
0x51: {  	s0 =	sadd.s32 @!p1 s0, s7;
	s1 =	simm.s32 @!p1 $0x2000  }
0x52: {  	[tilespmem:s1], [sflag:$0x1] =	stream.linear.gather @!p1 [hbm4b:s0+s17], $0x1000, $0x38;
	[tilespmem:$0xE000] =	vst v63  }
0x53: {  	_ =	swait.ge [sflag:s24], $0x1000  }
0x54: {  	[sflag:s24] =	ssyncset.done $0x0  }
0x55: {  	[sflag:s24] =	ssyncadd.s32 $0xFFFFF000  }
0x56: {  	_ =	swait.ge [sflag:s24], $0x1000  }
0x57: {  	[sflag:s24] =	ssyncset.done $0x0  }
0x58: {  	[sflag:s24] =	ssyncadd.s32 $0xFFFFF000  }
0x59: {  	_ =	swait.ge [sflag:s24], $0x1000  }
0x5a: {  	s17 =	simm.s32 $0x0;
	[sflag:s24] =	ssyncset.done $0x0  }
0x5b: {  	s1 =	simm.s32 @!p0 $0x4;
	v4 =	vmov s17;
	[sflag:s24] =	ssyncadd.s32 $0xFFFFF000  }
0x5c: {  	v4 =	vshll.u32 v4, $0x2;
	_ =	swait.ge @!p0 [sflag:s1], $0x4000  }
0x5d: {  	v4 =	vor.u32 v1, v4;
	[sflag:s1] =	ssyncset.done @!p0 $0x0  }
0x5e: {  	v5 =	vand.u32 $0x3FF0, v4;
	[sflag:s1] =	ssyncadd.s32 @!p0 $0xFFFFC000;
	s1 =	simm.s32 $0x9000  }
0x5f: {  	v6 =	vor.u32 v0, v5;
	v4 =	vld [tilespmem:s1+$0xFFFFE000];
	_ =	sdelay $0x4  }
0x60: {  	[tilespmem:v6+s25+$0x0] =	vst.idx.msk $0xffff, v4  }
0x61: {  	v6 =	vor.u32 v2, v5;
	v4 =	vld [tilespmem:s1+$0xFFFFF000];
	_ =	sdelay $0x4  }
0x62: {  	[tilespmem:v6+s25+$0x0] =	vst.idx.msk $0xffff, v4  }
0x63: {  	v5 =	vor.u32 v3, v5;
	v4 =	vld [tilespmem:s1+$0x0]  }
0x64: {  	s18 =	simm.s32 $0x10  }
0x65: {  	s0 =	sor.u32 s31, s4;
	s17 =	simm.s32 $0x20;
	v6 =	vmov s18  }
.LBB2_5:
0x66: {  	p0 =	sne.s32 s17, $0xFF0;
	v6 =	vshll.u32 v6, $0x2  }
0x67: {  	v6 =	vor.u32 v1, v6  }
0x68: {  	s1 =	sadd.s32 $0x10, s1;
	v6 =	vand.u32 $0x3FF0, v6;
	[tilespmem:v5+s25+$0x0] =	vst.idx.msk $0xffff, v4  }
0x69: {  	v4 =	vld [tilespmem:s1+$0xFFFFE000];
	v5 =	vor.u32 v0, v6;
	_ =	sdelay $0x4  }
0x6a: {  	[tilespmem:v5+s25+$0x0] =	vst.idx.msk $0xffff, v4  }
0x6b: {  	v5 =	vor.u32 v2, v6;
	v4 =	vld [tilespmem:s1+$0xFFFFF000];
	_ =	sdelay $0x3  }
.Ltmp3:
0x6c: {  	(pc) =	sbr.rel @p0 .LBB2_5-.Ltmp3, $3  }
0x6d: {  	[tilespmem:v5+s25+$0x0] =	vst.idx.msk $0xffff, v4  }
0x6e: {  	v5 =	vor.u32 v3, v6;
	v4 =	vld [tilespmem:s1+$0x0];
	_ =	sdelay $0x1  }
0x6f: {  	v6 =	vmov s17;
	s17 =	sadd.s32 $0x10, s17  }
0x70: {  	_ =	sdelay $0x1  }
0x71: {  	v6 =	vshll.u32 v6, $0x2  }
0x72: {  	v6 =	vor.u32 v1, v6  }
0x73: {  	s1 =	sadd.s32 $0x10, s1;
	v6 =	vand.u32 $0x3FF0, v6;
	[tilespmem:v5+s25+$0x0] =	vst.idx.msk $0xffff, v4  }
0x74: {  	v4 =	vld [tilespmem:s1+$0xFFFFE000];
	v5 =	vor.u32 v0, v6;
	_ =	sdelay $0x4  }
0x75: {  	[tilespmem:v5+s25+$0x0] =	vst.idx.msk $0xffff, v4  }
0x76: {  	v5 =	vor.u32 v2, v6;
	v4 =	vld [tilespmem:s1+$0xFFFFF000];
	_ =	sdelay $0x4  }
0x77: {  	[tilespmem:v5+s25+$0x0] =	vst.idx.msk $0xffff, v4  }
0x78: {  	v5 =	vor.u32 v3, v6;
	v4 =	vld [tilespmem:s1+$0x0];
	_ =	sdelay $0x1  }
.Ltmp4:
0x79: {  	_ = 	snop;
	(pc) =	sbr.rel @p1 .LBB2_8-.Ltmp4, $4  }
0x7a: {  	s0 =	sshrl.u32 s0, $0x1  }
0x7b: {  	s0 =	sadd.s32 s0, s5  }
0x7c: {  	s0 =	sadd.s32 $0x800, s0;
	[tilespmem:v5+s25+$0x0] =	vst.idx.msk $0xffff, v4  }
0x7d: {  	[hbm4b:s0+s2] =	stream.linear.scatter [tilespmem:s25], [sflag:$0x4], $0x4000, $0x38;
	[tilespmem:$0xE000] =	vst v63  }
0x7e: {  	s0 =	sadd.s32 s31, s15  }
0x7f: {  	s0 =	sshrl.u32 s0, $0x3  }
0x80: {  	s1 =	sadd.s32 s3, s0  }
0x81: {  	[tilespmem:s19], [sflag:$0x3] =	stream.linear.gather [hbm4b:s1+s2], $0x1000, $0x38;
	[tilespmem:$0xE000] =	vst v63  }
.Ltmp5:
0x82: {  	_ = 	snop;
	(pc) =	sbr.rel .LBB2_2-.Ltmp5, $4  }
0x83: {  	s1 =	sadd.s32 $0x100000, s1  }
0x84: {  	[tilespmem:s20], [sflag:$0x3] =	stream.linear.gather [hbm4b:s1+s2], $0x1000, $0x38;
	[tilespmem:$0xE000] =	vst v63  }
0x85: {  	s30 =	sadd.s32 $0x1, s30;
	s0 =	sadd.s32 s0, s7  }
0x86: {  	[tilespmem:s21], [sflag:$0x3] =	stream.linear.gather [hbm4b:s0+s2], $0x1000, $0x38;
	[tilespmem:$0xE000] =	vst v63  }
.LBB2_9:
0x87: {  	_ =	sfence.sel $0x180000  }
0x88: {  	[bflag:$0x0] =	sbarrier.arrive $0xFFFF  }
0x89: {  	_ =	strace $0x9000004A  }
0x8a: {  	s0 =	stileid.u32;
	[bflag:$0x2] =	sbarrier.arrive $0xFFFF  }
0x8b: {  	p0 =	sne.s32 s0, $0x0;
	s0 =	rddreg [dreg:$0x1]  }
0x8c: {  	s0 =	sadd.s32 @!p0 $0x100000, s0  }
0x8d: {  	[sflag:s0] =	ssyncadd.tile.s32 @!p0 $0x1;
	_ =	shalt  }
.Lfunc_end2:
_tile_overlayer_lowered:
.L_overlay_start_2:
0x8e: {  	(tag) =	ssettag $0x2  }
0x8f: {  	s0 =	rddreg [dreg:$0x0];
	s2 =	stileid.u32  }
0x90: {  	s1 =	rddreg [dreg:$0x1];
	p0 =	sne.s32 s2, $0x0  }
0x91: {  	s3 =	rddreg [dreg:$0x2];
	[bflag:$0x3] =	sbarrier.arrive $0xFFFF;
	s2 =	simm.s32 @!p0 $0x1C05  }
0x92: {  	[timem:s3], [sflag:s2] =	dma.local @!p0 [hbm:s0], s1  }
0x93: {  	s0 =	simm.s32 @!p0 $0x5  }
0x94: {  	_ =	swait.ge @!p0 [sflag:s0], s1  }
0x95: {  	s1 =	ssub.s32 @!p0 $0x0, s1;
	[sflag:s0] =	ssyncset.done @!p0 $0x0  }
0x96: {  	[sflag:s0] =	ssyncadd.s32 @!p0 s1  }
0x97: {  	[bflag:$0x3] =	sbarrier.arrive $0xFFFF  }
0x98: {  	_ =	shalt  }

// kernel: kernel.8.cloned.1.call-start
scs
__scs_entry_jumppad:
0x0: {  	(pc) =	sbr.rel $0x88, $3  }
0x1: {  	(tag) =	ssettag $0x0;
	lr =	simm.s32 $0x1  }
0x2: {  	[smem:$0x3F9F] =	sst lr;
	_ =	strace $0xD0000000  }
0x3: {  	_ = 	snop  }
0x4: {  	_ = 	snop  }
0x5: {  	_ = 	snop  }
0x6: {  	_ = 	snop  }
0x7: {  	_ = 	snop  }
__scs_overlays_trampoline_lowered:
0x8: {  	[smem:$0x3FAE] =	sst s0  }
0x9: {  	[smem:$0x3FAF] =	sst s1  }
0xa: {  	[smem:$0x3FB0] =	sst s2  }
0xb: {  	[smem:$0x3FB1] =	sst s3  }
0xc: {  	[smem:$0x3FB2] =	sst s4  }
0xd: {  	[smem:$0x3FB3] =	sst s5  }
0xe: {  	[smem:$0x3FB4] =	sst s6  }
0xf: {  	[smem:$0x3FB5] =	sst s7  }
0x10: {  	[smem:$0x3FB6] =	sst s8  }
0x11: {  	[smem:$0x3FB7] =	sst s9;
	s0 =	simm.s32 @!p0 $0x0  }
0x12: {  	s1 =	sld [smem:$0x3F9D];
	s0 =	simm.s32 @p0 $0x1  }
0x13: {  	[smem:$0x3FB8] =	sst s0;
	s0 =	simm.s32 @!p1 $0x0  }
0x14: {  	s2 =	sld [smem:$0x3F9C];
	s0 =	simm.s32 @p1 $0x1  }
0x15: {  	[smem:$0x3FB9] =	sst s0;
	s0 =	simm.s32 @!p2 $0x0  }
0x16: {  	s3 =	sld [smem:$0x3FDB];
	s0 =	simm.s32 @p2 $0x1  }
0x17: {  	s4 =	simm.s32 $0x1BF5;
	[smem:$0x3FBB] =	sst s0  }
0x18: {  	s0 =	sld [smem:$0x3F9E];
	_ =	swait.ge [sflag:s4], $0x0  }
0x19: {  	s7 =	sld [smem:$0x3F9F]  }
0x1a: {  	s8 =	sadd.s32 $0xFFFFE003, lr  }
0x1b: {  	s9 =	sadd.s32 $0xFFFFFEF7, lr;
	s5 =	simm.s32 $0xFFFFFFFF;
	p2 =	slt.u32 s8, $0xFFFFF086  }
0x1c: {  	p1 =	slt.u32 s9, $0xF7A;
	s5 =	simm.s32 @!p2 $0x0  }
0x1d: {  	s5 =	simm.s32 @p1 $0x1;
	p0 =	seq.s32 s7, s2  }
0x1e: {  	s7 =	smul.u32 @!p0 $0xF7A, s2;
	p2 =	seq.s32 @!p0 s5, $0x0  }
0x1f: {  	s9 =	smul.u32 $0xF7A, s1;
	s8 =	simm.s32 @!p0 $0x1BF5;
	p2 =	por !p2, p0  }
0x20: {  	[sflag:s8] =	ssyncset.s32 @!p0 $0xFFFFF086;
	s6 =	sadd.s32 @!p0 s3, s7;
	s7 =	simm.s32 @!p0 $0x108  }
0x21: {  	s3 =	sadd.s32 s3, s9;
	s6 =	sadd.s32 @!p0 $0x88, s6;
	s7 =	simm.s32 @p2 $0x1082  }
0x22: {  	[simem:s7], [sflag:s8] =	dma.local @!p0 [hbm:s6], $0xF7A  }
0x23: {  	s9 =	sor.u32 $0xD0000000, s2;
	s6 =	simm.s32 $0x108;
	_ =	swait.ge @!p0 [sflag:s8], $0x0  }
0x24: {  	s3 =	sadd.s32 $0x88, s3;
	s6 =	simm.s32 @!p1 $0x1082;
	[sflag:s4] =	ssyncset.s32 $0xFFFFF086  }
0x25: {  	[simem:s6], [sflag:s4] =	dma.local [hbm:s3], $0xF7A  }
0x26: {  	[smem:$0x3F9F] =	sst s1;
	(tag) =	ssettag s2;
	_ =	strace s9  }
0x27: {  	s1 =	sld [smem:$0x3FAF]  }
0x28: {  	s2 =	sld [smem:$0x3FB0]  }
0x29: {  	s4 =	sld [smem:$0x3FB2]  }
0x2a: {  	p0 =	seq.s32 s5, $0x0;
	s5 =	sld [smem:$0x3FB3]  }
0x2b: {  	s6 =	sld [smem:$0x3FB4]  }
0x2c: {  	s7 =	sld [smem:$0x3FB5]  }
0x2d: {  	s3 =	simm.s32 $0x108;
	s8 =	sld [smem:$0x3FB6]  }
0x2e: {  	s3 =	simm.s32 @!p0 $0x1082;
	s9 =	sld [smem:$0x3FB7]  }
0x2f: {  	lr =	sadd.s32 s0, s3;
	s0 =	sld [smem:$0x3FAE]  }
0x30: {  	s3 =	sld [smem:$0x3FB1]  }
0x31: {  	[smem:$0x3FBA] =	sst s10  }
0x32: {  	s10 =	sld [smem:$0x3FB8];
	_ =	sdelay $0x3  }
0x33: {  	p0 =	seq.s32 s10, $0x1;
	s10 =	sld [smem:$0x3FBA];
	_ =	sdelay $0x3  }
0x34: {  	[smem:$0x3FBA] =	sst s10  }
0x35: {  	s10 =	sld [smem:$0x3FB9];
	_ =	sdelay $0x3  }
0x36: {  	p1 =	seq.s32 s10, $0x1;
	s10 =	sld [smem:$0x3FBA];
	_ =	sdelay $0x3  }
0x37: {  	[smem:$0x3FBA] =	sst s10  }
0x38: {  	s10 =	sld [smem:$0x3FBB]  }
0x39: {  	_ = 	snop;
	(pc) =	sbr.ind lr, $3  }
0x3a: {  	_ = 	snop  }
0x3b: {  	_ = 	snop  }
0x3c: {  	p2 =	seq.s32 s10, $0x1;
	s10 =	sld [smem:$0x3FBA]  }
0x3d: {  	_ =	shalt  }
0x3e: {  	_ =	shalt  }
0x3f: {  	_ =	shalt  }
0x40: {  	_ =	shalt  }
0x41: {  	_ =	shalt  }
0x42: {  	_ =	shalt  }
0x43: {  	_ =	shalt  }
0x44: {  	_ =	shalt  }
0x45: {  	_ =	shalt  }
0x46: {  	_ =	shalt  }
0x47: {  	_ =	shalt  }
0x48: {  	_ =	shalt  }
0x49: {  	_ =	shalt  }
0x4a: {  	_ =	shalt  }
0x4b: {  	_ =	shalt  }
0x4c: {  	_ =	shalt  }
0x4d: {  	_ =	shalt  }
0x4e: {  	_ =	shalt  }
0x4f: {  	_ =	shalt  }
0x50: {  	_ =	shalt  }
0x51: {  	_ =	shalt  }
0x52: {  	_ =	shalt  }
0x53: {  	_ =	shalt  }
0x54: {  	_ =	shalt  }
0x55: {  	_ =	shalt  }
0x56: {  	_ =	shalt  }
0x57: {  	_ =	shalt  }
0x58: {  	_ =	shalt  }
0x59: {  	_ =	shalt  }
0x5a: {  	_ =	shalt  }
0x5b: {  	_ =	shalt  }
0x5c: {  	_ =	shalt  }
0x5d: {  	_ =	shalt  }
0x5e: {  	_ =	shalt  }
0x5f: {  	_ =	shalt  }
0x60: {  	_ =	shalt  }
0x61: {  	_ =	shalt  }
0x62: {  	_ =	shalt  }
0x63: {  	_ =	shalt  }
0x64: {  	_ =	shalt  }
0x65: {  	_ =	shalt  }
0x66: {  	_ =	shalt  }
0x67: {  	_ =	shalt  }
0x68: {  	_ =	shalt  }
0x69: {  	_ =	shalt  }
0x6a: {  	_ =	shalt  }
0x6b: {  	_ =	shalt  }
0x6c: {  	_ =	shalt  }
0x6d: {  	_ =	shalt  }
0x6e: {  	_ =	shalt  }
0x6f: {  	_ =	shalt  }
0x70: {  	_ =	shalt  }
0x71: {  	_ =	shalt  }
0x72: {  	_ =	shalt  }
0x73: {  	_ =	shalt  }
0x74: {  	_ =	shalt  }
0x75: {  	_ =	shalt  }
0x76: {  	_ =	shalt  }
0x77: {  	_ =	shalt  }
0x78: {  	_ =	shalt  }
0x79: {  	_ =	shalt  }
0x7a: {  	_ =	shalt  }
0x7b: {  	_ =	shalt  }
0x7c: {  	_ =	shalt  }
0x7d: {  	_ =	shalt  }
0x7e: {  	_ =	shalt  }
0x7f: {  	_ =	shalt  }
0x80: {  	_ =	shalt  }
0x81: {  	_ =	shalt  }
0x82: {  	_ =	shalt  }
0x83: {  	_ =	shalt  }
0x84: {  	_ =	shalt  }
0x85: {  	_ =	shalt  }
0x86: {  	_ =	shalt  }
0x87: {  	_ =	shalt  }
.Lfunc_end0:
.L_simem_size_0:
called_computation.2_lowered:
.L_overlay_start_0:
0x88: {  	s2 =	sld [smem:$0x3FD9]  }
0x89: {  	s3 =	sld [smem:$0x3FFE];
	_ =	sdelay $0x1  }
0x8a: {  	s1 =	srdreg.scid  }
0x8b: {  	s0 =	sand.u32 $0x1, s1  }
0x8c: {  	s14 =	sshll.u32 s0, $0xA;
	s2 =	sadd.s32 s3, s2  }
0x8d: {  	s2 =	sadd.s32 s2, s14  }
0x8e: {  	[smem:$0x3FC6] =	sst s2  }
0x8f: {  	_ = 	snop  }
0x90: {  	s2 =	sld [smem:$0x3FD0];
	_ =	sdelay $0x2  }
0x91: {  	s15 =	simm.s32 $0xA;
	s4 =	simm.s32 $0x10  }
0x92: {  	[smem:s4], [sflag:s15] =	dma.local [hbm:s2], $0x1  }
0x93: {  	_ =	swait.eq [sflag:s15], $0x1  }
0x94: {  	s16 =	sld [smem:$0x10];
	[sflag:s15] =	ssyncset.done $0x0  }
0x95: {  	s17 =	sld [smem:$0x11];
	[sflag:s15] =	ssyncadd.s32 $0xFFFFFFFF  }
0x96: {  	s18 =	sld [smem:$0x12];
	(tm) =	ssettm $0x1  }
0x97: {  	s5 =	sld [smem:$0x3FFB];
	_ =	sdelay $0x3  }
0x98: {  	_ =	strace s5  }
0x99: {  	s5 =	sld [smem:$0x3FFC];
	_ =	sdelay $0x3  }
0x9a: {  	_ =	strace s5  }
0x9b: {  	s5 =	sld [smem:$0x3FFD];
	_ =	sdelay $0x3  }
0x9c: {  	_ =	strace s5  }
0x9d: {  	_ =	strace $0x8FFFFFFF  }
0x9e: {  	s19 =	sld [smem:$0x3FDB];
	_ =	sdelay $0x1  }
0x9f: {  	s6 =	simm.s32 $_scs_section_size  }
0xa0: {  	s7 =	simm.s32 $_size__tile_overlayer_lowered;
	s8 =	simm.s32 $_tile_overlayer_lowered  }
0xa1: {  	s22 =	simm.s32 $0x1BFF;
	s21 =	sshll.u32 s8, $0x1;
	s5 =	sadd.s32 s6, s19  }
0xa2: {  	s9 =	simm.s32 $0x0;
	s20 =	sshll.u32 s7, $0x1;
	s7 =	sadd.s32 s21, s5  }
0xa3: {  	[timem:s9], [sflag:s22] =	dma.local [hbm:s7], s20  }
0xa4: {  	_ =	swait.ge [sflag:s22], s20  }
0xa5: {  	s6 =	ssub.s32 $0x0, s20;
	[sflag:s22] =	ssyncset.done $0x0  }
0xa6: {  	[sflag:s22] =	ssyncadd.s32 s6;
	_ =	sdelay $0x1  }
0xa7: {  	s23 =	simm.s32 $0x1B8B  }
0xa8: {  	_ =	swait.ge [sflag:s23], $0x1  }
0xa9: {  	[sflag:s23] =	ssyncset.done $0x0  }
0xaa: {  	s25 =	simm.s32 $0x1B8E;
	s24 =	sld [smem:$0x3FFE];
	[sflag:s23] =	ssyncadd.s32 $0xFFFFFFFF  }
0xab: {  	s26 =	simm.s32 $execute0_lowered;
	[smem:$0x3FD2] =	sst s25  }
0xac: {  	s7 =	sshll.u32 s26, $0x1;
	_ =	strace $0x8000004C;
	[dreg:$0x1] =	wrdreg $0xFFFFFFFF  }
0xad: {  	s28 =	simm.s32 $_size_execute0_lowered;
	s5 =	sadd.s32 s5, s7;
	[dreg:$0x0] =	wrdreg $0x0  }
0xae: {  	s7 =	sshll.u32 s28, $0x1;
	[dreg:$0x2] =	wrdreg s5  }
0xaf: {  	[dreg:$0x3] =	wrdreg s7  }
0xb0: {  	[dreg:$0x4] =	wrdreg $0xC0  }
0xb1: {  	_ =	task [dreg:s9], $0x5FFFF  }
0xb2: {  	[dreg:$0x1] =	wrdreg $0xFFFFFFFF  }
0xb3: {  	[dreg:$0x0] =	wrdreg $0x60  }
0xb4: {  	[dreg:$0x2] =	wrdreg s24  }
0xb5: {  	[dreg:$0x3] =	wrdreg s18  }
0xb6: {  	[dreg:$0x4] =	wrdreg s17  }
0xb7: {  	[dreg:$0x5] =	wrdreg s16  }
0xb8: {  	[dreg:$0x6] =	wrdreg $0x9  }
0xb9: {  	_ =	task.clear_ibuf [dreg:s9], $0x7FFFF;
	_ =	strace $0x9000004C  }
0xba: {  	s29 =	simm.s32 $0x9;
	_ =	strace $0x8000004E  }
0xbb: {  	_ =	swait.ge [sflag:s29], $0x1  }
0xbc: {  	[sflag:s29] =	ssyncadd.s32 $0xFFFFFFFF  }
0xbd: {  	_ =	strace $0x9000004E  }
0xbe: {  	_ =	sfence  }
0xbf: {  	s30 =	sld [smem:$0x0];
	_ =	sdelay $0x2  }
0xc0: {  	s31 =	sshll.u32 s1, $0xD;
	s1 =	sshrl.u32 s1, $0x2  }
0xc1: {  	s3 =	sand.u32 $0x4000, s31;
	s1 =	sadd.s32 s1, s30  }
0xc2: {  	s0 =	sor.u32 s3, s0;
	s1 =	sshll.u32 s1, $0x11  }
0xc3: {  	s0 =	sor.u32 s1, s0  }
0xc4: {  	s0 =	sadd.s32 $0x8F2B, s0  }
0xc5: {  	[sflag:s0] =	ssyncadd.remote.s32 $0x1  }
0xc6: {  	_ =	sfence.sel $0xFFFF  }
0xc7: {  	[dreg:$0x0] =	wrdreg $0xFFFFFFFF;
	(pc) =	sbr.abs _section_cstart, $3  }
0xc8: {  	[dreg:$0x1] =	wrdreg $0xFFFFFFFF  }
0xc9: {  	_ =	task.clear_ibuf [dreg:s9], $0x2FFFF;
	_ =	strace $0x9FFFFFFF  }
0xca: {  	(tm) =	ssettm $0x7FFFFFFF  }
0xcb: {  	_ =	shalt  }
tec
execute0_lowered:
.L_overlay_start_1:
0x0: {  	(tag) =	ssettag $0x1  }
0x1: {  	s0 =	rddreg [dreg:$0x0]  }
0x2: {  	s7 =	rddreg [dreg:$0x1]  }
0x3: {  	s16 =	rddreg [dreg:$0x2]  }
0x4: {  	s17 =	rddreg [dreg:$0x3];
	s1 =	srdreg.scid  }
0x5: {  	s4 =	simm.s32 $0x0;
	s2 =	stileid.u32;
	s1 =	sand.u32 $0x1, s1  }
0x6: {  	[smem:$0x7FF] =	sst s4;
	s2 =	sshll.u32 s2, $0x10;
	s3 =	sshll.u32 s1, $0xF  }
0x7: {  	s5 =	sadd.s32 $0x301C00, s0;
	s6 =	sadd.s32 $0x701C00, s0;
	s13 =	sor.u32 s3, s2  }
0x8: {  	s8 =	sadd.s32 $0x721C00, s0;
	s9 =	sadd.s32 $0x741C00, s0;
	s3 =	sshrl.u32 s13, $0x3  }
0x9: {  	s10 =	sadd.s32 $0x761C00, s0;
	s11 =	sadd.s32 $0x781C00, s0;
	s22 =	sadd.s32 s6, s3  }
0xa: {  	_ =	strace $0x8000004D;
	s23 =	sadd.s32 s8, s3;
	[dreg:$0x5] =	wrdreg s22  }
0xb: {  	s12 =	sadd.s32 $0x1C00, s0;
	s24 =	sadd.s32 s9, s3;
	[dreg:$0x6] =	wrdreg s23  }
0xc: {  	s14 =	sadd.s32 $0x21C00, s0;
	s25 =	sadd.s32 s10, s3;
	[dreg:$0x7] =	wrdreg s24  }
0xd: {  	s15 =	sadd.s32 $0x41C00, s0;
	s26 =	sadd.s32 s11, s3;
	[dreg:$0x8] =	wrdreg s25  }
0xe: {  	s1 =	ssub.s32 $0x2, s1;
	s2 =	sadd.s32 s7, s3;
	[dreg:$0x9] =	wrdreg s26  }
0xf: {  	s21 =	sshrl.u32 s1, $0x1;
	s18 =	sadd.s32 s16, s3;
	[dreg:$0xa] =	wrdreg s2  }
0x10: {  	s0 =	ssub.s32 s1, s21;
	s19 =	sadd.s32 s17, s3;
	[dreg:$0xb] =	wrdreg s18  }
0x11: {  	s1 =	sor.u32 $0x40, s3;
	s0 =	smax.u32 s0, $0x1;
	[dreg:$0xc] =	wrdreg s19  }
0x12: {  	s20 =	sadd.s32 s6, s1;
	[dreg:$0x15] =	wrdreg s0  }
0x13: {  	s28 =	simm.s32 $0x4;
	s21 =	sadd.s32 s8, s1;
	[dreg:$0xd] =	wrdreg s20  }
0x14: {  	s29 =	simm.s32 $0x9C00;
	s22 =	sadd.s32 s9, s1;
	[dreg:$0xe] =	wrdreg s21  }
0x15: {  	s30 =	simm.s32 $0x2;
	s23 =	sadd.s32 s10, s1;
	[dreg:$0xf] =	wrdreg s22  }
0x16: {  	s31 =	simm.s32 $0x6;
	s24 =	sadd.s32 s11, s1;
	[dreg:$0x10] =	wrdreg s23  }
.Ltmp0:
0x17: {  	s25 =	sadd.s32 s7, s1;
	[dreg:$0x11] =	wrdreg s24;
	(pc) =	sbr.rel .LBB2_1-.Ltmp0, $4  }
0x18: {  	s26 =	sadd.s32 s16, s1;
	s1 =	sadd.s32 s17, s1;
	[dreg:$0x12] =	wrdreg s25  }
0x19: {  	s16 =	simm.s32 $0x200;
	s7 =	simm.s32 $0x1;
	[dreg:$0x13] =	wrdreg s26  }
0x1a: {  	v0 =	vlaneseq.u32;
	[dreg:$0x14] =	wrdreg s1;
	s26 =	simm.s32 $0xC00;
	s25 =	simm.s32 $0x5  }
0x1b: {  	v1 =	vimm.s32 $0x0;
	v2 =	vor.u32 $0x400, v0;
	s22 =	simm.s32 $0x7;
	s24 =	simm.s32 $0x12400;
	s1 =	simm.s32 $0x0  }
.LBB2_8:
0x1c: {  	s1 =	rddreg [dreg:$0x16]  }
0x1d: {  	s0 =	rddreg [dreg:$0x15];
	s1 =	sadd.s32 $0x1, s1  }
0x1e: {  	p0 =	sne.s32 s1, s0  }
.Ltmp1:
0x1f: {  	_ = 	snop;
	(pc) =	sbr.rel @!p0 .LBB2_9-.Ltmp1, $1  }
0x20: {  	_ =	sdelay $0x3  }
.LBB2_1:
0x21: {  	[dreg:$0x16] =	wrdreg s1  }
0x22: {  	s0 =	rddreg [dreg:$0x5]  }
0x23: {  	[tilespmem:s4], [sflag:$0x3] =	stream.linear.gather [hbm4b:s0+s4], $0x200, $0x38;
	[tilespmem:$0x12600] =	vst v63  }
0x24: {  	s2 =	rddreg [dreg:$0x6]  }
0x25: {  	[tilespmem:s16], [sflag:$0x3] =	stream.linear.gather [hbm4b:s2+s4], $0x200, $0x38;
	[tilespmem:$0x12600] =	vst v63  }
0x26: {  	s3 =	rddreg [dreg:$0x7];
	s1 =	simm.s32 $0x400  }
0x27: {  	[tilespmem:s1], [sflag:$0x3] =	stream.linear.gather [hbm4b:s3+s4], $0x200, $0x38;
	[tilespmem:$0x12600] =	vst v63  }
0x28: {  	s17 =	rddreg [dreg:$0x8];
	s2 =	simm.s32 $0x600  }
0x29: {  	[tilespmem:s2], [sflag:$0x3] =	stream.linear.gather [hbm4b:s17+s4], $0x200, $0x38;
	[tilespmem:$0x12600] =	vst v63  }
0x2a: {  	s18 =	rddreg [dreg:$0x9];
	s3 =	simm.s32 $0x800  }
0x2b: {  	[tilespmem:s3], [sflag:$0x5] =	stream.linear.gather [hbm4b:s18+s4], $0x200, $0x38;
	[tilespmem:$0x12600] =	vst v63  }
0x2c: {  	s19 =	rddreg [dreg:$0xa];
	s20 =	simm.s32 $0xA00  }
0x2d: {  	[tilespmem:s20], [sflag:$0x5] =	stream.linear.gather [hbm4b:s19+s4], $0x200, $0x38;
	[tilespmem:$0x12600] =	vst v63  }
0x2e: {  	s21 =	rddreg [dreg:$0xb];
	s23 =	simm.s32 $0x8C00  }
0x2f: {  	[tilespmem:s23], [sflag:$0x5] =	stream.linear.gather [hbm4b:s21+s4], $0x200, $0x38;
	[tilespmem:$0x12600] =	vst v63  }
0x30: {  	s17 =	simm.s32 $0x8E00;
	s3 =	rddreg [dreg:$0xc]  }
0x31: {  	[tilespmem:s17], [sflag:$0x5] =	stream.linear.gather [hbm4b:s3+s4], $0x200, $0x38;
	[tilespmem:$0x12600] =	vst v63  }
0x32: {  	s18 =	rddreg [dreg:$0xd];
	s3 =	simm.s32 $0x9000  }
0x33: {  	[tilespmem:s3], [sflag:$0x4] =	stream.linear.gather [hbm4b:s18+s4], $0x200, $0x38;
	[tilespmem:$0x12600] =	vst v63  }
0x34: {  	s19 =	rddreg [dreg:$0xe];
	s17 =	simm.s32 $0x9200  }
0x35: {  	[tilespmem:s17], [sflag:$0x4] =	stream.linear.gather [hbm4b:s19+s4], $0x200, $0x38;
	[tilespmem:$0x12600] =	vst v63  }
0x36: {  	s20 =	rddreg [dreg:$0xf];
	s18 =	simm.s32 $0x9400  }
0x37: {  	[tilespmem:s18], [sflag:$0x4] =	stream.linear.gather [hbm4b:s20+s4], $0x200, $0x38;
	[tilespmem:$0x12600] =	vst v63  }
0x38: {  	s21 =	rddreg [dreg:$0x10];
	s19 =	simm.s32 $0x9600  }
0x39: {  	[tilespmem:s19], [sflag:$0x4] =	stream.linear.gather [hbm4b:s21+s4], $0x200, $0x38;
	[tilespmem:$0x12600] =	vst v63  }
0x3a: {  	s23 =	rddreg [dreg:$0x11];
	s20 =	simm.s32 $0x9800  }
0x3b: {  	[tilespmem:s20], [sflag:$0x6] =	stream.linear.gather [hbm4b:s23+s4], $0x200, $0x38;
	[tilespmem:$0x12600] =	vst v63  }
0x3c: {  	s21 =	rddreg [dreg:$0x12];
	s23 =	simm.s32 $0x9A00  }
0x3d: {  	[tilespmem:s23], [sflag:$0x6] =	stream.linear.gather [hbm4b:s21+s4], $0x200, $0x38;
	[tilespmem:$0x12600] =	vst v63  }
0x3e: {  	s21 =	rddreg [dreg:$0x13];
	s23 =	simm.s32 $0x11C00  }
0x3f: {  	[tilespmem:s23], [sflag:$0x6] =	stream.linear.gather [hbm4b:s21+s4], $0x200, $0x38;
	[tilespmem:$0x12600] =	vst v63  }
0x40: {  	s20 =	simm.s32 $0x3;
	s21 =	rddreg [dreg:$0x14];
	s23 =	simm.s32 $0x11E00  }
0x41: {  	[tilespmem:s23], [sflag:$0x6] =	stream.linear.gather [hbm4b:s21+s4], $0x200, $0x38;
	[tilespmem:$0x12600] =	vst v63  }
0x42: {  	_ =	swait.ge [sflag:s20], $0x200  }
0x43: {  	[sflag:s20] =	ssyncset.done $0x0  }
0x44: {  	[sflag:s20] =	ssyncadd.s32 $0xFFFFFE00  }
0x45: {  	_ =	swait.ge [sflag:s20], $0x200  }
0x46: {  	[sflag:s20] =	ssyncset.done $0x0  }
0x47: {  	[sflag:s20] =	ssyncadd.s32 $0xFFFFFE00  }
0x48: {  	_ =	swait.ge [sflag:s20], $0x200  }
0x49: {  	[sflag:s20] =	ssyncset.done $0x0  }
0x4a: {  	[sflag:s20] =	ssyncadd.s32 $0xFFFFFE00  }
0x4b: {  	_ =	swait.ge [sflag:s20], $0x200  }
0x4c: {  	[sflag:s20] =	ssyncset.done $0x0  }
0x4d: {  	[sflag:s20] =	ssyncadd.s32 $0xFFFFFE00  }
0x4e: {  	[tilespmem:s26], [sflag:$0x1] =	stream.indirect.gather [hbm4b:s5+s16], $0x10, s4, s16, $0xb8;
	[tilespmem:$0x12600] =	vst v63  }
0x4f: {  	s21 =	simm.s32 $0x2C00  }
0x50: {  	[tilespmem:s21], [sflag:$0x1] =	stream.indirect.gather [hbm4b:s5+s16], $0x10, s16, s16, $0xb8;
	[tilespmem:$0x12600] =	vst v63  }
0x51: {  	s23 =	simm.s32 $0x4C00  }
0x52: {  	[tilespmem:s23], [sflag:$0x1] =	stream.indirect.gather [hbm4b:s5+s16], $0x10, s1, s16, $0xb8;
	[tilespmem:$0x12600] =	vst v63  }
0x53: {  	s1 =	simm.s32 $0x6C00  }
0x54: {  	[tilespmem:s1], [sflag:$0x1] =	stream.indirect.gather [hbm4b:s5+s16], $0x10, s2, s16, $0xb8;
	[tilespmem:$0x12600] =	vst v63  }
0x55: {  	_ =	swait.ge [sflag:s28], $0x200  }
0x56: {  	[sflag:s28] =	ssyncset.done $0x0  }
0x57: {  	[sflag:s28] =	ssyncadd.s32 $0xFFFFFE00  }
0x58: {  	_ =	swait.ge [sflag:s28], $0x200  }
0x59: {  	[sflag:s28] =	ssyncset.done $0x0  }
0x5a: {  	[sflag:s28] =	ssyncadd.s32 $0xFFFFFE00  }
0x5b: {  	_ =	swait.ge [sflag:s28], $0x200  }
0x5c: {  	[sflag:s28] =	ssyncset.done $0x0  }
0x5d: {  	[sflag:s28] =	ssyncadd.s32 $0xFFFFFE00  }
0x5e: {  	_ =	swait.ge [sflag:s28], $0x200  }
0x5f: {  	[sflag:s28] =	ssyncset.done $0x0  }
0x60: {  	[sflag:s28] =	ssyncadd.s32 $0xFFFFFE00  }
0x61: {  	[tilespmem:s29], [sflag:$0x2] =	stream.indirect.gather [hbm4b:s5+s16], $0x10, s3, s16, $0xb8;
	[tilespmem:$0x12600] =	vst v63  }
0x62: {  	s20 =	simm.s32 $0xBC00  }
0x63: {  	[tilespmem:s20], [sflag:$0x2] =	stream.indirect.gather [hbm4b:s5+s16], $0x10, s17, s16, $0xb8;
	[tilespmem:$0x12600] =	vst v63  }
0x64: {  	s21 =	simm.s32 $0xDC00  }
0x65: {  	[tilespmem:s21], [sflag:$0x2] =	stream.indirect.gather [hbm4b:s5+s16], $0x10, s18, s16, $0xb8;
	[tilespmem:$0x12600] =	vst v63  }
0x66: {  	s0 =	simm.s32 $0x0;
	s23 =	simm.s32 $0xFC00  }
0x67: {  	[tilespmem:s23], [sflag:$0x2] =	stream.indirect.gather [hbm4b:s5+s16], $0x10, s19, s16, $0xb8;
	[tilespmem:$0x12600] =	vst v63  }
.LBB2_2:
0x68: {  	_ =	swait.ge [sflag:s7], $0x2000  }
0x69: {  	[sflag:s7] =	ssyncset.done $0x0  }
0x6a: {  	[sflag:s7] =	ssyncadd.s32 $0xFFFFE000  }
0x6b: {  	_ =	swait.ge [sflag:s7], $0x2000  }
0x6c: {  	[sflag:s7] =	ssyncset.done $0x0  }
0x6d: {  	[sflag:s7] =	ssyncadd.s32 $0xFFFFE000  }
0x6e: {  	s19 =	sshll.u32 s0, $0x1;
	_ =	swait.ge [sflag:s7], $0x2000  }
0x6f: {  	p0 =	seq.s32 s0, $0x1F;
	s1 =	sadd.s32 $0x2, s19;
	[sflag:s7] =	ssyncset.done $0x0  }
0x70: {  	s1 =	sshll.u32 @!p0 s1, $0x9;
	[sflag:s7] =	ssyncadd.s32 $0xFFFFE000  }
0x71: {  	s1 =	sadd.s32 @!p0 s13, s1;
	_ =	swait.ge [sflag:s7], $0x2000  }
0x72: {  	s21 =	sshrl.u32 @!p0 s1, $0x3;
	[sflag:s7] =	ssyncset.done $0x0  }
0x73: {  	s2 =	simm.s32 @!p0 $0x0;
	s1 =	sadd.s32 @!p0 s6, s21;
	[sflag:s7] =	ssyncadd.s32 $0xFFFFE000  }
0x74: {  	[tilespmem:s2], [sflag:$0x3] =	stream.linear.gather @!p0 [hbm4b:s1+s2], $0x200, $0x38;
	[tilespmem:$0x12600] =	vst v63  }
0x75: {  	s3 =	simm.s32 @!p0 $0x200;
	s1 =	sadd.s32 @!p0 s8, s21  }
0x76: {  	[tilespmem:s3], [sflag:$0x3] =	stream.linear.gather @!p0 [hbm4b:s1+s2], $0x200, $0x38;
	[tilespmem:$0x12600] =	vst v63  }
0x77: {  	s1 =	sadd.s32 @!p0 s9, s21;
	s3 =	simm.s32 @!p0 $0x400  }
0x78: {  	[tilespmem:s3], [sflag:$0x3] =	stream.linear.gather @!p0 [hbm4b:s1+s2], $0x200, $0x38;
	[tilespmem:$0x12600] =	vst v63  }
0x79: {  	s1 =	sadd.s32 @!p0 s10, s21;
	s3 =	simm.s32 @!p0 $0x600  }
0x7a: {  	[tilespmem:s3], [sflag:$0x3] =	stream.linear.gather @!p0 [hbm4b:s1+s2], $0x200, $0x38;
	[tilespmem:$0x12600] =	vst v63  }
0x7b: {  	_ =	swait.ge [sflag:s25], $0x200  }
0x7c: {  	[sflag:s25] =	ssyncset.done $0x0  }
0x7d: {  	[sflag:s25] =	ssyncadd.s32 $0xFFFFFE00  }
0x7e: {  	_ =	swait.ge [sflag:s25], $0x200  }
0x7f: {  	[sflag:s25] =	ssyncset.done $0x0  }
0x80: {  	[sflag:s25] =	ssyncadd.s32 $0xFFFFFE00  }
0x81: {  	_ =	swait.ge [sflag:s25], $0x200  }
0x82: {  	[sflag:s25] =	ssyncset.done $0x0  }
0x83: {  	[sflag:s25] =	ssyncadd.s32 $0xFFFFFE00  }
0x84: {  	_ =	swait.ge [sflag:s25], $0x200  }
0x85: {  	[sflag:s25] =	ssyncset.done $0x0  }
0x86: {  	s20 =	simm.s32 $0xA00;
	[sflag:s25] =	ssyncadd.s32 $0xFFFFFE00  }
0x87: {  	v3 =	vld [tilespmem:s20+$0x0]  }
0x88: {  	v4 =	vld [tilespmem:s20+$0xFFFFFE00];
	_ =	sdelay $0x1  }
0x89: {  	s23 =	simm.s32 $0x0  }
0x8a: {  	v5 =	vor.u32 s23, v0;
	v6 =	vor.u32 s23, v2  }
0x8b: {  	v7 =	vshll.u32 v6, $0x4;
	v9 =	vshll.u32 v5, $0x4  }
0x8c: {  	vm0 =	vgt.s32 v3, $0x3;
	v3 =	vshll.u32 v3, $0x2;
	v4 =	vshll.u32 v4, $0x2  }
0x8d: {  	v8 =	vsel vm0, $0x200, v1;
	v3 =	vsel vm0, $0x0, v3;
	v10 =	vand.u32 $0xFFFFFFF8, v4  }
0x8e: {  	v4 =	vand.u32 $0x4, v4;
	v5 =	vadd.s32 v5, v8;
	v6 =	vadd.s32 v6, v8  }
0x8f: {  	v8 =	vand.u32 $0xFFFFFFF8, v3;
	v3 =	vand.u32 $0x4, v3;
	v15 =	vadd.s32 v9, v10  }
0x90: {  	v18 =	vor.u32 $0x2, v4;
	v5 =	vshll.u32 v5, $0x4;
	v6 =	vshll.u32 v6, $0x4  }
0x91: {  	v17 =	vor.u32 v4, v15;
	v5 =	vadd.s32 v8, v5;
	v14 =	vadd.s32 v8, v6  }
0x92: {  	v6 =	vadd.s32 v7, v10;
	v7 =	vor.u32 $0x1, v4;
	v11 =	vor.u32 v3, v5  }
0x93: {  	v10 =	vor.u32 $0x1, v3;
	v12 =	vor.u32 v3, v14;
	v16 =	vor.u32 v4, v6  }
0x94: {  	v9 =	vor.u32 v7, v15;
	v7 =	vor.u32 v7, v6;
	v8 =	vor.u32 v10, v5  }
0x95: {  	v10 =	vor.u32 v10, v14;
	v4 =	vor.u32 v18, v15;
	v15 =	vor.u32 $0x2, v3  }
0x96: {  	v3 =	vor.u32 v18, v6;
	v6 =	vor.u32 v15, v5;
	v5 =	vor.u32 v15, v14;
	v14 =	vld.idx.msk [tilespmem:v17+s26+$0x0], $0xffff  }
0x97: {  	v11 =	vld.idx.msk [tilespmem:v11+s26+$0x0], $0xffff  }
0x98: {  	s18 =	simm.s32 $0x10;
	s17 =	simm.s32 $0x12400;
	v13 =	vld.idx.msk [tilespmem:v12+s26+$0x0], $0xffff  }
0x99: {  	s1 =	simm.s32 $0x12400;
	s2 =	simm.s32 $0x8E00;
	s3 =	simm.s32 $0x8E00;
	v12 =	vld.idx.msk [tilespmem:v16+s26+$0x0], $0xffff  }
.LBB2_3:
0x9a: {  	s1 =	sadd.s32 $0x10, s1;
	s2 =	sadd.s32 $0x10, s2;
	s20 =	sadd.s32 $0x10, s20  }
0x9b: {  	p1 =	sne.s32 s18, $0x1F0;
	s23 =	smov.u32 s18;
	s18 =	sadd.s32 $0x10, s18  }
0x9c: {  	v15 =	vld [tilespmem:s3+$0xFFFFFE00];
	_ =	sdelay $0x2  }
0x9d: {  	v13 =	vsub.f32 v13, v12;
	v11 =	vsub.f32 v11, v14;
	_ =	sdelay $0x1  }
0x9e: {  	v11 =	vmul.f32 v11, v15;
	v13 =	vmul.f32 v13, v15  }
0x9f: {  	v16 =	vld [tilespmem:s3+$0x0];
	s3 =	smov.u32 s2  }
0xa0: {  	v11 =	vadd.f32 v11, v14;
	v12 =	vadd.f32 v13, v12;
	_ =	sdelay $0x1  }
0xa1: {  	v12 =	vsub.f32 v12, v11;
	_ =	sdelay $0x1  }
0xa2: {  	v12 =	vmul.f32 v12, v16;
	_ =	sdelay $0x1  }
0xa3: {  	v11 =	vadd.f32 v12, v11;
	_ =	sdelay $0x1  }
0xa4: {  	v11 =	vmul.f32 $3.906250000e-03, v11;
	_ =	sdelay $0x1  }
0xa5: {  	[tilespmem:s17+$0xFFFFFC00] =	vst v11  }
0xa6: {  	v9 =	vld.idx.msk [tilespmem:v9+s26+$0x0], $0xffff  }
0xa7: {  	v10 =	vld.idx.msk [tilespmem:v10+s26+$0x0], $0xffff  }
0xa8: {  	v7 =	vld.idx.msk [tilespmem:v7+s26+$0x0], $0xffff  }
0xa9: {  	v8 =	vld.idx.msk [tilespmem:v8+s26+$0x0], $0xffff;
	_ =	sdelay $0x4  }
0xaa: {  	v10 =	vsub.f32 v10, v7  }
0xab: {  	v8 =	vsub.f32 v8, v9  }
0xac: {  	v10 =	vmul.f32 v10, v15  }
0xad: {  	v8 =	vmul.f32 v8, v15  }
0xae: {  	v7 =	vadd.f32 v10, v7  }
0xaf: {  	v8 =	vadd.f32 v8, v9;
	_ =	sdelay $0x1  }
0xb0: {  	v7 =	vsub.f32 v7, v8;
	_ =	sdelay $0x1  }
0xb1: {  	v7 =	vmul.f32 v7, v16;
	_ =	sdelay $0x1  }
0xb2: {  	v7 =	vadd.f32 v7, v8;
	_ =	sdelay $0x1  }
0xb3: {  	v7 =	vmul.f32 $3.906250000e-03, v7;
	_ =	sdelay $0x1  }
0xb4: {  	[tilespmem:s17+$0xFFFFFE00] =	vst v7  }
0xb5: {  	v4 =	vld.idx.msk [tilespmem:v4+s26+$0x0], $0xffff  }
0xb6: {  	v6 =	vld.idx.msk [tilespmem:v6+s26+$0x0], $0xffff  }
0xb7: {  	v5 =	vld.idx.msk [tilespmem:v5+s26+$0x0], $0xffff  }
0xb8: {  	v3 =	vld.idx.msk [tilespmem:v3+s26+$0x0], $0xffff;
	_ =	sdelay $0x3  }
0xb9: {  	v6 =	vsub.f32 v6, v4;
	_ =	sdelay $0x1  }
0xba: {  	v6 =	vmul.f32 v6, v15;
	v5 =	vsub.f32 v5, v3;
	_ =	sdelay $0x1  }
0xbb: {  	v5 =	vmul.f32 v5, v15;
	_ =	sdelay $0x1  }
0xbc: {  	v4 =	vadd.f32 v6, v4;
	v3 =	vadd.f32 v5, v3;
	_ =	sdelay $0x1  }
0xbd: {  	v3 =	vsub.f32 v3, v4;
	_ =	sdelay $0x1  }
0xbe: {  	v3 =	vmul.f32 v3, v16;
	_ =	sdelay $0x1  }
0xbf: {  	v3 =	vadd.f32 v3, v4;
	_ =	sdelay $0x1  }
0xc0: {  	v3 =	vmul.f32 $3.906250000e-03, v3;
	_ =	sdelay $0x1  }
0xc1: {  	[tilespmem:s17+$0x0] =	vst v3;
	s17 =	smov.u32 s1  }
0xc2: {  	v3 =	vld [tilespmem:s20+$0x0];
	_ =	sdelay $0x1  }
0xc3: {  	v4 =	vld [tilespmem:s20+$0xFFFFFE00];
	_ =	sdelay $0x1  }
0xc4: {  	v6 =	vor.u32 s23, v2;
	v5 =	vor.u32 s23, v0  }
0xc5: {  	v7 =	vshll.u32 v6, $0x4;
	vm0 =	vgt.s32 v3, $0x3;
	v3 =	vshll.u32 v3, $0x2  }
0xc6: {  	v9 =	vshll.u32 v5, $0x4;
	v8 =	vsel vm0, $0x200, v1;
	v3 =	vsel vm0, $0x0, v3  }
0xc7: {  	v5 =	vadd.s32 v5, v8;
	v6 =	vadd.s32 v6, v8;
	v8 =	vand.u32 $0xFFFFFFF8, v3  }
0xc8: {  	v4 =	vshll.u32 v4, $0x2;
	v5 =	vshll.u32 v5, $0x4;
	v6 =	vshll.u32 v6, $0x4  }
0xc9: {  	v3 =	vand.u32 $0x4, v3;
	v10 =	vand.u32 $0xFFFFFFF8, v4;
	v5 =	vadd.s32 v8, v5  }
0xca: {  	v12 =	vadd.s32 v9, v10;
	v14 =	vadd.s32 v8, v6;
	v11 =	vor.u32 v3, v5  }
0xcb: {  	v4 =	vand.u32 $0x4, v4;
	v6 =	vadd.s32 v7, v10;
	v13 =	vor.u32 v3, v14  }
0xcc: {  	v7 =	vor.u32 $0x1, v4;
	v15 =	vor.u32 v4, v12;
	v16 =	vor.u32 v4, v6  }
0xcd: {  	v10 =	vor.u32 $0x1, v3;
	v9 =	vor.u32 v7, v12;
	v7 =	vor.u32 v7, v6  }
.Ltmp2:
0xce: {  	v17 =	vor.u32 $0x2, v4;
	v8 =	vor.u32 v10, v5;
	v10 =	vor.u32 v10, v14;
	(pc) =	sbr.rel @p1 .LBB2_3-.Ltmp2, $4  }
0xcf: {  	v4 =	vor.u32 v17, v12;
	v12 =	vor.u32 $0x2, v3;
	v3 =	vor.u32 v17, v6;
	v11 =	vld.idx.msk [tilespmem:v11+s26+$0x0], $0xffff  }
0xd0: {  	v6 =	vor.u32 v12, v5;
	v5 =	vor.u32 v12, v14;
	v13 =	vld.idx.msk [tilespmem:v13+s26+$0x0], $0xffff  }
0xd1: {  	v12 =	vld.idx.msk [tilespmem:v16+s26+$0x0], $0xffff  }
0xd2: {  	v14 =	vld.idx.msk [tilespmem:v15+s26+$0x0], $0xffff  }
0xd3: {  	_ = 	snop  }
0xd4: {  	v15 =	vld [tilespmem:s3+$0xFFFFFE00];
	_ =	sdelay $0x2  }
0xd5: {  	v13 =	vsub.f32 v13, v12;
	v11 =	vsub.f32 v11, v14;
	_ =	sdelay $0x1  }
0xd6: {  	v13 =	vmul.f32 v13, v15;
	v11 =	vmul.f32 v11, v15  }
0xd7: {  	v16 =	vld [tilespmem:s3+$0x0]  }
0xd8: {  	v12 =	vadd.f32 v13, v12;
	v11 =	vadd.f32 v11, v14;
	_ =	sdelay $0x1  }
0xd9: {  	v12 =	vsub.f32 v12, v11;
	_ =	sdelay $0x1  }
0xda: {  	v12 =	vmul.f32 v12, v16;
	_ =	sdelay $0x1  }
0xdb: {  	v11 =	vadd.f32 v12, v11;
	_ =	sdelay $0x1  }
0xdc: {  	v11 =	vmul.f32 $3.906250000e-03, v11;
	_ =	sdelay $0x1  }
0xdd: {  	[tilespmem:s17+$0xFFFFFC00] =	vst v11  }
0xde: {  	v9 =	vld.idx.msk [tilespmem:v9+s26+$0x0], $0xffff  }
0xdf: {  	v10 =	vld.idx.msk [tilespmem:v10+s26+$0x0], $0xffff  }
0xe0: {  	v7 =	vld.idx.msk [tilespmem:v7+s26+$0x0], $0xffff  }
0xe1: {  	v8 =	vld.idx.msk [tilespmem:v8+s26+$0x0], $0xffff;
	_ =	sdelay $0x4  }
0xe2: {  	v10 =	vsub.f32 v10, v7;
	v8 =	vsub.f32 v8, v9;
	_ =	sdelay $0x1  }
0xe3: {  	v10 =	vmul.f32 v10, v15;
	v8 =	vmul.f32 v8, v15;
	_ =	sdelay $0x1  }
0xe4: {  	v7 =	vadd.f32 v10, v7;
	v8 =	vadd.f32 v8, v9;
	_ =	sdelay $0x1  }
0xe5: {  	v7 =	vsub.f32 v7, v8;
	_ =	sdelay $0x1  }
0xe6: {  	v7 =	vmul.f32 v7, v16;
	_ =	sdelay $0x1  }
0xe7: {  	v7 =	vadd.f32 v7, v8;
	_ =	sdelay $0x1  }
0xe8: {  	v7 =	vmul.f32 $3.906250000e-03, v7;
	_ =	sdelay $0x1  }
0xe9: {  	[tilespmem:s17+$0xFFFFFE00] =	vst v7  }
0xea: {  	v4 =	vld.idx.msk [tilespmem:v4+s26+$0x0], $0xffff  }
0xeb: {  	v6 =	vld.idx.msk [tilespmem:v6+s26+$0x0], $0xffff  }
0xec: {  	v5 =	vld.idx.msk [tilespmem:v5+s26+$0x0], $0xffff  }
0xed: {  	v3 =	vld.idx.msk [tilespmem:v3+s26+$0x0], $0xffff;
	_ =	sdelay $0x4  }
0xee: {  	v6 =	vsub.f32 v6, v4;
	v5 =	vsub.f32 v5, v3;
	_ =	sdelay $0x1  }
0xef: {  	v6 =	vmul.f32 v6, v15;
	v5 =	vmul.f32 v5, v15;
	_ =	sdelay $0x1  }
0xf0: {  	v4 =	vadd.f32 v6, v4;
	v3 =	vadd.f32 v5, v3;
	_ =	sdelay $0x1  }
0xf1: {  	v3 =	vsub.f32 v3, v4;
	_ =	sdelay $0x1  }
0xf2: {  	v3 =	vmul.f32 v3, v16;
	_ =	sdelay $0x1  }
0xf3: {  	v3 =	vadd.f32 v3, v4  }
0xf4: {  	s1 =	sshll.u32 s0, $0xA  }
0xf5: {  	s1 =	sor.u32 s13, s1;
	v3 =	vmul.f32 $3.906250000e-03, v3  }
0xf6: {  	s20 =	sshrl.u32 s1, $0x3  }
0xf7: {  	s2 =	simm.s32 $0x12000;
	s1 =	sadd.s32 s12, s20;
	[tilespmem:s17+$0x0] =	vst v3  }
0xf8: {  	[hbm4b:s1+s4] =	stream.linear.scatter [tilespmem:s2], [sflag:$0x7], $0x200, $0x38;
	[tilespmem:$0x12600] =	vst v63  }
0xf9: {  	_ =	swait.ge [sflag:s22], $0x200  }
0xfa: {  	[sflag:s22] =	ssyncset.done $0x0  }
0xfb: {  	s3 =	sadd.s32 s14, s20;
	s17 =	simm.s32 $0x12200;
	[sflag:s22] =	ssyncadd.s32 $0xFFFFFE00  }
0xfc: {  	[hbm4b:s3+s4] =	stream.linear.scatter [tilespmem:s17], [sflag:$0x7], $0x200, $0x38;
	[tilespmem:$0x12600] =	vst v63  }
0xfd: {  	_ =	swait.ge [sflag:s22], $0x200  }
0xfe: {  	[sflag:s22] =	ssyncset.done $0x0  }
0xff: {  	s18 =	sadd.s32 s15, s20;
	[sflag:s22] =	ssyncadd.s32 $0xFFFFFE00  }
0x100: {  	[hbm4b:s18+s4] =	stream.linear.scatter [tilespmem:s24], [sflag:$0x7], $0x200, $0x38;
	[tilespmem:$0x12600] =	vst v63  }
0x101: {  	_ =	swait.ge [sflag:s22], $0x200  }
0x102: {  	s2 =	sadd.s32 @!p0 s11, s21;
	[sflag:s22] =	ssyncset.done $0x0  }
0x103: {  	s1 =	simm.s32 @!p0 $0x0;
	s3 =	simm.s32 @!p0 $0x800;
	[sflag:s22] =	ssyncadd.s32 $0xFFFFFE00  }
0x104: {  	[tilespmem:s3], [sflag:$0x5] =	stream.linear.gather @!p0 [hbm4b:s2+s1], $0x200, $0x38;
	[tilespmem:$0x12600] =	vst v63  }
0x105: {  	s2 =	rddreg [dreg:$0x1]  }
0x106: {  	s3 =	simm.s32 @!p0 $0xA00;
	s2 =	sadd.s32 @!p0 s2, s21  }
0x107: {  	[tilespmem:s3], [sflag:$0x5] =	stream.linear.gather @!p0 [hbm4b:s2+s1], $0x200, $0x38;
	[tilespmem:$0x12600] =	vst v63  }
0x108: {  	s2 =	rddreg [dreg:$0x2]  }
0x109: {  	s3 =	simm.s32 @!p0 $0x8C00;
	s2 =	sadd.s32 @!p0 s2, s21  }
0x10a: {  	[tilespmem:s3], [sflag:$0x5] =	stream.linear.gather @!p0 [hbm4b:s2+s1], $0x200, $0x38;
	[tilespmem:$0x12600] =	vst v63  }
0x10b: {  	s2 =	rddreg [dreg:$0x3]  }
0x10c: {  	s3 =	simm.s32 @!p0 $0x8E00;
	s2 =	sadd.s32 @!p0 s2, s21  }
0x10d: {  	[tilespmem:s3], [sflag:$0x5] =	stream.linear.gather @!p0 [hbm4b:s2+s1], $0x200, $0x38;
	[tilespmem:$0x12600] =	vst v63  }
0x10e: {  	s2 =	simm.s32 @!p0 $0x3  }
0x10f: {  	_ =	swait.ge @!p0 [sflag:s2], $0x200  }
0x110: {  	[sflag:s2] =	ssyncset.done @!p0 $0x0  }
0x111: {  	[sflag:s2] =	ssyncadd.s32 @!p0 $0xFFFFFE00  }
0x112: {  	_ =	swait.ge @!p0 [sflag:s2], $0x200  }
0x113: {  	[sflag:s2] =	ssyncset.done @!p0 $0x0  }
0x114: {  	[sflag:s2] =	ssyncadd.s32 @!p0 $0xFFFFFE00  }
0x115: {  	_ =	swait.ge @!p0 [sflag:s2], $0x200  }
0x116: {  	[sflag:s2] =	ssyncset.done @!p0 $0x0  }
0x117: {  	[sflag:s2] =	ssyncadd.s32 @!p0 $0xFFFFFE00  }
0x118: {  	_ =	swait.ge @!p0 [sflag:s2], $0x200  }
0x119: {  	[sflag:s2] =	ssyncset.done @!p0 $0x0  }
0x11a: {  	s3 =	simm.s32 @!p0 $0xC00;
	[sflag:s2] =	ssyncadd.s32 @!p0 $0xFFFFFE00;
	s2 =	simm.s32 @!p0 $0x200  }
0x11b: {  	[tilespmem:s3], [sflag:$0x1] =	stream.indirect.gather @!p0 [hbm4b:s5+s2], $0x10, s1, s2, $0xb8;
	[tilespmem:$0x12600] =	vst v63  }
0x11c: {  	s3 =	simm.s32 @!p0 $0x2C00  }
0x11d: {  	[tilespmem:s3], [sflag:$0x1] =	stream.indirect.gather @!p0 [hbm4b:s5+s2], $0x10, s2, s2, $0xb8;
	[tilespmem:$0x12600] =	vst v63  }
0x11e: {  	s17 =	simm.s32 @!p0 $0x4C00;
	s3 =	simm.s32 @!p0 $0x400  }
0x11f: {  	[tilespmem:s17], [sflag:$0x1] =	stream.indirect.gather @!p0 [hbm4b:s5+s2], $0x10, s3, s2, $0xb8;
	[tilespmem:$0x12600] =	vst v63  }
0x120: {  	s3 =	simm.s32 @!p0 $0x600;
	s17 =	simm.s32 @!p0 $0x6C00  }
0x121: {  	[tilespmem:s17], [sflag:$0x1] =	stream.indirect.gather @!p0 [hbm4b:s5+s2], $0x10, s3, s2, $0xb8;
	[tilespmem:$0x12600] =	vst v63  }
0x122: {  	_ =	swait.ge [sflag:s30], $0x2000  }
0x123: {  	[sflag:s30] =	ssyncset.done $0x0  }
0x124: {  	[sflag:s30] =	ssyncadd.s32 $0xFFFFE000  }
0x125: {  	_ =	swait.ge [sflag:s30], $0x2000  }
0x126: {  	[sflag:s30] =	ssyncset.done $0x0  }
0x127: {  	[sflag:s30] =	ssyncadd.s32 $0xFFFFE000  }
0x128: {  	_ =	swait.ge [sflag:s30], $0x2000  }
0x129: {  	s19 =	sadd.s32 $0x3, s19;
	[sflag:s30] =	ssyncset.done $0x0  }
0x12a: {  	s2 =	sshll.u32 @!p0 s19, $0x9;
	[sflag:s30] =	ssyncadd.s32 $0xFFFFE000  }
0x12b: {  	s2 =	sadd.s32 @!p0 s13, s2;
	_ =	swait.ge [sflag:s30], $0x2000  }
0x12c: {  	s2 =	sshrl.u32 @!p0 s2, $0x3;
	[sflag:s30] =	ssyncset.done $0x0  }
0x12d: {  	s17 =	simm.s32 @!p0 $0x9000;
	s3 =	sadd.s32 @!p0 s6, s2;
	[sflag:s30] =	ssyncadd.s32 $0xFFFFE000  }
0x12e: {  	[tilespmem:s17], [sflag:$0x4] =	stream.linear.gather @!p0 [hbm4b:s3+s1], $0x200, $0x38;
	[tilespmem:$0x12600] =	vst v63  }
0x12f: {  	s3 =	sadd.s32 @!p0 s8, s2;
	s17 =	simm.s32 @!p0 $0x9200  }
0x130: {  	[tilespmem:s17], [sflag:$0x4] =	stream.linear.gather @!p0 [hbm4b:s3+s1], $0x200, $0x38;
	[tilespmem:$0x12600] =	vst v63  }
0x131: {  	s3 =	sadd.s32 @!p0 s9, s2;
	s17 =	simm.s32 @!p0 $0x9400  }
0x132: {  	[tilespmem:s17], [sflag:$0x4] =	stream.linear.gather @!p0 [hbm4b:s3+s1], $0x200, $0x38;
	[tilespmem:$0x12600] =	vst v63  }
0x133: {  	s2 =	sadd.s32 @!p0 s10, s2;
	s3 =	simm.s32 @!p0 $0x9600  }
0x134: {  	[tilespmem:s3], [sflag:$0x4] =	stream.linear.gather @!p0 [hbm4b:s2+s1], $0x200, $0x38;
	[tilespmem:$0x12600] =	vst v63  }
0x135: {  	_ =	swait.ge [sflag:s31], $0x200  }
0x136: {  	[sflag:s31] =	ssyncset.done $0x0  }
0x137: {  	[sflag:s31] =	ssyncadd.s32 $0xFFFFFE00  }
0x138: {  	_ =	swait.ge [sflag:s31], $0x200  }
0x139: {  	[sflag:s31] =	ssyncset.done $0x0  }
0x13a: {  	[sflag:s31] =	ssyncadd.s32 $0xFFFFFE00  }
0x13b: {  	_ =	swait.ge [sflag:s31], $0x200  }
0x13c: {  	[sflag:s31] =	ssyncset.done $0x0  }
0x13d: {  	[sflag:s31] =	ssyncadd.s32 $0xFFFFFE00  }
0x13e: {  	_ =	swait.ge [sflag:s31], $0x200  }
0x13f: {  	[sflag:s31] =	ssyncset.done $0x0  }
0x140: {  	s21 =	simm.s32 $0x9A00;
	[sflag:s31] =	ssyncadd.s32 $0xFFFFFE00  }
0x141: {  	v3 =	vld [tilespmem:s21+$0x0]  }
0x142: {  	v4 =	vld [tilespmem:s21+$0xFFFFFE00];
	_ =	sdelay $0x1  }
0x143: {  	s23 =	simm.s32 $0x0  }
0x144: {  	v5 =	vor.u32 s23, v0;
	v6 =	vor.u32 s23, v2  }
0x145: {  	v7 =	vshll.u32 v6, $0x4;
	v9 =	vshll.u32 v5, $0x4  }
0x146: {  	vm0 =	vgt.s32 v3, $0x3;
	v3 =	vshll.u32 v3, $0x2;
	v4 =	vshll.u32 v4, $0x2  }
0x147: {  	v8 =	vsel vm0, $0x200, v1;
	v3 =	vsel vm0, $0x0, v3;
	v10 =	vand.u32 $0xFFFFFFF8, v4  }
0x148: {  	v4 =	vand.u32 $0x4, v4;
	v5 =	vadd.s32 v5, v8;
	v6 =	vadd.s32 v6, v8  }
0x149: {  	v8 =	vand.u32 $0xFFFFFFF8, v3;
	v3 =	vand.u32 $0x4, v3;
	v15 =	vadd.s32 v9, v10  }
0x14a: {  	v18 =	vor.u32 $0x2, v4;
	v5 =	vshll.u32 v5, $0x4;
	v6 =	vshll.u32 v6, $0x4  }
0x14b: {  	v17 =	vor.u32 v4, v15;
	v5 =	vadd.s32 v8, v5;
	v14 =	vadd.s32 v8, v6  }
0x14c: {  	v6 =	vadd.s32 v7, v10;
	v7 =	vor.u32 $0x1, v4;
	v11 =	vor.u32 v3, v5  }
0x14d: {  	v10 =	vor.u32 $0x1, v3;
	v12 =	vor.u32 v3, v14;
	v63 =	vor.u32 v4, v6  }
0x14e: {  	v9 =	vor.u32 v7, v15;
	v7 =	vor.u32 v7, v6;
	v8 =	vor.u32 v10, v5  }
0x14f: {  	v10 =	vor.u32 v10, v14;
	v4 =	vor.u32 v18, v15;
	v15 =	vor.u32 $0x2, v3  }
0x150: {  	v3 =	vor.u32 v18, v6;
	v6 =	vor.u32 v15, v5;
	v5 =	vor.u32 v15, v14;
	v14 =	vld.idx.msk [tilespmem:v17+s29+$0x0], $0xffff  }
0x151: {  	v11 =	vld.idx.msk [tilespmem:v11+s29+$0x0], $0xffff  }
0x152: {  	s18 =	simm.s32 $0x10;
	s17 =	simm.s32 $0x12400;
	v13 =	vld.idx.msk [tilespmem:v12+s29+$0x0], $0xffff  }
0x153: {  	s1 =	simm.s32 $0x12400;
	s2 =	simm.s32 $0x11E00;
	s3 =	simm.s32 $0x11E00;
	v12 =	vld.idx.msk [tilespmem:v63+s29+$0x0], $0xffff  }
.LBB2_5:
0x154: {  	s1 =	sadd.s32 $0x10, s1;
	s2 =	sadd.s32 $0x10, s2;
	s21 =	sadd.s32 $0x10, s21  }
0x155: {  	p1 =	sne.s32 s18, $0x1F0;
	s23 =	smov.u32 s18;
	s18 =	sadd.s32 $0x10, s18  }
0x156: {  	v15 =	vld [tilespmem:s3+$0xFFFFFE00];
	_ =	sdelay $0x2  }
0x157: {  	v13 =	vsub.f32 v13, v12;
	v11 =	vsub.f32 v11, v14;
	_ =	sdelay $0x1  }
0x158: {  	v11 =	vmul.f32 v11, v15;
	v13 =	vmul.f32 v13, v15  }
0x159: {  	v16 =	vld [tilespmem:s3+$0x0];
	s3 =	smov.u32 s2  }
0x15a: {  	v11 =	vadd.f32 v11, v14;
	v12 =	vadd.f32 v13, v12;
	_ =	sdelay $0x1  }
0x15b: {  	v12 =	vsub.f32 v12, v11;
	_ =	sdelay $0x1  }
0x15c: {  	v12 =	vmul.f32 v12, v16;
	_ =	sdelay $0x1  }
0x15d: {  	v11 =	vadd.f32 v12, v11;
	_ =	sdelay $0x1  }
0x15e: {  	v11 =	vmul.f32 $3.906250000e-03, v11;
	_ =	sdelay $0x1  }
0x15f: {  	[tilespmem:s17+$0xFFFFFC00] =	vst v11  }
0x160: {  	v9 =	vld.idx.msk [tilespmem:v9+s29+$0x0], $0xffff  }
0x161: {  	v10 =	vld.idx.msk [tilespmem:v10+s29+$0x0], $0xffff  }
0x162: {  	v7 =	vld.idx.msk [tilespmem:v7+s29+$0x0], $0xffff  }
0x163: {  	v8 =	vld.idx.msk [tilespmem:v8+s29+$0x0], $0xffff;
	_ =	sdelay $0x4  }
0x164: {  	v10 =	vsub.f32 v10, v7  }
0x165: {  	v8 =	vsub.f32 v8, v9  }
0x166: {  	v10 =	vmul.f32 v10, v15  }
0x167: {  	v8 =	vmul.f32 v8, v15  }
0x168: {  	v7 =	vadd.f32 v10, v7  }
0x169: {  	v8 =	vadd.f32 v8, v9;
	_ =	sdelay $0x1  }
0x16a: {  	v7 =	vsub.f32 v7, v8;
	_ =	sdelay $0x1  }
0x16b: {  	v7 =	vmul.f32 v7, v16;
	_ =	sdelay $0x1  }
0x16c: {  	v7 =	vadd.f32 v7, v8;
	_ =	sdelay $0x1  }
0x16d: {  	v7 =	vmul.f32 $3.906250000e-03, v7;
	_ =	sdelay $0x1  }
0x16e: {  	[tilespmem:s17+$0xFFFFFE00] =	vst v7  }
0x16f: {  	v4 =	vld.idx.msk [tilespmem:v4+s29+$0x0], $0xffff  }
0x170: {  	v6 =	vld.idx.msk [tilespmem:v6+s29+$0x0], $0xffff  }
0x171: {  	v5 =	vld.idx.msk [tilespmem:v5+s29+$0x0], $0xffff  }
0x172: {  	v3 =	vld.idx.msk [tilespmem:v3+s29+$0x0], $0xffff;
	_ =	sdelay $0x3  }
0x173: {  	v6 =	vsub.f32 v6, v4;
	_ =	sdelay $0x1  }
0x174: {  	v6 =	vmul.f32 v6, v15;
	v5 =	vsub.f32 v5, v3;
	_ =	sdelay $0x1  }
0x175: {  	v5 =	vmul.f32 v5, v15;
	_ =	sdelay $0x1  }
0x176: {  	v4 =	vadd.f32 v6, v4;
	v3 =	vadd.f32 v5, v3;
	_ =	sdelay $0x1  }
0x177: {  	v3 =	vsub.f32 v3, v4;
	_ =	sdelay $0x1  }
0x178: {  	v3 =	vmul.f32 v3, v16;
	_ =	sdelay $0x1  }
0x179: {  	v3 =	vadd.f32 v3, v4;
	_ =	sdelay $0x1  }
0x17a: {  	v3 =	vmul.f32 $3.906250000e-03, v3;
	_ =	sdelay $0x1  }
0x17b: {  	[tilespmem:s17+$0x0] =	vst v3;
	s17 =	smov.u32 s1  }
0x17c: {  	v3 =	vld [tilespmem:s21+$0x0];
	_ =	sdelay $0x1  }
0x17d: {  	v4 =	vld [tilespmem:s21+$0xFFFFFE00];
	_ =	sdelay $0x1  }
0x17e: {  	v6 =	vor.u32 s23, v2;
	v5 =	vor.u32 s23, v0  }
0x17f: {  	v7 =	vshll.u32 v6, $0x4;
	vm0 =	vgt.s32 v3, $0x3;
	v3 =	vshll.u32 v3, $0x2  }
0x180: {  	v9 =	vshll.u32 v5, $0x4;
	v8 =	vsel vm0, $0x200, v1;
	v3 =	vsel vm0, $0x0, v3  }
0x181: {  	v5 =	vadd.s32 v5, v8;
	v6 =	vadd.s32 v6, v8;
	v8 =	vand.u32 $0xFFFFFFF8, v3  }
0x182: {  	v4 =	vshll.u32 v4, $0x2;
	v5 =	vshll.u32 v5, $0x4;
	v6 =	vshll.u32 v6, $0x4  }
0x183: {  	v3 =	vand.u32 $0x4, v3;
	v10 =	vand.u32 $0xFFFFFFF8, v4;
	v5 =	vadd.s32 v8, v5  }
0x184: {  	v12 =	vadd.s32 v9, v10;
	v14 =	vadd.s32 v8, v6;
	v11 =	vor.u32 v3, v5  }
0x185: {  	v4 =	vand.u32 $0x4, v4;
	v6 =	vadd.s32 v7, v10;
	v13 =	vor.u32 v3, v14  }
0x186: {  	v7 =	vor.u32 $0x1, v4;
	v15 =	vor.u32 v4, v12;
	v16 =	vor.u32 v4, v6  }
0x187: {  	v10 =	vor.u32 $0x1, v3;
	v9 =	vor.u32 v7, v12;
	v7 =	vor.u32 v7, v6  }
.Ltmp3:
0x188: {  	v17 =	vor.u32 $0x2, v4;
	v8 =	vor.u32 v10, v5;
	v10 =	vor.u32 v10, v14;
	(pc) =	sbr.rel @p1 .LBB2_5-.Ltmp3, $4  }
0x189: {  	v4 =	vor.u32 v17, v12;
	v12 =	vor.u32 $0x2, v3;
	v3 =	vor.u32 v17, v6;
	v11 =	vld.idx.msk [tilespmem:v11+s29+$0x0], $0xffff  }
0x18a: {  	v6 =	vor.u32 v12, v5;
	v5 =	vor.u32 v12, v14;
	v13 =	vld.idx.msk [tilespmem:v13+s29+$0x0], $0xffff  }
0x18b: {  	v12 =	vld.idx.msk [tilespmem:v16+s29+$0x0], $0xffff  }
0x18c: {  	v14 =	vld.idx.msk [tilespmem:v15+s29+$0x0], $0xffff  }
0x18d: {  	_ = 	snop  }
0x18e: {  	v15 =	vld [tilespmem:s3+$0xFFFFFE00];
	_ =	sdelay $0x2  }
0x18f: {  	v13 =	vsub.f32 v13, v12;
	v11 =	vsub.f32 v11, v14;
	_ =	sdelay $0x1  }
0x190: {  	v13 =	vmul.f32 v13, v15;
	v11 =	vmul.f32 v11, v15  }
0x191: {  	v16 =	vld [tilespmem:s3+$0x0]  }
0x192: {  	v63 =	vadd.f32 v13, v12;
	v11 =	vadd.f32 v11, v14;
	_ =	sdelay $0x1  }
0x193: {  	v12 =	vsub.f32 v63, v11;
	_ =	sdelay $0x1  }
0x194: {  	v12 =	vmul.f32 v12, v16;
	_ =	sdelay $0x1  }
0x195: {  	v11 =	vadd.f32 v12, v11;
	_ =	sdelay $0x1  }
0x196: {  	v11 =	vmul.f32 $3.906250000e-03, v11;
	_ =	sdelay $0x1  }
0x197: {  	[tilespmem:s17+$0xFFFFFC00] =	vst v11  }
0x198: {  	v9 =	vld.idx.msk [tilespmem:v9+s29+$0x0], $0xffff  }
0x199: {  	v10 =	vld.idx.msk [tilespmem:v10+s29+$0x0], $0xffff  }
0x19a: {  	v7 =	vld.idx.msk [tilespmem:v7+s29+$0x0], $0xffff  }
0x19b: {  	v8 =	vld.idx.msk [tilespmem:v8+s29+$0x0], $0xffff;
	_ =	sdelay $0x4  }
0x19c: {  	v10 =	vsub.f32 v10, v7;
	v8 =	vsub.f32 v8, v9;
	_ =	sdelay $0x1  }
0x19d: {  	v10 =	vmul.f32 v10, v15;
	v8 =	vmul.f32 v8, v15;
	_ =	sdelay $0x1  }
0x19e: {  	v7 =	vadd.f32 v10, v7;
	v8 =	vadd.f32 v8, v9;
	_ =	sdelay $0x1  }
0x19f: {  	v7 =	vsub.f32 v7, v8;
	_ =	sdelay $0x1  }
0x1a0: {  	v7 =	vmul.f32 v7, v16;
	_ =	sdelay $0x1  }
0x1a1: {  	v7 =	vadd.f32 v7, v8;
	_ =	sdelay $0x1  }
0x1a2: {  	v7 =	vmul.f32 $3.906250000e-03, v7;
	_ =	sdelay $0x1  }
0x1a3: {  	[tilespmem:s17+$0xFFFFFE00] =	vst v7  }
0x1a4: {  	v4 =	vld.idx.msk [tilespmem:v4+s29+$0x0], $0xffff  }
0x1a5: {  	v6 =	vld.idx.msk [tilespmem:v6+s29+$0x0], $0xffff  }
0x1a6: {  	v5 =	vld.idx.msk [tilespmem:v5+s29+$0x0], $0xffff  }
0x1a7: {  	v3 =	vld.idx.msk [tilespmem:v3+s29+$0x0], $0xffff;
	_ =	sdelay $0x4  }
0x1a8: {  	v6 =	vsub.f32 v6, v4;
	v5 =	vsub.f32 v5, v3;
	_ =	sdelay $0x1  }
0x1a9: {  	v6 =	vmul.f32 v6, v15;
	v5 =	vmul.f32 v5, v15;
	_ =	sdelay $0x1  }
0x1aa: {  	v4 =	vadd.f32 v6, v4;
	v3 =	vadd.f32 v5, v3;
	_ =	sdelay $0x1  }
0x1ab: {  	v3 =	vsub.f32 v3, v4;
	_ =	sdelay $0x1  }
0x1ac: {  	v3 =	vmul.f32 v3, v16;
	_ =	sdelay $0x1  }
0x1ad: {  	v3 =	vadd.f32 v3, v4;
	_ =	sdelay $0x1  }
0x1ae: {  	v3 =	vmul.f32 $3.906250000e-03, v3  }
0x1af: {  	s1 =	sor.u32 $0x40, s20  }
0x1b0: {  	s20 =	simm.s32 $0x12000;
	s2 =	sadd.s32 s12, s1;
	[tilespmem:s17+$0x0] =	vst v3  }
0x1b1: {  	[hbm4b:s2+s4] =	stream.linear.scatter [tilespmem:s20], [sflag:$0x7], $0x200, $0x38;
	[tilespmem:$0x12600] =	vst v63  }
0x1b2: {  	_ =	swait.ge [sflag:s22], $0x200  }
0x1b3: {  	[sflag:s22] =	ssyncset.done $0x0  }
0x1b4: {  	s23 =	simm.s32 $0x12200;
	s21 =	sadd.s32 s14, s1;
	[sflag:s22] =	ssyncadd.s32 $0xFFFFFE00  }
0x1b5: {  	[hbm4b:s21+s4] =	stream.linear.scatter [tilespmem:s23], [sflag:$0x7], $0x200, $0x38;
	[tilespmem:$0x12600] =	vst v63  }
0x1b6: {  	_ =	swait.ge [sflag:s22], $0x200  }
0x1b7: {  	[sflag:s22] =	ssyncset.done $0x0  }
.Ltmp4:
0x1b8: {  	s1 =	sadd.s32 s15, s1;
	[sflag:s22] =	ssyncadd.s32 $0xFFFFFE00;
	(pc) =	sbr.rel @p0 .LBB2_8-.Ltmp4, $4  }
0x1b9: {  	[hbm4b:s1+s4] =	stream.linear.scatter [tilespmem:s24], [sflag:$0x7], $0x200, $0x38;
	[tilespmem:$0x12600] =	vst v63  }
0x1ba: {  	_ =	swait.ge [sflag:s22], $0x200  }
0x1bb: {  	[sflag:s22] =	ssyncset.done $0x0  }
0x1bc: {  	[sflag:s22] =	ssyncadd.s32 $0xFFFFFE00  }
0x1bd: {  	s1 =	sshll.u32 s19, $0x9  }
0x1be: {  	s1 =	sadd.s32 s13, s1  }
0x1bf: {  	s1 =	sshrl.u32 s1, $0x3  }
0x1c0: {  	s3 =	simm.s32 $0x9800;
	s17 =	rddreg [dreg:$0x1];
	s2 =	sadd.s32 s11, s1  }
0x1c1: {  	[tilespmem:s3], [sflag:$0x6] =	stream.linear.gather [hbm4b:s2+s4], $0x200, $0x38;
	[tilespmem:$0x12600] =	vst v63  }
0x1c2: {  	s18 =	simm.s32 $0x9A00;
	s19 =	rddreg [dreg:$0x2];
	s2 =	sadd.s32 s17, s1  }
0x1c3: {  	[tilespmem:s18], [sflag:$0x6] =	stream.linear.gather [hbm4b:s2+s4], $0x200, $0x38;
	[tilespmem:$0x12600] =	vst v63  }
0x1c4: {  	s20 =	simm.s32 $0x11C00;
	s21 =	rddreg [dreg:$0x3];
	s2 =	sadd.s32 s19, s1  }
0x1c5: {  	[tilespmem:s20], [sflag:$0x6] =	stream.linear.gather [hbm4b:s2+s4], $0x200, $0x38;
	[tilespmem:$0x12600] =	vst v63  }
0x1c6: {  	s23 =	simm.s32 $0x11E00;
	s1 =	sadd.s32 s21, s1  }
0x1c7: {  	[tilespmem:s23], [sflag:$0x6] =	stream.linear.gather [hbm4b:s1+s4], $0x200, $0x38;
	[tilespmem:$0x12600] =	vst v63  }
0x1c8: {  	_ =	swait.ge [sflag:s28], $0x200  }
0x1c9: {  	[sflag:s28] =	ssyncset.done $0x0  }
0x1ca: {  	[sflag:s28] =	ssyncadd.s32 $0xFFFFFE00  }
0x1cb: {  	_ =	swait.ge [sflag:s28], $0x200  }
0x1cc: {  	[sflag:s28] =	ssyncset.done $0x0  }
0x1cd: {  	[sflag:s28] =	ssyncadd.s32 $0xFFFFFE00  }
0x1ce: {  	_ =	swait.ge [sflag:s28], $0x200  }
0x1cf: {  	[sflag:s28] =	ssyncset.done $0x0  }
0x1d0: {  	[sflag:s28] =	ssyncadd.s32 $0xFFFFFE00  }
0x1d1: {  	_ =	swait.ge [sflag:s28], $0x200  }
0x1d2: {  	[sflag:s28] =	ssyncset.done $0x0  }
0x1d3: {  	s3 =	simm.s32 $0x9000;
	[sflag:s28] =	ssyncadd.s32 $0xFFFFFE00  }
0x1d4: {  	[tilespmem:s29], [sflag:$0x2] =	stream.indirect.gather [hbm4b:s5+s16], $0x10, s3, s16, $0xb8;
	[tilespmem:$0x12600] =	vst v63  }
0x1d5: {  	s17 =	simm.s32 $0x9200;
	s18 =	simm.s32 $0xBC00  }
0x1d6: {  	[tilespmem:s18], [sflag:$0x2] =	stream.indirect.gather [hbm4b:s5+s16], $0x10, s17, s16, $0xb8;
	[tilespmem:$0x12600] =	vst v63  }
.Ltmp5:
0x1d7: {  	_ = 	snop;
	(pc) =	sbr.rel .LBB2_2-.Ltmp5, $4  }
0x1d8: {  	s19 =	simm.s32 $0x9400;
	s20 =	simm.s32 $0xDC00  }
0x1d9: {  	[tilespmem:s20], [sflag:$0x2] =	stream.indirect.gather [hbm4b:s5+s16], $0x10, s19, s16, $0xb8;
	[tilespmem:$0x12600] =	vst v63  }
0x1da: {  	s0 =	sadd.s32 $0x1, s0;
	s21 =	simm.s32 $0x9600;
	s23 =	simm.s32 $0xFC00  }
0x1db: {  	[tilespmem:s23], [sflag:$0x2] =	stream.indirect.gather [hbm4b:s5+s16], $0x10, s21, s16, $0xb8;
	[tilespmem:$0x12600] =	vst v63  }
.LBB2_9:
0x1dc: {  	_ =	sfence.sel $0x180000  }
0x1dd: {  	[bflag:$0x0] =	sbarrier.arrive $0xFFFF  }
0x1de: {  	_ =	strace $0x9000004D  }
0x1df: {  	s0 =	stileid.u32;
	[bflag:$0x2] =	sbarrier.arrive $0xFFFF  }
0x1e0: {  	p0 =	sne.s32 s0, $0x0;
	s0 =	rddreg [dreg:$0x4]  }
0x1e1: {  	s0 =	sadd.s32 @!p0 $0x100000, s0  }
0x1e2: {  	[sflag:s0] =	ssyncadd.tile.s32 @!p0 $0x1;
	_ =	shalt  }
.Lfunc_end2:
_tile_overlayer_lowered:
.L_overlay_start_2:
0x1e3: {  	(tag) =	ssettag $0x2  }
0x1e4: {  	s0 =	rddreg [dreg:$0x0];
	s2 =	stileid.u32  }
0x1e5: {  	s1 =	rddreg [dreg:$0x1];
	p0 =	sne.s32 s2, $0x0  }
0x1e6: {  	s3 =	rddreg [dreg:$0x2];
	[bflag:$0x3] =	sbarrier.arrive $0xFFFF;
	s2 =	simm.s32 @!p0 $0x1C07  }
0x1e7: {  	[timem:s3], [sflag:s2] =	dma.local @!p0 [hbm:s0], s1  }
0x1e8: {  	s0 =	simm.s32 @!p0 $0x7  }
0x1e9: {  	_ =	swait.ge @!p0 [sflag:s0], s1  }
0x1ea: {  	s1 =	ssub.s32 @!p0 $0x0, s1;
	[sflag:s0] =	ssyncset.done @!p0 $0x0  }
0x1eb: {  	[sflag:s0] =	ssyncadd.s32 @!p0 s1  }
0x1ec: {  	[bflag:$0x3] =	sbarrier.arrive $0xFFFF  }
0x1ed: {  	_ =	shalt  }

// kernel: sparse-core-data-format-call.cloned.1.call-start
scs
called_computation_lowered:
.L_overlay_start_0:
0x0: {  	s2 =	sld [smem:$0x3FD9]  }
0x1: {  	s3 =	sld [smem:$0x3FFE];
	_ =	sdelay $0x1  }
0x2: {  	s1 =	srdreg.scid  }
0x3: {  	s0 =	sand.u32 $0x1, s1  }
0x4: {  	s18 =	sshll.u32 s0, $0xA;
	s2 =	sadd.s32 s3, s2  }
0x5: {  	s2 =	sadd.s32 s2, s18  }
0x6: {  	[smem:$0x3FC6] =	sst s2  }
0x7: {  	_ = 	snop  }
0x8: {  	s2 =	sld [smem:$0x3FC8];
	(tm) =	ssettm $0x1  }
0x9: {  	s19 =	sld [smem:$0x3FFB];
	_ =	sdelay $0x3  }
0xa: {  	_ =	strace s19  }
0xb: {  	s3 =	sld [smem:$0x3FFC];
	_ =	sdelay $0x3  }
0xc: {  	_ =	strace s3  }
0xd: {  	s3 =	sld [smem:$0x3FFD];
	_ =	sdelay $0x3  }
0xe: {  	_ =	strace s3  }
0xf: {  	_ =	strace $0x8FFFFFFF  }
0x10: {  	s20 =	sld [smem:$0x3FDB];
	_ =	sdelay $0x1  }
0x11: {  	s4 =	simm.s32 $_scs_section_size  }
0x12: {  	s5 =	simm.s32 $_size__tile_overlayer_lowered;
	s6 =	simm.s32 $_tile_overlayer_lowered  }
0x13: {  	s23 =	simm.s32 $0x1BFF;
	s22 =	sshll.u32 s6, $0x1;
	s3 =	sadd.s32 s4, s20  }
0x14: {  	s7 =	simm.s32 $0x0;
	s21 =	sshll.u32 s5, $0x1;
	s5 =	sadd.s32 s22, s3  }
0x15: {  	[timem:s7], [sflag:s23] =	dma.local [hbm:s5], s21  }
0x16: {  	_ =	swait.ge [sflag:s23], s21  }
0x17: {  	s4 =	ssub.s32 $0x0, s21;
	[sflag:s23] =	ssyncset.done $0x0  }
0x18: {  	[sflag:s23] =	ssyncadd.s32 s4;
	_ =	sdelay $0x1  }
0x19: {  	s24 =	simm.s32 $0x1B8B  }
0x1a: {  	_ =	swait.ge [sflag:s24], $0x1  }
0x1b: {  	[sflag:s24] =	ssyncset.done $0x0  }
0x1c: {  	s26 =	simm.s32 $0x1B8E;
	s25 =	sld [smem:$0x3FFE];
	[sflag:s24] =	ssyncadd.s32 $0xFFFFFFFF  }
0x1d: {  	s27 =	simm.s32 $execute0_lowered;
	[smem:$0x3FD2] =	sst s26  }
0x1e: {  	s5 =	sshll.u32 s27, $0x1;
	_ =	strace $0x80000046;
	[dreg:$0x1] =	wrdreg $0xFFFFFFFF  }
0x1f: {  	s28 =	simm.s32 $_size_execute0_lowered;
	s3 =	sadd.s32 s3, s5;
	[dreg:$0x0] =	wrdreg $0x0  }
0x20: {  	s5 =	sshll.u32 s28, $0x1;
	[dreg:$0x2] =	wrdreg s3  }
0x21: {  	[dreg:$0x3] =	wrdreg s5  }
0x22: {  	[dreg:$0x4] =	wrdreg $0xC0  }
0x23: {  	_ =	task [dreg:s7], $0x5FFFF  }
0x24: {  	[dreg:$0x1] =	wrdreg $0xFFFFFFFF  }
0x25: {  	[dreg:$0x0] =	wrdreg $0x60  }
0x26: {  	[dreg:$0x2] =	wrdreg s2  }
0x27: {  	[dreg:$0x3] =	wrdreg s25  }
0x28: {  	[dreg:$0x4] =	wrdreg $0x9  }
0x29: {  	_ =	task.clear_ibuf [dreg:s7], $0x5FFFF;
	_ =	strace $0x90000046  }
0x2a: {  	s29 =	simm.s32 $0x9;
	_ =	strace $0x80000048  }
0x2b: {  	_ =	swait.ge [sflag:s29], $0x1  }
0x2c: {  	[sflag:s29] =	ssyncadd.s32 $0xFFFFFFFF  }
0x2d: {  	_ =	strace $0x90000048  }
0x2e: {  	_ =	sfence  }
0x2f: {  	s30 =	sld [smem:$0x0];
	_ =	sdelay $0x2  }
0x30: {  	s31 =	sshll.u32 s1, $0xD;
	s1 =	sshrl.u32 s1, $0x2  }
0x31: {  	s3 =	sand.u32 $0x4000, s31;
	s1 =	sadd.s32 s1, s30  }
0x32: {  	s0 =	sor.u32 s3, s0;
	s1 =	sshll.u32 s1, $0x11  }
0x33: {  	s0 =	sor.u32 s1, s0  }
0x34: {  	s0 =	sadd.s32 $0x8F2B, s0  }
0x35: {  	[sflag:s0] =	ssyncadd.remote.s32 $0x1  }
0x36: {  	_ =	sfence.sel $0xFFFF  }
0x37: {  	[dreg:$0x0] =	wrdreg $0xFFFFFFFF;
	(pc) =	sbr.abs _section_cstart, $3  }
0x38: {  	[dreg:$0x1] =	wrdreg $0xFFFFFFFF  }
0x39: {  	_ =	task.clear_ibuf [dreg:s7], $0x2FFFF;
	_ =	strace $0x9FFFFFFF  }
0x3a: {  	(tm) =	ssettm $0x7FFFFFFF  }
0x3b: {  	_ =	shalt  }
tec
execute0_lowered:
.L_overlay_start_1:
0x0: {  	(tag) =	ssettag $0x1  }
0x1: {  	s2 =	rddreg [dreg:$0x0]  }
0x2: {  	s1 =	rddreg [dreg:$0x1]  }
0x3: {  	s0 =	rddreg [dreg:$0x2];
	_ =	strace $0x80000047;
	s4 =	srdreg.scid  }
0x4: {  	s6 =	simm.s32 $0x2;
	s11 =	simm.s32 $0x0;
	p0 =	por $0x0, $0x0  }
.Ltmp0:
0x5: {  	s7 =	simm.s32 $0x1000;
	s12 =	simm.s32 $0x0;
	(pc) =	sbr.rel .LBB1_1-.Ltmp0, $4  }
0x6: {  	s9 =	simm.s32 $0x0;
	s3 =	sadd.s32 $0x1C00, s1;
	s5 =	sshll.u32 s4, $0x4  }
0x7: {  	s1 =	stileid.u32;
	s4 =	simm.s32 $0x1;
	s5 =	sand.u32 $0x10, s5  }
0x8: {  	s8 =	simm.s32 $0x0;
	[sflag:s4] =	ssyncpa.u1 $0x0;
	s5 =	sor.u32 s1, s5  }
0x9: {  	[sflag:s6] =	ssyncpa.u1 $0x0;
	s6 =	simm.s32 $0x800;
	s10 =	smov.u32 s5  }
.LBB1_7:
0xa: {  	s13 =	sadd.s32 $0x10, s9  }
0xb: {  	s11 =	sadd.s32 $0x20, s10;
	s15 =	smov.u32 s10;
	p2 =	sgt.s32 s13, $0x1F  }
0xc: {  	p1 =	slt.u32 s8, $0x2;
	s15 =	smov.u32 @p2 s11  }
0xd: {  	s8 =	sadd.s32 $0x1, s8;
	s13 =	simm.s32 @p2 $0x0;
	p2 =	sgt.s32 s15, $0x2FF  }
0xe: {  	s15 =	smov.u32 @p2 s5;
	p2 =	sne.s32 s8, $0x32  }
.Ltmp1:
0xf: {  	_ = 	snop;
	(pc) =	sbr.rel @!p2 .LBB1_8-.Ltmp1, $4  }
0x10: {  	s14 =	simm.s32 @!p1 $0x2  }
0x11: {  	s12 =	smov.u32 s10;
	_ =	swait.ge @!p1 [sflag:s14], $0x4000  }
0x12: {  	p0 =	por !p0, !p0;
	s11 =	smov.u32 s9;
	[sflag:s14] =	ssyncset.done @!p1 $0x0  }
0x13: {  	s9 =	smov.u32 s13;
	[sflag:s14] =	ssyncadd.s32 @!p1 $0xFFFFC000;
	s10 =	smov.u32 s15  }
.LBB1_1:
0x14: {  	p1 =	sgt.u32 s8, $0x2F  }
0x15: {  	s13 =	sxor.u32 @!p1 $0xFFFFFFFF, s8;
	s14 =	sshll.u32 @!p1 s10, $0xC  }
0x16: {  	s15 =	sshll.u32 @!p1 s9, $0x7;
	s13 =	sshll.u32 @!p1 s13, $0xE;
	s14 =	sadd.s32 @!p1 s2, s14  }
0x17: {  	s13 =	sand.u32 @!p1 $0x4000, s13;
	s14 =	sadd.s32 @!p1 s15, s14;
	s15 =	simm.s32 @!p1 $0x0  }
0x18: {  	[tilespmem:s13], [sflag:$0x1] =	stream.linear.gather @!p1 [hbm4b:s14+s15], $0x4000, $0x38;
	[tilespmem:$0x10000] =	vst v63  }
0x19: {  	p1 =	seq.s32 s8, $0x0  }
0x1a: {  	p2 =	seq.s32 @!p1 s8, $0x31  }
0x1b: {  	p1 =	por p1, p2  }
.Ltmp2:
0x1c: {  	_ = 	snop;
	(pc) =	sbr.rel @p1 .LBB1_7-.Ltmp2, $1  }
0x1d: {  	_ =	sdelay $0x3  }
0x1e: {  	s13 =	simm.s32 $0x1;
	_ =	swait.ge [sflag:s4], $0x4000;
	s16 =	sshll.u32 s8, $0xE  }
0x1f: {  	s13 =	simm.s32 @!p0 $0x0;
	[sflag:s4] =	ssyncset.done $0x0;
	s31 =	sand.u32 $0x4000, s16  }
0x20: {  	s16 =	simm.s32 $0x0;
	s14 =	sshll.u32 s13, $0xE;
	[sflag:s4] =	ssyncadd.s32 $0xFFFFC000  }
0x21: {  	s13 =	sor.u32 $0x8040, s14;
	s15 =	sor.u32 $0x40, s14;
	s14 =	sor.u32 $0x8000, s31  }
.LBB1_3:
0x22: {  	v0 =	vmov s15;
	_ =	sdelay $0x3  }
0x23: {  	s18 =	simm.s32 $0x0  }
0x24: {  	v6 =	vld.idx.msk [tilespmem:v0+s18+$0x30 ss:$0x1], $0xffff  }
0x25: {  	v7 =	vld.idx.msk [tilespmem:v0+s18+$0xFFFFFFC0 ss:$0x1], $0xffff  }
0x26: {  	v5 =	vld.idx.msk [tilespmem:v0+s18+$0xFFFFFFD0 ss:$0x1], $0xffff  }
0x27: {  	v4 =	vld.idx.msk [tilespmem:v0+s18+$0xFFFFFFE0 ss:$0x1], $0xffff  }
0x28: {  	v3 =	vld.idx.msk [tilespmem:v0+s18+$0xFFFFFFF0 ss:$0x1], $0xffff  }
0x29: {  	v1 =	vld.idx.msk [tilespmem:v0+s18+$0x0 ss:$0x1], $0xffff  }
0x2a: {  	v2 =	vld.idx.msk [tilespmem:v0+s18+$0x10 ss:$0x1], $0xffff;
	[tilespmem:s13+$0x30] =	vst v6  }
0x2b: {  	s17 =	simm.s32 $0x80;
	s19 =	simm.s32 $0x400;
	[tilespmem:s13+$0xFFFFFFC0] =	vst v7;
	v6 =	vld.idx.msk [tilespmem:v0+s18+$0x20 ss:$0x1], $0xffff;
	s18 =	smov.u32 s13  }
.LBB1_4:
0x2c: {  	p1 =	sne.s32 s19, $0xE00;
	v7 =	vld.idx.msk [tilespmem:v0+s17+$0x30 ss:$0x1], $0xffff;
	[tilespmem:s18+$0xFFFFFFD0] =	vst v5  }
0x2d: {  	v8 =	vld.idx.msk [tilespmem:v0+s17+$0xFFFFFFC0 ss:$0x1], $0xffff;
	[tilespmem:s18+$0xFFFFFFE0] =	vst v4  }
0x2e: {  	v5 =	vld.idx.msk [tilespmem:v0+s17+$0xFFFFFFD0 ss:$0x1], $0xffff;
	[tilespmem:s18+$0xFFFFFFF0] =	vst v3  }
.Ltmp3:
0x2f: {  	v4 =	vld.idx.msk [tilespmem:v0+s17+$0xFFFFFFE0 ss:$0x1], $0xffff;
	[tilespmem:s18+$0x0] =	vst v1;
	(pc) =	sbr.rel @p1 .LBB1_4-.Ltmp3, $4  }
0x30: {  	v3 =	vld.idx.msk [tilespmem:v0+s17+$0xFFFFFFF0 ss:$0x1], $0xffff;
	[tilespmem:s18+$0x10] =	vst v2  }
0x31: {  	v1 =	vld.idx.msk [tilespmem:v0+s17+$0x0 ss:$0x1], $0xffff;
	[tilespmem:s18+$0x20] =	vst v6;
	s18 =	sadd.s32 $0x800, s18  }
0x32: {  	v2 =	vld.idx.msk [tilespmem:v0+s17+$0x10 ss:$0x1], $0xffff;
	[tilespmem:s18+$0x30] =	vst v7  }
0x33: {  	[tilespmem:s18+$0xFFFFFFC0] =	vst v8;
	v6 =	vld.idx.msk [tilespmem:v0+s17+$0x20 ss:$0x1], $0xffff;
	s17 =	sshra.s32 s19, $0x2;
	s19 =	sadd.s32 $0x200, s19  }
0x34: {  	_ =	sdelay $0x2  }
0x35: {  	[tilespmem:s18+$0xFFFFFFD0] =	vst v5  }
0x36: {  	v56 =	vld.idx.msk [tilespmem:v0+s17+$0x30 ss:$0x1], $0xffff;
	[tilespmem:s18+$0xFFFFFFE0] =	vst v4  }
0x37: {  	v57 =	vld.idx.msk [tilespmem:v0+s17+$0xFFFFFFC0 ss:$0x1], $0xffff;
	[tilespmem:s18+$0xFFFFFFF0] =	vst v3  }
0x38: {  	v58 =	vld.idx.msk [tilespmem:v0+s17+$0xFFFFFFD0 ss:$0x1], $0xffff;
	[tilespmem:s18+$0x0] =	vst v1  }
0x39: {  	v59 =	vld.idx.msk [tilespmem:v0+s17+$0xFFFFFFE0 ss:$0x1], $0xffff;
	[tilespmem:s18+$0x10] =	vst v2  }
0x3a: {  	v60 =	vld.idx.msk [tilespmem:v0+s17+$0xFFFFFFF0 ss:$0x1], $0xffff;
	s31 =	sadd.s32 $0x800, s18;
	[tilespmem:s18+$0x20] =	vst v6  }
0x3b: {  	v61 =	vld.idx.msk [tilespmem:v0+s17+$0x0 ss:$0x1], $0xffff;
	[tilespmem:s31+$0x30] =	vst v56  }
0x3c: {  	v62 =	vld.idx.msk [tilespmem:v0+s17+$0x10 ss:$0x1], $0xffff;
	s16 =	sadd.s32 $0x1, s16;
	[tilespmem:s31+$0xFFFFFFC0] =	vst v57  }
0x3d: {  	v63 =	vld.idx.msk [tilespmem:v0+s17+$0x20 ss:$0x1], $0xffff;
	p1 =	sne.s32 s16, $0x10;
	[tilespmem:s31+$0xFFFFFFD0] =	vst v58  }
.Ltmp4:
0x3e: {  	[tilespmem:s31+$0xFFFFFFE0] =	vst v59;
	(pc) =	sbr.rel @p1 .LBB1_3-.Ltmp4, $4  }
0x3f: {  	[tilespmem:s31+$0xFFFFFFF0] =	vst v60  }
0x40: {  	[tilespmem:s31+$0x0] =	vst v61  }
0x41: {  	[tilespmem:s31+$0x10] =	vst v62  }
0x42: {  	s13 =	sadd.s32 $0x80, s13;
	s15 =	sadd.s32 $0x400, s15;
	[tilespmem:s31+$0x20] =	vst v63  }
.Ltmp5:
0x43: {  	(pc) =	sbr.rel .LBB1_7-.Ltmp5, $4  }
0x44: {  	s12 =	sshll.u32 s12, $0xC;
	s11 =	sshll.u32 s11, $0x4  }
0x45: {  	s11 =	sand.u32 $0x1F0, s11;
	s12 =	sadd.s32 s3, s12  }
0x46: {  	s11 =	sadd.s32 s11, s12  }
0x47: {  	[hbm4b:s11+s6] =	stream.strided.scatter [tilespmem:s14], [sflag:$0x2], $0x4000, s7, s6, $0x38;
	[tilespmem:$0x10000] =	vst v63  }
.LBB1_8:
0x48: {  	_ =	sfence.sel $0x180000  }
0x49: {  	s2 =	simm.s32 $0x1;
	[bflag:$0x0] =	sbarrier.arrive $0xFFFF  }
0x4a: {  	s31 =	simm.s32 $0x2;
	[sflag:s2] =	ssyncpa.u1 $0x1  }
0x4b: {  	[sflag:s31] =	ssyncpa.u1 $0x1  }
0x4c: {  	p0 =	sne.s32 s1, $0x0;
	_ =	strace $0x90000047  }
0x4d: {  	s0 =	sadd.s32 @!p0 $0x100000, s0;
	[bflag:$0x2] =	sbarrier.arrive $0xFFFF  }
0x4e: {  	[sflag:s0] =	ssyncadd.tile.s32 @!p0 $0x1;
	_ =	shalt  }
.Lfunc_end1:
_tile_overlayer_lowered:
.L_overlay_start_2:
0x4f: {  	(tag) =	ssettag $0x2  }
0x50: {  	s0 =	rddreg [dreg:$0x0];
	s2 =	stileid.u32  }
0x51: {  	s1 =	rddreg [dreg:$0x1];
	p0 =	sne.s32 s2, $0x0  }
0x52: {  	s3 =	rddreg [dreg:$0x2];
	[bflag:$0x3] =	sbarrier.arrive $0xFFFF;
	s2 =	simm.s32 @!p0 $0x1C01  }
0x53: {  	[timem:s3], [sflag:s2] =	dma.local @!p0 [hbm:s0], s1  }
0x54: {  	s0 =	simm.s32 @!p0 $0x1  }
0x55: {  	_ =	swait.ge @!p0 [sflag:s0], s1  }
0x56: {  	s1 =	ssub.s32 @!p0 $0x0, s1;
	[sflag:s0] =	ssyncset.done @!p0 $0x0  }
0x57: {  	[sflag:s0] =	ssyncadd.s32 @!p0 s1  }
0x58: {  	[bflag:$0x3] =	sbarrier.arrive $0xFFFF  }
0x59: {  	_ =	shalt  }

</sc_bundles>
